<compile_context>
chip_gen: v7x
topology: tpu7x:2x2x1
jax: 0.10.2.dev20260603
libtpu: 0.0.44.dev20260713+nightly
codegen_flags: <defaults>
</compile_context>

<pallas_src>
import functools

import jax
import jax.numpy as jnp
import numpy as np
from jax import lax
from jax.experimental import pallas as pl
from jax.experimental.pallas import tpu as pltpu
from jax.experimental.pallas import tpu_sc as plsc

T, B, D = 8192, 4, 1024
N = T * B
NC, NS, L = 2, 16, 16
NW = NC * NS
T_TC = 4096
T_SC = T - T_TC
N_SC = T_SC * B
T_PER_W = T_SC // NW
KT = 4
K = KT * B
NCHUNK = T_PER_W // KT
NBUF = 2
TBLK = 256
N_BASE = 10000.0


def _cumsum_body(f_ref, idx_ref):
    f = f_ref[...]
    t = lax.broadcasted_iota(jnp.int32, (T, B), 0)
    c = jnp.where(t == 0, 0, f.astype(jnp.int32))
    k = 1
    while k < T:
        z = jnp.zeros((k, B), jnp.int32)
        c = c + jnp.concatenate([z, c[:-k, :]], axis=0)
        k *= 2
    idx_ref[...] = c


def _cumsum(flags):
    return pl.pallas_call(
        _cumsum_body,
        out_shape=jax.ShapeDtypeStruct((T, B), jnp.int32),
    )(flags)


def _sc_body(idx_hbm, x_hbm, tbl_hbm, out_hbm, idx_v, *bufs):
    pe = bufs[0:NBUF]
    xb = bufs[NBUF:2 * NBUF]
    gsem = bufs[2 * NBUF:3 * NBUF]
    xsem = bufs[3 * NBUF:4 * NBUF]
    osem = bufs[4 * NBUF:5 * NBUF]
    cc = lax.axis_index("c")
    ss = lax.axis_index("s")
    wid = ss * NC + cc
    t0 = T_TC + wid * T_PER_W
    base = (t0 - T_TC) * B

    pltpu.sync_copy(idx_hbm.at[pl.ds(base, T_PER_W * B)], idx_v)

    def issue_in(g, b):
        pltpu.async_copy(tbl_hbm.at[idx_v.at[pl.ds(g * K, K)]], pe[b], gsem[b])
        pltpu.async_copy(x_hbm.at[pl.ds(t0 + g * KT, KT)], xb[b], xsem[b])

    def process(g, b, prefetch_b):
        @pl.when(g >= 1)
        def _():
            pltpu.make_async_copy(xb[prefetch_b], out_hbm.at[pl.ds(t0, KT)],
                                  osem[prefetch_b]).wait()

        @pl.when(g + NBUF - 1 < NCHUNK)
        def _():
            issue_in(g + NBUF - 1, prefetch_b)

        pltpu.make_async_copy(x_hbm.at[pl.ds(t0, KT)], pe[b], gsem[b]).wait()
        pltpu.make_async_copy(x_hbm.at[pl.ds(t0, KT)], xb[b], xsem[b]).wait()

        def add_row(r, _):
            t = r // B
            bb = lax.rem(r, B)
            for j in range(D // L):
                sl = pl.ds(j * L, L)
                plsc.addupdate(xb[b].at[t, bb, sl], pe[b][r, sl])
            return 0

        lax.fori_loop(0, K, add_row, 0)
        pltpu.async_copy(xb[b], out_hbm.at[pl.ds(t0 + g * KT, KT)], osem[b])

    for b in range(NBUF - 1):
        issue_in(b, b)

    def group(p, _):
        for b in range(NBUF):
            g = p * NBUF + b
            process(g, b, (b + NBUF - 1) % NBUF)
        return 0

    lax.fori_loop(0, NCHUNK // NBUF, group, 0)
    for g in range(NCHUNK - NCHUNK % NBUF, NCHUNK):
        process(g, g % NBUF, (g + NBUF - 1) % NBUF)
    bl = (NCHUNK - 1) % NBUF
    pltpu.make_async_copy(xb[bl], out_hbm.at[pl.ds(t0, KT)], osem[bl]).wait()


def _sc_gather_add(idx, x, tbl):
    mesh = plsc.VectorSubcoreMesh(core_axis_name="c", subcore_axis_name="s")
    fn = functools.partial(
        pl.kernel,
        mesh=mesh,
        out_type=jax.ShapeDtypeStruct((T, B, D), jnp.float32),
        scratch_types=(
            [pltpu.VMEM((T_PER_W * B,), jnp.int32)]
            + [pltpu.VMEM((K, D), jnp.float32) for _ in range(NBUF)]
            + [pltpu.VMEM((KT, B, D), jnp.float32) for _ in range(NBUF)]
            + [pltpu.SemaphoreType.DMA for _ in range(3 * NBUF)]
        ),
    )(_sc_body)
    return fn(idx, x, tbl)


TSPAN = TBLK + 8


def _aligned_base(s):
    return pl.multiple_of((s >> 3) << 3, 8)


def _mm_body(starts_sm, c_ref, x_ref, tbl_ref, out_ref, slc, sems):
    i = pl.program_id(0)
    nblk = pl.num_programs(0)

    def issue(j, buf):
        for bb in range(B):
            c0 = _aligned_base(starts_sm[j, bb])
            pltpu.make_async_copy(tbl_ref.at[pl.ds(c0, TSPAN)],
                                  slc.at[buf, bb], sems.at[buf, bb]).start()

    @pl.when(i == 0)
    def _():
        issue(0, 0)

    @pl.when(i + 1 < nblk)
    def _():
        issue(i + 1, (i + 1) % 2)

    buf = i % 2
    for bb in range(B):
        pltpu.make_async_copy(tbl_ref.at[pl.ds(0, TSPAN)],
                              slc.at[buf, bb], sems.at[buf, bb]).wait()
    sidx = lax.broadcasted_iota(jnp.int32, (TBLK, TSPAN), 1)
    for bb in range(B):
        c0 = _aligned_base(starts_sm[i, bb])
        local = c_ref[:, bb] - c0
        onehot = (local[:, None] == sidx).astype(jnp.float32)
        pe = jnp.dot(onehot, slc[buf, bb],
                     preferred_element_type=jnp.float32,
                     precision=lax.Precision.HIGHEST)
        out_ref[:, bb, :] = x_ref[:, bb, :] + pe


def _mm_gather_add(starts, cum, x, tbl):
    nblk = T_TC // TBLK
    grid_spec = pltpu.PrefetchScalarGridSpec(
        num_scalar_prefetch=1,
        grid=(nblk,),
        in_specs=[
            pl.BlockSpec((TBLK, B), lambda i, s: (i, 0)),
            pl.BlockSpec((TBLK, B, D), lambda i, s: (i, 0, 0)),
            pl.BlockSpec(memory_space=pl.ANY),
        ],
        out_specs=pl.BlockSpec((TBLK, B, D), lambda i, s: (i, 0, 0)),
        scratch_shapes=[
            pltpu.VMEM((2, B, TSPAN, D), jnp.float32),
            pltpu.SemaphoreType.DMA((2, B)),
        ],
    )
    return pl.pallas_call(
        _mm_body,
        grid_spec=grid_spec,
        out_shape=jax.ShapeDtypeStruct((T_TC, B, D), jnp.float32),
    )(starts, cum, x, tbl)


def kernel(x_original, x_projected_to_d_model, pe_table):
    flags = x_original[:, :, -1]
    cum = _cumsum(flags)
    idx = cum[T_TC:].reshape(N_SC)
    sc_out = _sc_gather_add(idx, x_projected_to_d_model, pe_table)
    starts = cum[:T_TC:TBLK, :]
    tc_half = _mm_gather_add(starts, cum, x_projected_to_d_model, pe_table)
    return lax.dynamic_update_slice(sc_out, tc_half, (0, 0, 0))

# --- scband reference (transcript-rebuilt; emitter-appended) ---
"""Pipeline reference for scband-plane-positional-encoding-90159953478373 (READ-ONLY COPY).

The authoritative reference and input builder live on the scoring server;
editing this copy changes nothing except your own understanding.
"""

import jax, jax.numpy as jnp
import numpy as np

D_MODEL = 1024
MAX_SEQ = 8192
N_BASE = 10000
T, B, IN_SIZE = 8192, 4, 16

def _build_table():
    positions = np.arange(MAX_SEQ + 1, dtype=np.float32)[:, None]
    div_term = np.exp(np.arange(0, D_MODEL, 2, dtype=np.float32) * (-np.log(N_BASE) / D_MODEL))
    table = np.zeros((MAX_SEQ + 1, D_MODEL), dtype=np.float32)
    table[:, 0::2] = np.sin(positions * div_term)
    table[:, 1::2] = np.cos(positions * div_term)
    return jnp.asarray(table)

def setup_inputs(seed: int = 0):
    key = jax.random.key(seed)
    k1, k2 = jax.random.split(key)
    x_original = jax.random.randint(k1, (T, B, IN_SIZE), 0, 2).astype(jnp.float32)
    x_projected = jax.random.normal(k2, (T, B, D_MODEL), dtype=jnp.float32)
    return {
        'x_original': x_original,
        'x_projected_to_d_model': x_projected,
        'pe_table': _build_table(),
    }

def reference(x_original, x_projected_to_d_model, pe_table):
    # first_timestep_is_not_a_loop=True, ignore_plane_flags=False (defaults)
    levelup_flags = x_original[:, :, -1]
    levelup_flags = levelup_flags.at[0].set(0.0)
    cumulative_levelups = jnp.cumsum(levelup_flags.astype(jnp.int32), axis=0)
    # first_timestep_is_not_a_loop=True -> subtract 0 from indices
    pos_embed_additive = jnp.take(pe_table, cumulative_levelups, axis=0)
    return x_projected_to_d_model + pos_embed_additive

if __name__ == "__main__":
    import jax
    _d = setup_inputs()
    print(jax.jit(kernel)(*tuple(_d.values())))

</pallas_src>

<mosaic_0001>
#map = affine_map<(d0, d1) -> (0)>
#map1 = affine_map<(d0, d1) -> (0, 0, 0)>
#map2 = affine_map<(d0, d1) -> (0, 0)>
module attributes {stable_mosaic.version = 14 : i64} {
  func.func @_sc_body(%arg0: i32, %arg1: i32, %arg2: memref<16384xi32, #tpu.memory_space<hbm>>, %arg3: memref<8192x4x1024xf32, #tpu.memory_space<hbm>>, %arg4: memref<8193x1024xf32, #tpu.memory_space<hbm>>, %arg5: memref<8192x4x1024xf32, #tpu.memory_space<hbm>>, %arg6: memref<512xi32, #tpu.memory_space<vmem>>, %arg7: memref<16x1024xf32, #tpu.memory_space<vmem>>, %arg8: memref<16x1024xf32, #tpu.memory_space<vmem>>, %arg9: memref<4x4x1024xf32, #tpu.memory_space<vmem>>, %arg10: memref<4x4x1024xf32, #tpu.memory_space<vmem>>, %arg11: memref<!tpu.dma_semaphore, #tpu.memory_space<semaphore_mem>>, %arg12: memref<!tpu.dma_semaphore, #tpu.memory_space<semaphore_mem>>, %arg13: memref<!tpu.dma_semaphore, #tpu.memory_space<semaphore_mem>>, %arg14: memref<!tpu.dma_semaphore, #tpu.memory_space<semaphore_mem>>, %arg15: memref<!tpu.dma_semaphore, #tpu.memory_space<semaphore_mem>>, %arg16: memref<!tpu.dma_semaphore, #tpu.memory_space<semaphore_mem>>) attributes {dimension_semantics = [#tpu.dimension_semantics<core_parallel>, #tpu.dimension_semantics<subcore_parallel>], iteration_bounds = array<i64: 2, 16>, scalar_prefetch = 0 : i64, scratch_operands = 11 : i64, tpu.core_type = #tpu.core_type<sc_vector_subcore>, window_params = [{transform_indices = #map}, {transform_indices = #map1}, {transform_indices = #map2}, {transform_indices = #map1}]} {
    %mul3A = arith.constant 2 : i32
    %mul3A_0 = arith.muli %arg1, %mul3A : i32
    %add3A = arith.addi %mul3A_0, %arg0 : i32
    %mul3A_1 = arith.constant 128 : i32
    %mul3A_2 = arith.muli %add3A, %mul3A_1 : i32
    %add3A_3 = arith.constant 4096 : i32
    %add3A_4 = arith.addi %add3A_3, %mul3A_2 : i32
    %sub3A = arith.constant 4096 : i32
    %sub3A_5 = arith.subi %add3A_4, %sub3A : i32
    %mul3A_6 = arith.constant 4 : i32
    %mul3A_7 = arith.muli %sub3A_5, %mul3A_6 : i32
    "tpu.region"() ({
      %run_scoped3A = tpu.sem_alloc : memref<!tpu.dma_semaphore, #tpu.memory_space<semaphore_mem>>
      %dma_start3A_31 = tpu.memref_slice %arg2[%mul3A_7] : memref<16384xi32, #tpu.memory_space<hbm>> -> memref<512xi32, #tpu.memory_space<hbm>>
      %dma_start3A_32 = tpu.memref_slice %arg2[%mul3A_7] : memref<16384xi32, #tpu.memory_space<hbm>> -> memref<512xi32, #tpu.memory_space<hbm>>
      tpu.enqueue_dma source(%dma_start3A_32 : memref<512xi32, #tpu.memory_space<hbm>>) target(%arg6 : memref<512xi32, #tpu.memory_space<vmem>>) target_semaphore(%run_scoped3A : memref<!tpu.dma_semaphore, #tpu.memory_space<semaphore_mem>>)
      %dma_wait3A_33 = tpu.memref_slice %arg2[%mul3A_7] : memref<16384xi32, #tpu.memory_space<hbm>> -> memref<512xi32, #tpu.memory_space<hbm>>
      %dma_wait3A_34 = tpu.memref_slice %arg2[%mul3A_7] : memref<16384xi32, #tpu.memory_space<hbm>> -> memref<512xi32, #tpu.memory_space<hbm>>
      tpu.wait_dma2 semaphore(%run_scoped3A : memref<!tpu.dma_semaphore, #tpu.memory_space<semaphore_mem>>) src(%dma_wait3A_34 : memref<512xi32, #tpu.memory_space<hbm>>) dst(%arg6 : memref<512xi32, #tpu.memory_space<vmem>>)
      tpu.yield
    }) : () -> ()
    %dma_start3A = arith.constant 0 : i32
    %dma_start3A_8 = tpu.memref_slice %arg6[%dma_start3A] : memref<512xi32, #tpu.memory_space<vmem>> -> memref<16xi32, #tpu.memory_space<vmem>>
    %dma_start3A_9 = arith.constant 0 : i32
    %dma_start3A_10 = arith.constant 0 : i32
    %dma_start3A_11 = tpu.memref_slice %arg4[%dma_start3A_9, %dma_start3A_10] : memref<8193x1024xf32, #tpu.memory_space<hbm>> -> memref<8193x1024xf32, #tpu.memory_space<hbm>>
    tpu.enqueue_indirect_dma source(%dma_start3A_11 : memref<8193x1024xf32, #tpu.memory_space<hbm>>) target(%arg7 : memref<16x1024xf32, #tpu.memory_space<vmem>>) offsets(%dma_start3A_8 : memref<16xi32, #tpu.memory_space<vmem>>) semaphore(%arg11 : memref<!tpu.dma_semaphore, #tpu.memory_space<semaphore_mem>>)
    %add3A_12 = arith.constant 0 : i32
    %add3A_13 = arith.addi %add3A_4, %add3A_12 : i32
    %dma_start3A_14 = arith.constant 0 : i32
    %dma_start3A_15 = arith.constant 0 : i32
    %dma_start3A_16 = tpu.memref_slice %arg3[%add3A_13, %dma_start3A_14, %dma_start3A_15] : memref<8192x4x1024xf32, #tpu.memory_space<hbm>> -> memref<4x4x1024xf32, #tpu.memory_space<hbm>>
    %dma_start3A_17 = arith.constant 0 : i32
    %dma_start3A_18 = arith.constant 0 : i32
    %dma_start3A_19 = tpu.memref_slice %arg3[%add3A_13, %dma_start3A_17, %dma_start3A_18] : memref<8192x4x1024xf32, #tpu.memory_space<hbm>> -> memref<4x4x1024xf32, #tpu.memory_space<hbm>>
    tpu.enqueue_dma source(%dma_start3A_19 : memref<4x4x1024xf32, #tpu.memory_space<hbm>>) target(%arg9 : memref<4x4x1024xf32, #tpu.memory_space<vmem>>) target_semaphore(%arg13 : memref<!tpu.dma_semaphore, #tpu.memory_space<semaphore_mem>>)
    %scan3A = arith.constant 0 : i32
    %scan3A_20 = arith.constant 0 : i32
    %scan3A_21 = arith.constant 16 : i32
    %scan3A_22 = arith.addi %scan3A_20, %scan3A_21 : i32
    %scan3A_23 = arith.constant 1 : i32
    %scan3A_24 = scf.for %scan3A_31 = %scan3A_20 to %scan3A_22 step %scan3A_23 iter_args(%scan3A_32 = %scan3A) -> (i32)  : i32 {
      %mul3A_33 = arith.constant 2 : i32
      %mul3A_34 = arith.muli %scan3A_31, %mul3A_33 : i32
      %add3A_35 = arith.constant 0 : i32
      %add3A_36 = arith.addi %mul3A_34, %add3A_35 : i32
      %ge3A = arith.constant 1 : i32
      %ge3A_37 = arith.cmpi sge, %add3A_36, %ge3A : i32
      %convert_element_type3A = arith.extui %ge3A_37 : i1 to i32
      %cond3A = arith.constant 0 : i32
      %cond3A_38 = arith.cmpi ne, %convert_element_type3A, %cond3A : i32
      scf.if %cond3A_38 {
        %dma_wait3A_122 = arith.constant 0 : i32
        %dma_wait3A_123 = arith.constant 0 : i32
        %dma_wait3A_124 = tpu.memref_slice %arg5[%add3A_4, %dma_wait3A_122, %dma_wait3A_123] : memref<8192x4x1024xf32, #tpu.memory_space<hbm>> -> memref<4x4x1024xf32, #tpu.memory_space<hbm>>
        %dma_wait3A_125 = arith.constant 0 : i32
        %dma_wait3A_126 = arith.constant 0 : i32
        %dma_wait3A_127 = tpu.memref_slice %arg5[%add3A_4, %dma_wait3A_125, %dma_wait3A_126] : memref<8192x4x1024xf32, #tpu.memory_space<hbm>> -> memref<4x4x1024xf32, #tpu.memory_space<hbm>>
        tpu.wait_dma2 semaphore(%arg16 : memref<!tpu.dma_semaphore, #tpu.memory_space<semaphore_mem>>) src(%arg10 : memref<4x4x1024xf32, #tpu.memory_space<vmem>>) dst(%dma_wait3A_127 : memref<4x4x1024xf32, #tpu.memory_space<hbm>>)
      } else {
      }
      %add3A_39 = arith.constant 2 : i32
      %add3A_40 = arith.addi %add3A_36, %add3A_39 : i32
      %sub3A_41 = arith.constant 1 : i32
      %sub3A_42 = arith.subi %add3A_40, %sub3A_41 : i32
      %lt3A = arith.constant 32 : i32
      %lt3A_43 = arith.cmpi slt, %sub3A_42, %lt3A : i32
      %convert_element_type3A_44 = arith.extui %lt3A_43 : i1 to i32
      %cond3A_45 = arith.constant 0 : i32
      %cond3A_46 = arith.cmpi ne, %convert_element_type3A_44, %cond3A_45 : i32
      scf.if %cond3A_46 {
        %add3A_122 = arith.constant 2 : i32
        %add3A_123 = arith.addi %add3A_36, %add3A_122 : i32
        %sub3A_124 = arith.constant 1 : i32
        %sub3A_125 = arith.subi %add3A_123, %sub3A_124 : i32
        %mul3A_126 = arith.constant 16 : i32
        %mul3A_127 = arith.muli %sub3A_125, %mul3A_126 : i32
        %dma_start3A_128 = tpu.memref_slice %arg6[%mul3A_127] : memref<512xi32, #tpu.memory_space<vmem>> -> memref<16xi32, #tpu.memory_space<vmem>>
        %dma_start3A_129 = arith.constant 0 : i32
        %dma_start3A_130 = arith.constant 0 : i32
        %dma_start3A_131 = tpu.memref_slice %arg4[%dma_start3A_129, %dma_start3A_130] : memref<8193x1024xf32, #tpu.memory_space<hbm>> -> memref<8193x1024xf32, #tpu.memory_space<hbm>>
        tpu.enqueue_indirect_dma source(%dma_start3A_131 : memref<8193x1024xf32, #tpu.memory_space<hbm>>) target(%arg8 : memref<16x1024xf32, #tpu.memory_space<vmem>>) offsets(%dma_start3A_128 : memref<16xi32, #tpu.memory_space<vmem>>) semaphore(%arg12 : memref<!tpu.dma_semaphore, #tpu.memory_space<semaphore_mem>>)
        %mul3A_132 = arith.constant 4 : i32
        %mul3A_133 = arith.muli %sub3A_125, %mul3A_132 : i32
        %add3A_134 = arith.addi %add3A_4, %mul3A_133 : i32
        %dma_start3A_135 = arith.constant 0 : i32
        %dma_start3A_136 = arith.constant 0 : i32
        %dma_start3A_137 = tpu.memref_slice %arg3[%add3A_134, %dma_start3A_135, %dma_start3A_136] : memref<8192x4x1024xf32, #tpu.memory_space<hbm>> -> memref<4x4x1024xf32, #tpu.memory_space<hbm>>
        %dma_start3A_138 = arith.constant 0 : i32
        %dma_start3A_139 = arith.constant 0 : i32
        %dma_start3A_140 = tpu.memref_slice %arg3[%add3A_134, %dma_start3A_138, %dma_start3A_139] : memref<8192x4x1024xf32, #tpu.memory_space<hbm>> -> memref<4x4x1024xf32, #tpu.memory_space<hbm>>
        tpu.enqueue_dma source(%dma_start3A_140 : memref<4x4x1024xf32, #tpu.memory_space<hbm>>) target(%arg10 : memref<4x4x1024xf32, #tpu.memory_space<vmem>>) target_semaphore(%arg14 : memref<!tpu.dma_semaphore, #tpu.memory_space<semaphore_mem>>)
      } else {
      }
      %dma_wait3A_47 = arith.constant 0 : i32
      %dma_wait3A_48 = arith.constant 0 : i32
      %dma_wait3A_49 = tpu.memref_slice %arg3[%add3A_4, %dma_wait3A_47, %dma_wait3A_48] : memref<8192x4x1024xf32, #tpu.memory_space<hbm>> -> memref<4x4x1024xf32, #tpu.memory_space<hbm>>
      %dma_wait3A_50 = arith.constant 0 : i32
      %dma_wait3A_51 = arith.constant 0 : i32
      %dma_wait3A_52 = tpu.memref_slice %arg3[%add3A_4, %dma_wait3A_50, %dma_wait3A_51] : memref<8192x4x1024xf32, #tpu.memory_space<hbm>> -> memref<4x4x1024xf32, #tpu.memory_space<hbm>>
      tpu.wait_dma2 semaphore(%arg11 : memref<!tpu.dma_semaphore, #tpu.memory_space<semaphore_mem>>) src(%dma_wait3A_52 : memref<4x4x1024xf32, #tpu.memory_space<hbm>>) dst(%arg7 : memref<16x1024xf32, #tpu.memory_space<vmem>>)
      %dma_wait3A_53 = arith.constant 0 : i32
      %dma_wait3A_54 = arith.constant 0 : i32
      %dma_wait3A_55 = tpu.memref_slice %arg3[%add3A_4, %dma_wait3A_53, %dma_wait3A_54] : memref<8192x4x1024xf32, #tpu.memory_space<hbm>> -> memref<4x4x1024xf32, #tpu.memory_space<hbm>>
      %dma_wait3A_56 = arith.constant 0 : i32
      %dma_wait3A_57 = arith.constant 0 : i32
      %dma_wait3A_58 = tpu.memref_slice %arg3[%add3A_4, %dma_wait3A_56, %dma_wait3A_57] : memref<8192x4x1024xf32, #tpu.memory_space<hbm>> -> memref<4x4x1024xf32, #tpu.memory_space<hbm>>
      tpu.wait_dma2 semaphore(%arg13 : memref<!tpu.dma_semaphore, #tpu.memory_space<semaphore_mem>>) src(%dma_wait3A_58 : memref<4x4x1024xf32, #tpu.memory_space<hbm>>) dst(%arg9 : memref<4x4x1024xf32, #tpu.memory_space<vmem>>)
      %scan3A_59 = arith.constant 0 : i32
      %scan3A_60 = arith.constant 0 : i32
      %scan3A_61 = arith.constant 16 : i32
      %scan3A_62 = arith.addi %scan3A_60, %scan3A_61 : i32
      %scan3A_63 = arith.constant 1 : i32
      %scan3A_64 = scf.for %scan3A_122 = %scan3A_60 to %scan3A_62 step %scan3A_63 iter_args(%scan3A_123 = %scan3A_59) -> (i32)  : i32 {
        %jit3A = arith.constant 4 : i32
        %div3A = arith.divsi %scan3A_122, %jit3A : i32
        %sign3A = arith.constant 0 : i32
        %sign3A_124 = arith.cmpi sgt, %scan3A_122, %sign3A : i32
        %sign3A_125 = arith.extui %sign3A_124 : i1 to i32
        %sign3A_126 = arith.constant 0 : i32
        %sign3A_127 = arith.cmpi slt, %scan3A_122, %sign3A_126 : i32
        %sign3A_128 = arith.extui %sign3A_127 : i1 to i32
        %sign3A_129 = arith.subi %sign3A_125, %sign3A_128 : i32
        %sign3A_130 = arith.constant 0 : i32
        %sign3A_131 = arith.cmpi sgt, %jit3A, %sign3A_130 : i32
        %sign3A_132 = arith.extui %sign3A_131 : i1 to i32
        %sign3A_133 = arith.constant 0 : i32
        %sign3A_134 = arith.cmpi slt, %jit3A, %sign3A_133 : i32
        %sign3A_135 = arith.extui %sign3A_134 : i1 to i32
        %sign3A_136 = arith.subi %sign3A_132, %sign3A_135 : i32
        %ne3A = arith.cmpi ne, %sign3A_129, %sign3A_136 : i32
        %rem3A = arith.remsi %scan3A_122, %jit3A : i32
        %ne3A_137 = arith.constant 0 : i32
        %ne3A_138 = arith.cmpi ne, %rem3A, %ne3A_137 : i32
        %and3A = arith.andi %ne3A, %ne3A_138 : i1
        %sub3A_139 = arith.constant 1 : i32
        %sub3A_140 = arith.subi %div3A, %sub3A_139 : i32
        %select_n3A = arith.select %and3A, %sub3A_140, %div3A : i32
        %rem3A_141 = arith.constant 4 : i32
        %rem3A_142 = arith.remsi %scan3A_122, %rem3A_141 : i32
        %get3A = arith.index_cast %scan3A_122 : i32 to index
        %get3A_143 = arith.constant 0 : index
        %get3A_144 = tpu.vector_load %arg7[%get3A, %get3A_143] {strides = array<i32>} : memref<16x1024xf32, #tpu.memory_space<vmem>>, vector<1x16xf32>,
        %get3A_145 = vector.shape_cast %get3A_144 : vector<1x16xf32> to vector<16xf32>
        %swap3A = arith.index_cast %select_n3A : i32 to index
        %swap3A_146 = arith.index_cast %rem3A_142 : i32 to index
        %swap3A_147 = arith.constant 0 : index
        %swap3A_148 = tpu.vector_load %arg9[%swap3A, %swap3A_146, %swap3A_147] {strides = array<i32>} : memref<4x4x1024xf32, #tpu.memory_space<vmem>>, vector<1x1x16xf32>,
        %swap3A_149 = vector.shape_cast %swap3A_148 : vector<1x1x16xf32> to vector<16xf32>
        %swap3A_150 = vector.shape_cast %get3A_145 : vector<16xf32> to vector<1x1x16xf32>
        tpu.vector_store %arg9[%swap3A, %swap3A_146, %swap3A_147], %swap3A_150 {add = true, strides = array<i32>} : memref<4x4x1024xf32, #tpu.memory_space<vmem>>, vector<1x1x16xf32>,
        %get3A_151 = arith.index_cast %scan3A_122 : i32 to index
        %get3A_152 = arith.constant 16 : index
        %get3A_153 = tpu.vector_load %arg7[%get3A_151, %get3A_152] {strides = array<i32>} : memref<16x1024xf32, #tpu.memory_space<vmem>>, vector<1x16xf32>,
        %get3A_154 = vector.shape_cast %get3A_153 : vector<1x16xf32> to vector<16xf32>
        %swap3A_155 = arith.index_cast %select_n3A : i32 to index
        %swap3A_156 = arith.index_cast %rem3A_142 : i32 to index
        %swap3A_157 = arith.constant 16 : index
        %swap3A_158 = tpu.vector_load %arg9[%swap3A_155, %swap3A_156, %swap3A_157] {strides = array<i32>} : memref<4x4x1024xf32, #tpu.memory_space<vmem>>, vector<1x1x16xf32>,
        %swap3A_159 = vector.shape_cast %swap3A_158 : vector<1x1x16xf32> to vector<16xf32>
        %swap3A_160 = vector.shape_cast %get3A_154 : vector<16xf32> to vector<1x1x16xf32>
        tpu.vector_store %arg9[%swap3A_155, %swap3A_156, %swap3A_157], %swap3A_160 {add = true, strides = array<i32>} : memref<4x4x1024xf32, #tpu.memory_space<vmem>>, vector<1x1x16xf32>,
        %get3A_161 = arith.index_cast %scan3A_122 : i32 to index
        %get3A_162 = arith.constant 32 : index
        %get3A_163 = tpu.vector_load %arg7[%get3A_161, %get3A_162] {strides = array<i32>} : memref<16x1024xf32, #tpu.memory_space<vmem>>, vector<1x16xf32>,
        %get3A_164 = vector.shape_cast %get3A_163 : vector<1x16xf32> to vector<16xf32>
        %swap3A_165 = arith.index_cast %select_n3A : i32 to index
        %swap3A_166 = arith.index_cast %rem3A_142 : i32 to index
        %swap3A_167 = arith.constant 32 : index
        %swap3A_168 = tpu.vector_load %arg9[%swap3A_165, %swap3A_166, %swap3A_167] {strides = array<i32>} : memref<4x4x1024xf32, #tpu.memory_space<vmem>>, vector<1x1x16xf32>,
        %swap3A_169 = vector.shape_cast %swap3A_168 : vector<1x1x16xf32> to vector<16xf32>
        %swap3A_170 = vector.shape_cast %get3A_164 : vector<16xf32> to vector<1x1x16xf32>
        tpu.vector_store %arg9[%swap3A_165, %swap3A_166, %swap3A_167], %swap3A_170 {add = true, strides = array<i32>} : memref<4x4x1024xf32, #tpu.memory_space<vmem>>, vector<1x1x16xf32>,
        %get3A_171 = arith.index_cast %scan3A_122 : i32 to index
        %get3A_172 = arith.constant 48 : index
        %get3A_173 = tpu.vector_load %arg7[%get3A_171, %get3A_172] {strides = array<i32>} : memref<16x1024xf32, #tpu.memory_space<vmem>>, vector<1x16xf32>,
        %get3A_174 = vector.shape_cast %get3A_173 : vector<1x16xf32> to vector<16xf32>
        %swap3A_175 = arith.index_cast %select_n3A : i32 to index
        %swap3A_176 = arith.index_cast %rem3A_142 : i32 to index
        %swap3A_177 = arith.constant 48 : index
        %swap3A_178 = tpu.vector_load %arg9[%swap3A_175, %swap3A_176, %swap3A_177] {strides = array<i32>} : memref<4x4x1024xf32, #tpu.memory_space<vmem>>, vector<1x1x16xf32>,
        %swap3A_179 = vector.shape_cast %swap3A_178 : vector<1x1x16xf32> to vector<16xf32>
        %swap3A_180 = vector.shape_cast %get3A_174 : vector<16xf32> to vector<1x1x16xf32>
        tpu.vector_store %arg9[%swap3A_175, %swap3A_176, %swap3A_177], %swap3A_180 {add = true, strides = array<i32>} : memref<4x4x1024xf32, #tpu.memory_space<vmem>>, vector<1x1x16xf32>,
        %get3A_181 = arith.index_cast %scan3A_122 : i32 to index
        %get3A_182 = arith.constant 64 : index
        %get3A_183 = tpu.vector_load %arg7[%get3A_181, %get3A_182] {strides = array<i32>} : memref<16x1024xf32, #tpu.memory_space<vmem>>, vector<1x16xf32>,
        %get3A_184 = vector.shape_cast %get3A_183 : vector<1x16xf32> to vector<16xf32>
        %swap3A_185 = arith.index_cast %select_n3A : i32 to index
        %swap3A_186 = arith.index_cast %rem3A_142 : i32 to index
        %swap3A_187 = arith.constant 64 : index
        %swap3A_188 = tpu.vector_load %arg9[%swap3A_185, %swap3A_186, %swap3A_187] {strides = array<i32>} : memref<4x4x1024xf32, #tpu.memory_space<vmem>>, vector<1x1x16xf32>,
        %swap3A_189 = vector.shape_cast %swap3A_188 : vector<1x1x16xf32> to vector<16xf32>
        %swap3A_190 = vector.shape_cast %get3A_184 : vector<16xf32> to vector<1x1x16xf32>
        tpu.vector_store %arg9[%swap3A_185, %swap3A_186, %swap3A_187], %swap3A_190 {add = true, strides = array<i32>} : memref<4x4x1024xf32, #tpu.memory_space<vmem>>, vector<1x1x16xf32>,
        %get3A_191 = arith.index_cast %scan3A_122 : i32 to index
        %get3A_192 = arith.constant 80 : index
        %get3A_193 = tpu.vector_load %arg7[%get3A_191, %get3A_192] {strides = array<i32>} : memref<16x1024xf32, #tpu.memory_space<vmem>>, vector<1x16xf32>,
        %get3A_194 = vector.shape_cast %get3A_193 : vector<1x16xf32> to vector<16xf32>
        %swap3A_195 = arith.index_cast %select_n3A : i32 to index
        %swap3A_196 = arith.index_cast %rem3A_142 : i32 to index
        %swap3A_197 = arith.constant 80 : index
        %swap3A_198 = tpu.vector_load %arg9[%swap3A_195, %swap3A_196, %swap3A_197] {strides = array<i32>} : memref<4x4x1024xf32, #tpu.memory_space<vmem>>, vector<1x1x16xf32>,
        %swap3A_199 = vector.shape_cast %swap3A_198 : vector<1x1x16xf32> to vector<16xf32>
        %swap3A_200 = vector.shape_cast %get3A_194 : vector<16xf32> to vector<1x1x16xf32>
        tpu.vector_store %arg9[%swap3A_195, %swap3A_196, %swap3A_197], %swap3A_200 {add = true, strides = array<i32>} : memref<4x4x1024xf32, #tpu.memory_space<vmem>>, vector<1x1x16xf32>,
        %get3A_201 = arith.index_cast %scan3A_122 : i32 to index
        %get3A_202 = arith.constant 96 : index
        %get3A_203 = tpu.vector_load %arg7[%get3A_201, %get3A_202] {strides = array<i32>} : memref<16x1024xf32, #tpu.memory_space<vmem>>, vector<1x16xf32>,
        %get3A_204 = vector.shape_cast %get3A_203 : vector<1x16xf32> to vector<16xf32>
        %swap3A_205 = arith.index_cast %select_n3A : i32 to index
        %swap3A_206 = arith.index_cast %rem3A_142 : i32 to index
        %swap3A_207 = arith.constant 96 : index
        %swap3A_208 = tpu.vector_load %arg9[%swap3A_205, %swap3A_206, %swap3A_207] {strides = array<i32>} : memref<4x4x1024xf32, #tpu.memory_space<vmem>>, vector<1x1x16xf32>,
        %swap3A_209 = vector.shape_cast %swap3A_208 : vector<1x1x16xf32> to vector<16xf32>
        %swap3A_210 = vector.shape_cast %get3A_204 : vector<16xf32> to vector<1x1x16xf32>
        tpu.vector_store %arg9[%swap3A_205, %swap3A_206, %swap3A_207], %swap3A_210 {add = true, strides = array<i32>} : memref<4x4x1024xf32, #tpu.memory_space<vmem>>, vector<1x1x16xf32>,
        %get3A_211 = arith.index_cast %scan3A_122 : i32 to index
        %get3A_212 = arith.constant 112 : index
        %get3A_213 = tpu.vector_load %arg7[%get3A_211, %get3A_212] {strides = array<i32>} : memref<16x1024xf32, #tpu.memory_space<vmem>>, vector<1x16xf32>,
        %get3A_214 = vector.shape_cast %get3A_213 : vector<1x16xf32> to vector<16xf32>
        %swap3A_215 = arith.index_cast %select_n3A : i32 to index
        %swap3A_216 = arith.index_cast %rem3A_142 : i32 to index
        %swap3A_217 = arith.constant 112 : index
        %swap3A_218 = tpu.vector_load %arg9[%swap3A_215, %swap3A_216, %swap3A_217] {strides = array<i32>} : memref<4x4x1024xf32, #tpu.memory_space<vmem>>, vector<1x1x16xf32>,
        %swap3A_219 = vector.shape_cast %swap3A_218 : vector<1x1x16xf32> to vector<16xf32>
        %swap3A_220 = vector.shape_cast %get3A_214 : vector<16xf32> to vector<1x1x16xf32>
        tpu.vector_store %arg9[%swap3A_215, %swap3A_216, %swap3A_217], %swap3A_220 {add = true, strides = array<i32>} : memref<4x4x1024xf32, #tpu.memory_space<vmem>>, vector<1x1x16xf32>,
        %get3A_221 = arith.index_cast %scan3A_122 : i32 to index
        %get3A_222 = arith.constant 128 : index
        %get3A_223 = tpu.vector_load %arg7[%get3A_221, %get3A_222] {strides = array<i32>} : memref<16x1024xf32, #tpu.memory_space<vmem>>, vector<1x16xf32>,
        %get3A_224 = vector.shape_cast %get3A_223 : vector<1x16xf32> to vector<16xf32>
        %swap3A_225 = arith.index_cast %select_n3A : i32 to index
        %swap3A_226 = arith.index_cast %rem3A_142 : i32 to index
        %swap3A_227 = arith.constant 128 : index
        %swap3A_228 = tpu.vector_load %arg9[%swap3A_225, %swap3A_226, %swap3A_227] {strides = array<i32>} : memref<4x4x1024xf32, #tpu.memory_space<vmem>>, vector<1x1x16xf32>,
        %swap3A_229 = vector.shape_cast %swap3A_228 : vector<1x1x16xf32> to vector<16xf32>
        %swap3A_230 = vector.shape_cast %get3A_224 : vector<16xf32> to vector<1x1x16xf32>
        tpu.vector_store %arg9[%swap3A_225, %swap3A_226, %swap3A_227], %swap3A_230 {add = true, strides = array<i32>} : memref<4x4x1024xf32, #tpu.memory_space<vmem>>, vector<1x1x16xf32>,
        %get3A_231 = arith.index_cast %scan3A_122 : i32 to index
        %get3A_232 = arith.constant 144 : index
        %get3A_233 = tpu.vector_load %arg7[%get3A_231, %get3A_232] {strides = array<i32>} : memref<16x1024xf32, #tpu.memory_space<vmem>>, vector<1x16xf32>,
        %get3A_234 = vector.shape_cast %get3A_233 : vector<1x16xf32> to vector<16xf32>
        %swap3A_235 = arith.index_cast %select_n3A : i32 to index
        %swap3A_236 = arith.index_cast %rem3A_142 : i32 to index
        %swap3A_237 = arith.constant 144 : index
        %swap3A_238 = tpu.vector_load %arg9[%swap3A_235, %swap3A_236, %swap3A_237] {strides = array<i32>} : memref<4x4x1024xf32, #tpu.memory_space<vmem>>, vector<1x1x16xf32>,
        %swap3A_239 = vector.shape_cast %swap3A_238 : vector<1x1x16xf32> to vector<16xf32>
        %swap3A_240 = vector.shape_cast %get3A_234 : vector<16xf32> to vector<1x1x16xf32>
        tpu.vector_store %arg9[%swap3A_235, %swap3A_236, %swap3A_237], %swap3A_240 {add = true, strides = array<i32>} : memref<4x4x1024xf32, #tpu.memory_space<vmem>>, vector<1x1x16xf32>,
        %get3A_241 = arith.index_cast %scan3A_122 : i32 to index
        %get3A_242 = arith.constant 160 : index
        %get3A_243 = tpu.vector_load %arg7[%get3A_241, %get3A_242] {strides = array<i32>} : memref<16x1024xf32, #tpu.memory_space<vmem>>, vector<1x16xf32>,
        %get3A_244 = vector.shape_cast %get3A_243 : vector<1x16xf32> to vector<16xf32>
        %swap3A_245 = arith.index_cast %select_n3A : i32 to index
        %swap3A_246 = arith.index_cast %rem3A_142 : i32 to index
        %swap3A_247 = arith.constant 160 : index
        %swap3A_248 = tpu.vector_load %arg9[%swap3A_245, %swap3A_246, %swap3A_247] {strides = array<i32>} : memref<4x4x1024xf32, #tpu.memory_space<vmem>>, vector<1x1x16xf32>,
        %swap3A_249 = vector.shape_cast %swap3A_248 : vector<1x1x16xf32> to vector<16xf32>
        %swap3A_250 = vector.shape_cast %get3A_244 : vector<16xf32> to vector<1x1x16xf32>
        tpu.vector_store %arg9[%swap3A_245, %swap3A_246, %swap3A_247], %swap3A_250 {add = true, strides = array<i32>} : memref<4x4x1024xf32, #tpu.memory_space<vmem>>, vector<1x1x16xf32>,
        %get3A_251 = arith.index_cast %scan3A_122 : i32 to index
        %get3A_252 = arith.constant 176 : index
        %get3A_253 = tpu.vector_load %arg7[%get3A_251, %get3A_252] {strides = array<i32>} : memref<16x1024xf32, #tpu.memory_space<vmem>>, vector<1x16xf32>,
        %get3A_254 = vector.shape_cast %get3A_253 : vector<1x16xf32> to vector<16xf32>
        %swap3A_255 = arith.index_cast %select_n3A : i32 to index
        %swap3A_256 = arith.index_cast %rem3A_142 : i32 to index
        %swap3A_257 = arith.constant 176 : index
        %swap3A_258 = tpu.vector_load %arg9[%swap3A_255, %swap3A_256, %swap3A_257] {strides = array<i32>} : memref<4x4x1024xf32, #tpu.memory_space<vmem>>, vector<1x1x16xf32>,
        %swap3A_259 = vector.shape_cast %swap3A_258 : vector<1x1x16xf32> to vector<16xf32>
        %swap3A_260 = vector.shape_cast %get3A_254 : vector<16xf32> to vector<1x1x16xf32>
        tpu.vector_store %arg9[%swap3A_255, %swap3A_256, %swap3A_257], %swap3A_260 {add = true, strides = array<i32>} : memref<4x4x1024xf32, #tpu.memory_space<vmem>>, vector<1x1x16xf32>,
        %get3A_261 = arith.index_cast %scan3A_122 : i32 to index
        %get3A_262 = arith.constant 192 : index
        %get3A_263 = tpu.vector_load %arg7[%get3A_261, %get3A_262] {strides = array<i32>} : memref<16x1024xf32, #tpu.memory_space<vmem>>, vector<1x16xf32>,
        %get3A_264 = vector.shape_cast %get3A_263 : vector<1x16xf32> to vector<16xf32>
        %swap3A_265 = arith.index_cast %select_n3A : i32 to index
        %swap3A_266 = arith.index_cast %rem3A_142 : i32 to index
        %swap3A_267 = arith.constant 192 : index
        %swap3A_268 = tpu.vector_load %arg9[%swap3A_265, %swap3A_266, %swap3A_267] {strides = array<i32>} : memref<4x4x1024xf32, #tpu.memory_space<vmem>>, vector<1x1x16xf32>,
        %swap3A_269 = vector.shape_cast %swap3A_268 : vector<1x1x16xf32> to vector<16xf32>
        %swap3A_270 = vector.shape_cast %get3A_264 : vector<16xf32> to vector<1x1x16xf32>
        tpu.vector_store %arg9[%swap3A_265, %swap3A_266, %swap3A_267], %swap3A_270 {add = true, strides = array<i32>} : memref<4x4x1024xf32, #tpu.memory_space<vmem>>, vector<1x1x16xf32>,
        %get3A_271 = arith.index_cast %scan3A_122 : i32 to index
        %get3A_272 = arith.constant 208 : index
        %get3A_273 = tpu.vector_load %arg7[%get3A_271, %get3A_272] {strides = array<i32>} : memref<16x1024xf32, #tpu.memory_space<vmem>>, vector<1x16xf32>,
        %get3A_274 = vector.shape_cast %get3A_273 : vector<1x16xf32> to vector<16xf32>
        %swap3A_275 = arith.index_cast %select_n3A : i32 to index
        %swap3A_276 = arith.index_cast %rem3A_142 : i32 to index
        %swap3A_277 = arith.constant 208 : index
        %swap3A_278 = tpu.vector_load %arg9[%swap3A_275, %swap3A_276, %swap3A_277] {strides = array<i32>} : memref<4x4x1024xf32, #tpu.memory_space<vmem>>, vector<1x1x16xf32>,
        %swap3A_279 = vector.shape_cast %swap3A_278 : vector<1x1x16xf32> to vector<16xf32>
        %swap3A_280 = vector.shape_cast %get3A_274 : vector<16xf32> to vector<1x1x16xf32>
        tpu.vector_store %arg9[%swap3A_275, %swap3A_276, %swap3A_277], %swap3A_280 {add = true, strides = array<i32>} : memref<4x4x1024xf32, #tpu.memory_space<vmem>>, vector<1x1x16xf32>,
        %get3A_281 = arith.index_cast %scan3A_122 : i32 to index
        %get3A_282 = arith.constant 224 : index
        %get3A_283 = tpu.vector_load %arg7[%get3A_281, %get3A_282] {strides = array<i32>} : memref<16x1024xf32, #tpu.memory_space<vmem>>, vector<1x16xf32>,
        %get3A_284 = vector.shape_cast %get3A_283 : vector<1x16xf32> to vector<16xf32>
        %swap3A_285 = arith.index_cast %select_n3A : i32 to index
        %swap3A_286 = arith.index_cast %rem3A_142 : i32 to index
        %swap3A_287 = arith.constant 224 : index
        %swap3A_288 = tpu.vector_load %arg9[%swap3A_285, %swap3A_286, %swap3A_287] {strides = array<i32>} : memref<4x4x1024xf32, #tpu.memory_space<vmem>>, vector<1x1x16xf32>,
        %swap3A_289 = vector.shape_cast %swap3A_288 : vector<1x1x16xf32> to vector<16xf32>
        %swap3A_290 = vector.shape_cast %get3A_284 : vector<16xf32> to vector<1x1x16xf32>
        tpu.vector_store %arg9[%swap3A_285, %swap3A_286, %swap3A_287], %swap3A_290 {add = true, strides = array<i32>} : memref<4x4x1024xf32, #tpu.memory_space<vmem>>, vector<1x1x16xf32>,
        %get3A_291 = arith.index_cast %scan3A_122 : i32 to index
        %get3A_292 = arith.constant 240 : index
        %get3A_293 = tpu.vector_load %arg7[%get3A_291, %get3A_292] {strides = array<i32>} : memref<16x1024xf32, #tpu.memory_space<vmem>>, vector<1x16xf32>,
        %get3A_294 = vector.shape_cast %get3A_293 : vector<1x16xf32> to vector<16xf32>
        %swap3A_295 = arith.index_cast %select_n3A : i32 to index
        %swap3A_296 = arith.index_cast %rem3A_142 : i32 to index
        %swap3A_297 = arith.constant 240 : index
        %swap3A_298 = tpu.vector_load %arg9[%swap3A_295, %swap3A_296, %swap3A_297] {strides = array<i32>} : memref<4x4x1024xf32, #tpu.memory_space<vmem>>, vector<1x1x16xf32>,
        %swap3A_299 = vector.shape_cast %swap3A_298 : vector<1x1x16xf32> to vector<16xf32>
        %swap3A_300 = vector.shape_cast %get3A_294 : vector<16xf32> to vector<1x1x16xf32>
        tpu.vector_store %arg9[%swap3A_295, %swap3A_296, %swap3A_297], %swap3A_300 {add = true, strides = array<i32>} : memref<4x4x1024xf32, #tpu.memory_space<vmem>>, vector<1x1x16xf32>,
        %get3A_301 = arith.index_cast %scan3A_122 : i32 to index
        %get3A_302 = arith.constant 256 : index
        %get3A_303 = tpu.vector_load %arg7[%get3A_301, %get3A_302] {strides = array<i32>} : memref<16x1024xf32, #tpu.memory_space<vmem>>, vector<1x16xf32>,
        %get3A_304 = vector.shape_cast %get3A_303 : vector<1x16xf32> to vector<16xf32>
        %swap3A_305 = arith.index_cast %select_n3A : i32 to index
        %swap3A_306 = arith.index_cast %rem3A_142 : i32 to index
        %swap3A_307 = arith.constant 256 : index
        %swap3A_308 = tpu.vector_load %arg9[%swap3A_305, %swap3A_306, %swap3A_307] {strides = array<i32>} : memref<4x4x1024xf32, #tpu.memory_space<vmem>>, vector<1x1x16xf32>,
        %swap3A_309 = vector.shape_cast %swap3A_308 : vector<1x1x16xf32> to vector<16xf32>
        %swap3A_310 = vector.shape_cast %get3A_304 : vector<16xf32> to vector<1x1x16xf32>
        tpu.vector_store %arg9[%swap3A_305, %swap3A_306, %swap3A_307], %swap3A_310 {add = true, strides = array<i32>} : memref<4x4x1024xf32, #tpu.memory_space<vmem>>, vector<1x1x16xf32>,
        %get3A_311 = arith.index_cast %scan3A_122 : i32 to index
        %get3A_312 = arith.constant 272 : index
        %get3A_313 = tpu.vector_load %arg7[%get3A_311, %get3A_312] {strides = array<i32>} : memref<16x1024xf32, #tpu.memory_space<vmem>>, vector<1x16xf32>,
        %get3A_314 = vector.shape_cast %get3A_313 : vector<1x16xf32> to vector<16xf32>
        %swap3A_315 = arith.index_cast %select_n3A : i32 to index
        %swap3A_316 = arith.index_cast %rem3A_142 : i32 to index
        %swap3A_317 = arith.constant 272 : index
        %swap3A_318 = tpu.vector_load %arg9[%swap3A_315, %swap3A_316, %swap3A_317] {strides = array<i32>} : memref<4x4x1024xf32, #tpu.memory_space<vmem>>, vector<1x1x16xf32>,
        %swap3A_319 = vector.shape_cast %swap3A_318 : vector<1x1x16xf32> to vector<16xf32>
        %swap3A_320 = vector.shape_cast %get3A_314 : vector<16xf32> to vector<1x1x16xf32>
        tpu.vector_store %arg9[%swap3A_315, %swap3A_316, %swap3A_317], %swap3A_320 {add = true, strides = array<i32>} : memref<4x4x1024xf32, #tpu.memory_space<vmem>>, vector<1x1x16xf32>,
        %get3A_321 = arith.index_cast %scan3A_122 : i32 to index
        %get3A_322 = arith.constant 288 : index
        %get3A_323 = tpu.vector_load %arg7[%get3A_321, %get3A_322] {strides = array<i32>} : memref<16x1024xf32, #tpu.memory_space<vmem>>, vector<1x16xf32>,
        %get3A_324 = vector.shape_cast %get3A_323 : vector<1x16xf32> to vector<16xf32>
        %swap3A_325 = arith.index_cast %select_n3A : i32 to index
        %swap3A_326 = arith.index_cast %rem3A_142 : i32 to index
        %swap3A_327 = arith.constant 288 : index
        %swap3A_328 = tpu.vector_load %arg9[%swap3A_325, %swap3A_326, %swap3A_327] {strides = array<i32>} : memref<4x4x1024xf32, #tpu.memory_space<vmem>>, vector<1x1x16xf32>,
        %swap3A_329 = vector.shape_cast %swap3A_328 : vector<1x1x16xf32> to vector<16xf32>
        %swap3A_330 = vector.shape_cast %get3A_324 : vector<16xf32> to vector<1x1x16xf32>
        tpu.vector_store %arg9[%swap3A_325, %swap3A_326, %swap3A_327], %swap3A_330 {add = true, strides = array<i32>} : memref<4x4x1024xf32, #tpu.memory_space<vmem>>, vector<1x1x16xf32>,
        %get3A_331 = arith.index_cast %scan3A_122 : i32 to index
        %get3A_332 = arith.constant 304 : index
        %get3A_333 = tpu.vector_load %arg7[%get3A_331, %get3A_332] {strides = array<i32>} : memref<16x1024xf32, #tpu.memory_space<vmem>>, vector<1x16xf32>,
        %get3A_334 = vector.shape_cast %get3A_333 : vector<1x16xf32> to vector<16xf32>
        %swap3A_335 = arith.index_cast %select_n3A : i32 to index
        %swap3A_336 = arith.index_cast %rem3A_142 : i32 to index
        %swap3A_337 = arith.constant 304 : index
        %swap3A_338 = tpu.vector_load %arg9[%swap3A_335, %swap3A_336, %swap3A_337] {strides = array<i32>} : memref<4x4x1024xf32, #tpu.memory_space<vmem>>, vector<1x1x16xf32>,
        %swap3A_339 = vector.shape_cast %swap3A_338 : vector<1x1x16xf32> to vector<16xf32>
        %swap3A_340 = vector.shape_cast %get3A_334 : vector<16xf32> to vector<1x1x16xf32>
        tpu.vector_store %arg9[%swap3A_335, %swap3A_336, %swap3A_337], %swap3A_340 {add = true, strides = array<i32>} : memref<4x4x1024xf32, #tpu.memory_space<vmem>>, vector<1x1x16xf32>,
        %get3A_341 = arith.index_cast %scan3A_122 : i32 to index
        %get3A_342 = arith.constant 320 : index
        %get3A_343 = tpu.vector_load %arg7[%get3A_341, %get3A_342] {strides = array<i32>} : memref<16x1024xf32, #tpu.memory_space<vmem>>, vector<1x16xf32>,
        %get3A_344 = vector.shape_cast %get3A_343 : vector<1x16xf32> to vector<16xf32>
        %swap3A_345 = arith.index_cast %select_n3A : i32 to index
        %swap3A_346 = arith.index_cast %rem3A_142 : i32 to index
        %swap3A_347 = arith.constant 320 : index
        %swap3A_348 = tpu.vector_load %arg9[%swap3A_345, %swap3A_346, %swap3A_347] {strides = array<i32>} : memref<4x4x1024xf32, #tpu.memory_space<vmem>>, vector<1x1x16xf32>,
        %swap3A_349 = vector.shape_cast %swap3A_348 : vector<1x1x16xf32> to vector<16xf32>
        %swap3A_350 = vector.shape_cast %get3A_344 : vector<16xf32> to vector<1x1x16xf32>
        tpu.vector_store %arg9[%swap3A_345, %swap3A_346, %swap3A_347], %swap3A_350 {add = true, strides = array<i32>} : memref<4x4x1024xf32, #tpu.memory_space<vmem>>, vector<1x1x16xf32>,
        %get3A_351 = arith.index_cast %scan3A_122 : i32 to index
        %get3A_352 = arith.constant 336 : index
        %get3A_353 = tpu.vector_load %arg7[%get3A_351, %get3A_352] {strides = array<i32>} : memref<16x1024xf32, #tpu.memory_space<vmem>>, vector<1x16xf32>,
        %get3A_354 = vector.shape_cast %get3A_353 : vector<1x16xf32> to vector<16xf32>
        %swap3A_355 = arith.index_cast %select_n3A : i32 to index
        %swap3A_356 = arith.index_cast %rem3A_142 : i32 to index
        %swap3A_357 = arith.constant 336 : index
        %swap3A_358 = tpu.vector_load %arg9[%swap3A_355, %swap3A_356, %swap3A_357] {strides = array<i32>} : memref<4x4x1024xf32, #tpu.memory_space<vmem>>, vector<1x1x16xf32>,
        %swap3A_359 = vector.shape_cast %swap3A_358 : vector<1x1x16xf32> to vector<16xf32>
        %swap3A_360 = vector.shape_cast %get3A_354 : vector<16xf32> to vector<1x1x16xf32>
        tpu.vector_store %arg9[%swap3A_355, %swap3A_356, %swap3A_357], %swap3A_360 {add = true, strides = array<i32>} : memref<4x4x1024xf32, #tpu.memory_space<vmem>>, vector<1x1x16xf32>,
        %get3A_361 = arith.index_cast %scan3A_122 : i32 to index
        %get3A_362 = arith.constant 352 : index
        %get3A_363 = tpu.vector_load %arg7[%get3A_361, %get3A_362] {strides = array<i32>} : memref<16x1024xf32, #tpu.memory_space<vmem>>, vector<1x16xf32>,
        %get3A_364 = vector.shape_cast %get3A_363 : vector<1x16xf32> to vector<16xf32>
        %swap3A_365 = arith.index_cast %select_n3A : i32 to index
        %swap3A_366 = arith.index_cast %rem3A_142 : i32 to index
        %swap3A_367 = arith.constant 352 : index
        %swap3A_368 = tpu.vector_load %arg9[%swap3A_365, %swap3A_366, %swap3A_367] {strides = array<i32>} : memref<4x4x1024xf32, #tpu.memory_space<vmem>>, vector<1x1x16xf32>,
        %swap3A_369 = vector.shape_cast %swap3A_368 : vector<1x1x16xf32> to vector<16xf32>
        %swap3A_370 = vector.shape_cast %get3A_364 : vector<16xf32> to vector<1x1x16xf32>
        tpu.vector_store %arg9[%swap3A_365, %swap3A_366, %swap3A_367], %swap3A_370 {add = true, strides = array<i32>} : memref<4x4x1024xf32, #tpu.memory_space<vmem>>, vector<1x1x16xf32>,
        %get3A_371 = arith.index_cast %scan3A_122 : i32 to index
        %get3A_372 = arith.constant 368 : index
        %get3A_373 = tpu.vector_load %arg7[%get3A_371, %get3A_372] {strides = array<i32>} : memref<16x1024xf32, #tpu.memory_space<vmem>>, vector<1x16xf32>,
        %get3A_374 = vector.shape_cast %get3A_373 : vector<1x16xf32> to vector<16xf32>
        %swap3A_375 = arith.index_cast %select_n3A : i32 to index
        %swap3A_376 = arith.index_cast %rem3A_142 : i32 to index
        %swap3A_377 = arith.constant 368 : index
        %swap3A_378 = tpu.vector_load %arg9[%swap3A_375, %swap3A_376, %swap3A_377] {strides = array<i32>} : memref<4x4x1024xf32, #tpu.memory_space<vmem>>, vector<1x1x16xf32>,
        %swap3A_379 = vector.shape_cast %swap3A_378 : vector<1x1x16xf32> to vector<16xf32>
        %swap3A_380 = vector.shape_cast %get3A_374 : vector<16xf32> to vector<1x1x16xf32>
        tpu.vector_store %arg9[%swap3A_375, %swap3A_376, %swap3A_377], %swap3A_380 {add = true, strides = array<i32>} : memref<4x4x1024xf32, #tpu.memory_space<vmem>>, vector<1x1x16xf32>,
        %get3A_381 = arith.index_cast %scan3A_122 : i32 to index
        %get3A_382 = arith.constant 384 : index
        %get3A_383 = tpu.vector_load %arg7[%get3A_381, %get3A_382] {strides = array<i32>} : memref<16x1024xf32, #tpu.memory_space<vmem>>, vector<1x16xf32>,
        %get3A_384 = vector.shape_cast %get3A_383 : vector<1x16xf32> to vector<16xf32>
        %swap3A_385 = arith.index_cast %select_n3A : i32 to index
        %swap3A_386 = arith.index_cast %rem3A_142 : i32 to index
        %swap3A_387 = arith.constant 384 : index
        %swap3A_388 = tpu.vector_load %arg9[%swap3A_385, %swap3A_386, %swap3A_387] {strides = array<i32>} : memref<4x4x1024xf32, #tpu.memory_space<vmem>>, vector<1x1x16xf32>,
        %swap3A_389 = vector.shape_cast %swap3A_388 : vector<1x1x16xf32> to vector<16xf32>
        %swap3A_390 = vector.shape_cast %get3A_384 : vector<16xf32> to vector<1x1x16xf32>
        tpu.vector_store %arg9[%swap3A_385, %swap3A_386, %swap3A_387], %swap3A_390 {add = true, strides = array<i32>} : memref<4x4x1024xf32, #tpu.memory_space<vmem>>, vector<1x1x16xf32>,
        %get3A_391 = arith.index_cast %scan3A_122 : i32 to index
        %get3A_392 = arith.constant 400 : index
        %get3A_393 = tpu.vector_load %arg7[%get3A_391, %get3A_392] {strides = array<i32>} : memref<16x1024xf32, #tpu.memory_space<vmem>>, vector<1x16xf32>,
        %get3A_394 = vector.shape_cast %get3A_393 : vector<1x16xf32> to vector<16xf32>
        %swap3A_395 = arith.index_cast %select_n3A : i32 to index
        %swap3A_396 = arith.index_cast %rem3A_142 : i32 to index
        %swap3A_397 = arith.constant 400 : index
        %swap3A_398 = tpu.vector_load %arg9[%swap3A_395, %swap3A_396, %swap3A_397] {strides = array<i32>} : memref<4x4x1024xf32, #tpu.memory_space<vmem>>, vector<1x1x16xf32>,
        %swap3A_399 = vector.shape_cast %swap3A_398 : vector<1x1x16xf32> to vector<16xf32>
        %swap3A_400 = vector.shape_cast %get3A_394 : vector<16xf32> to vector<1x1x16xf32>
        tpu.vector_store %arg9[%swap3A_395, %swap3A_396, %swap3A_397], %swap3A_400 {add = true, strides = array<i32>} : memref<4x4x1024xf32, #tpu.memory_space<vmem>>, vector<1x1x16xf32>,
        %get3A_401 = arith.index_cast %scan3A_122 : i32 to index
        %get3A_402 = arith.constant 416 : index
        %get3A_403 = tpu.vector_load %arg7[%get3A_401, %get3A_402] {strides = array<i32>} : memref<16x1024xf32, #tpu.memory_space<vmem>>, vector<1x16xf32>,
        %get3A_404 = vector.shape_cast %get3A_403 : vector<1x16xf32> to vector<16xf32>
        %swap3A_405 = arith.index_cast %select_n3A : i32 to index
        %swap3A_406 = arith.index_cast %rem3A_142 : i32 to index
        %swap3A_407 = arith.constant 416 : index
        %swap3A_408 = tpu.vector_load %arg9[%swap3A_405, %swap3A_406, %swap3A_407] {strides = array<i32>} : memref<4x4x1024xf32, #tpu.memory_space<vmem>>, vector<1x1x16xf32>,
        %swap3A_409 = vector.shape_cast %swap3A_408 : vector<1x1x16xf32> to vector<16xf32>
        %swap3A_410 = vector.shape_cast %get3A_404 : vector<16xf32> to vector<1x1x16xf32>
        tpu.vector_store %arg9[%swap3A_405, %swap3A_406, %swap3A_407], %swap3A_410 {add = true, strides = array<i32>} : memref<4x4x1024xf32, #tpu.memory_space<vmem>>, vector<1x1x16xf32>,
        %get3A_411 = arith.index_cast %scan3A_122 : i32 to index
        %get3A_412 = arith.constant 432 : index
        %get3A_413 = tpu.vector_load %arg7[%get3A_411, %get3A_412] {strides = array<i32>} : memref<16x1024xf32, #tpu.memory_space<vmem>>, vector<1x16xf32>,
        %get3A_414 = vector.shape_cast %get3A_413 : vector<1x16xf32> to vector<16xf32>
        %swap3A_415 = arith.index_cast %select_n3A : i32 to index
        %swap3A_416 = arith.index_cast %rem3A_142 : i32 to index
        %swap3A_417 = arith.constant 432 : index
        %swap3A_418 = tpu.vector_load %arg9[%swap3A_415, %swap3A_416, %swap3A_417] {strides = array<i32>} : memref<4x4x1024xf32, #tpu.memory_space<vmem>>, vector<1x1x16xf32>,
        %swap3A_419 = vector.shape_cast %swap3A_418 : vector<1x1x16xf32> to vector<16xf32>
        %swap3A_420 = vector.shape_cast %get3A_414 : vector<16xf32> to vector<1x1x16xf32>
        tpu.vector_store %arg9[%swap3A_415, %swap3A_416, %swap3A_417], %swap3A_420 {add = true, strides = array<i32>} : memref<4x4x1024xf32, #tpu.memory_space<vmem>>, vector<1x1x16xf32>,
        %get3A_421 = arith.index_cast %scan3A_122 : i32 to index
        %get3A_422 = arith.constant 448 : index
        %get3A_423 = tpu.vector_load %arg7[%get3A_421, %get3A_422] {strides = array<i32>} : memref<16x1024xf32, #tpu.memory_space<vmem>>, vector<1x16xf32>,
        %get3A_424 = vector.shape_cast %get3A_423 : vector<1x16xf32> to vector<16xf32>
        %swap3A_425 = arith.index_cast %select_n3A : i32 to index
        %swap3A_426 = arith.index_cast %rem3A_142 : i32 to index
        %swap3A_427 = arith.constant 448 : index
        %swap3A_428 = tpu.vector_load %arg9[%swap3A_425, %swap3A_426, %swap3A_427] {strides = array<i32>} : memref<4x4x1024xf32, #tpu.memory_space<vmem>>, vector<1x1x16xf32>,
        %swap3A_429 = vector.shape_cast %swap3A_428 : vector<1x1x16xf32> to vector<16xf32>
        %swap3A_430 = vector.shape_cast %get3A_424 : vector<16xf32> to vector<1x1x16xf32>
        tpu.vector_store %arg9[%swap3A_425, %swap3A_426, %swap3A_427], %swap3A_430 {add = true, strides = array<i32>} : memref<4x4x1024xf32, #tpu.memory_space<vmem>>, vector<1x1x16xf32>,
        %get3A_431 = arith.index_cast %scan3A_122 : i32 to index
        %get3A_432 = arith.constant 464 : index
        %get3A_433 = tpu.vector_load %arg7[%get3A_431, %get3A_432] {strides = array<i32>} : memref<16x1024xf32, #tpu.memory_space<vmem>>, vector<1x16xf32>,
        %get3A_434 = vector.shape_cast %get3A_433 : vector<1x16xf32> to vector<16xf32>
        %swap3A_435 = arith.index_cast %select_n3A : i32 to index
        %swap3A_436 = arith.index_cast %rem3A_142 : i32 to index
        %swap3A_437 = arith.constant 464 : index
        %swap3A_438 = tpu.vector_load %arg9[%swap3A_435, %swap3A_436, %swap3A_437] {strides = array<i32>} : memref<4x4x1024xf32, #tpu.memory_space<vmem>>, vector<1x1x16xf32>,
        %swap3A_439 = vector.shape_cast %swap3A_438 : vector<1x1x16xf32> to vector<16xf32>
        %swap3A_440 = vector.shape_cast %get3A_434 : vector<16xf32> to vector<1x1x16xf32>
        tpu.vector_store %arg9[%swap3A_435, %swap3A_436, %swap3A_437], %swap3A_440 {add = true, strides = array<i32>} : memref<4x4x1024xf32, #tpu.memory_space<vmem>>, vector<1x1x16xf32>,
        %get3A_441 = arith.index_cast %scan3A_122 : i32 to index
        %get3A_442 = arith.constant 480 : index
        %get3A_443 = tpu.vector_load %arg7[%get3A_441, %get3A_442] {strides = array<i32>} : memref<16x1024xf32, #tpu.memory_space<vmem>>, vector<1x16xf32>,
        %get3A_444 = vector.shape_cast %get3A_443 : vector<1x16xf32> to vector<16xf32>
        %swap3A_445 = arith.index_cast %select_n3A : i32 to index
        %swap3A_446 = arith.index_cast %rem3A_142 : i32 to index
        %swap3A_447 = arith.constant 480 : index
        %swap3A_448 = tpu.vector_load %arg9[%swap3A_445, %swap3A_446, %swap3A_447] {strides = array<i32>} : memref<4x4x1024xf32, #tpu.memory_space<vmem>>, vector<1x1x16xf32>,
        %swap3A_449 = vector.shape_cast %swap3A_448 : vector<1x1x16xf32> to vector<16xf32>
        %swap3A_450 = vector.shape_cast %get3A_444 : vector<16xf32> to vector<1x1x16xf32>
        tpu.vector_store %arg9[%swap3A_445, %swap3A_446, %swap3A_447], %swap3A_450 {add = true, strides = array<i32>} : memref<4x4x1024xf32, #tpu.memory_space<vmem>>, vector<1x1x16xf32>,
        %get3A_451 = arith.index_cast %scan3A_122 : i32 to index
        %get3A_452 = arith.constant 496 : index
        %get3A_453 = tpu.vector_load %arg7[%get3A_451, %get3A_452] {strides = array<i32>} : memref<16x1024xf32, #tpu.memory_space<vmem>>, vector<1x16xf32>,
        %get3A_454 = vector.shape_cast %get3A_453 : vector<1x16xf32> to vector<16xf32>
        %swap3A_455 = arith.index_cast %select_n3A : i32 to index
        %swap3A_456 = arith.index_cast %rem3A_142 : i32 to index
        %swap3A_457 = arith.constant 496 : index
        %swap3A_458 = tpu.vector_load %arg9[%swap3A_455, %swap3A_456, %swap3A_457] {strides = array<i32>} : memref<4x4x1024xf32, #tpu.memory_space<vmem>>, vector<1x1x16xf32>,
        %swap3A_459 = vector.shape_cast %swap3A_458 : vector<1x1x16xf32> to vector<16xf32>
        %swap3A_460 = vector.shape_cast %get3A_454 : vector<16xf32> to vector<1x1x16xf32>
        tpu.vector_store %arg9[%swap3A_455, %swap3A_456, %swap3A_457], %swap3A_460 {add = true, strides = array<i32>} : memref<4x4x1024xf32, #tpu.memory_space<vmem>>, vector<1x1x16xf32>,
        %get3A_461 = arith.index_cast %scan3A_122 : i32 to index
        %get3A_462 = arith.constant 512 : index
        %get3A_463 = tpu.vector_load %arg7[%get3A_461, %get3A_462] {strides = array<i32>} : memref<16x1024xf32, #tpu.memory_space<vmem>>, vector<1x16xf32>,
        %get3A_464 = vector.shape_cast %get3A_463 : vector<1x16xf32> to vector<16xf32>
        %swap3A_465 = arith.index_cast %select_n3A : i32 to index
        %swap3A_466 = arith.index_cast %rem3A_142 : i32 to index
        %swap3A_467 = arith.constant 512 : index
        %swap3A_468 = tpu.vector_load %arg9[%swap3A_465, %swap3A_466, %swap3A_467] {strides = array<i32>} : memref<4x4x1024xf32, #tpu.memory_space<vmem>>, vector<1x1x16xf32>,
        %swap3A_469 = vector.shape_cast %swap3A_468 : vector<1x1x16xf32> to vector<16xf32>
        %swap3A_470 = vector.shape_cast %get3A_464 : vector<16xf32> to vector<1x1x16xf32>
        tpu.vector_store %arg9[%swap3A_465, %swap3A_466, %swap3A_467], %swap3A_470 {add = true, strides = array<i32>} : memref<4x4x1024xf32, #tpu.memory_space<vmem>>, vector<1x1x16xf32>,
        %get3A_471 = arith.index_cast %scan3A_122 : i32 to index
        %get3A_472 = arith.constant 528 : index
        %get3A_473 = tpu.vector_load %arg7[%get3A_471, %get3A_472] {strides = array<i32>} : memref<16x1024xf32, #tpu.memory_space<vmem>>, vector<1x16xf32>,
        %get3A_474 = vector.shape_cast %get3A_473 : vector<1x16xf32> to vector<16xf32>
        %swap3A_475 = arith.index_cast %select_n3A : i32 to index
        %swap3A_476 = arith.index_cast %rem3A_142 : i32 to index
        %swap3A_477 = arith.constant 528 : index
        %swap3A_478 = tpu.vector_load %arg9[%swap3A_475, %swap3A_476, %swap3A_477] {strides = array<i32>} : memref<4x4x1024xf32, #tpu.memory_space<vmem>>, vector<1x1x16xf32>,
        %swap3A_479 = vector.shape_cast %swap3A_478 : vector<1x1x16xf32> to vector<16xf32>
        %swap3A_480 = vector.shape_cast %get3A_474 : vector<16xf32> to vector<1x1x16xf32>
        tpu.vector_store %arg9[%swap3A_475, %swap3A_476, %swap3A_477], %swap3A_480 {add = true, strides = array<i32>} : memref<4x4x1024xf32, #tpu.memory_space<vmem>>, vector<1x1x16xf32>,
        %get3A_481 = arith.index_cast %scan3A_122 : i32 to index
        %get3A_482 = arith.constant 544 : index
        %get3A_483 = tpu.vector_load %arg7[%get3A_481, %get3A_482] {strides = array<i32>} : memref<16x1024xf32, #tpu.memory_space<vmem>>, vector<1x16xf32>,
        %get3A_484 = vector.shape_cast %get3A_483 : vector<1x16xf32> to vector<16xf32>
        %swap3A_485 = arith.index_cast %select_n3A : i32 to index
        %swap3A_486 = arith.index_cast %rem3A_142 : i32 to index
        %swap3A_487 = arith.constant 544 : index
        %swap3A_488 = tpu.vector_load %arg9[%swap3A_485, %swap3A_486, %swap3A_487] {strides = array<i32>} : memref<4x4x1024xf32, #tpu.memory_space<vmem>>, vector<1x1x16xf32>,
        %swap3A_489 = vector.shape_cast %swap3A_488 : vector<1x1x16xf32> to vector<16xf32>
        %swap3A_490 = vector.shape_cast %get3A_484 : vector<16xf32> to vector<1x1x16xf32>
        tpu.vector_store %arg9[%swap3A_485, %swap3A_486, %swap3A_487], %swap3A_490 {add = true, strides = array<i32>} : memref<4x4x1024xf32, #tpu.memory_space<vmem>>, vector<1x1x16xf32>,
        %get3A_491 = arith.index_cast %scan3A_122 : i32 to index
        %get3A_492 = arith.constant 560 : index
        %get3A_493 = tpu.vector_load %arg7[%get3A_491, %get3A_492] {strides = array<i32>} : memref<16x1024xf32, #tpu.memory_space<vmem>>, vector<1x16xf32>,
        %get3A_494 = vector.shape_cast %get3A_493 : vector<1x16xf32> to vector<16xf32>
        %swap3A_495 = arith.index_cast %select_n3A : i32 to index
        %swap3A_496 = arith.index_cast %rem3A_142 : i32 to index
        %swap3A_497 = arith.constant 560 : index
        %swap3A_498 = tpu.vector_load %arg9[%swap3A_495, %swap3A_496, %swap3A_497] {strides = array<i32>} : memref<4x4x1024xf32, #tpu.memory_space<vmem>>, vector<1x1x16xf32>,
        %swap3A_499 = vector.shape_cast %swap3A_498 : vector<1x1x16xf32> to vector<16xf32>
        %swap3A_500 = vector.shape_cast %get3A_494 : vector<16xf32> to vector<1x1x16xf32>
        tpu.vector_store %arg9[%swap3A_495, %swap3A_496, %swap3A_497], %swap3A_500 {add = true, strides = array<i32>} : memref<4x4x1024xf32, #tpu.memory_space<vmem>>, vector<1x1x16xf32>,
        %get3A_501 = arith.index_cast %scan3A_122 : i32 to index
        %get3A_502 = arith.constant 576 : index
        %get3A_503 = tpu.vector_load %arg7[%get3A_501, %get3A_502] {strides = array<i32>} : memref<16x1024xf32, #tpu.memory_space<vmem>>, vector<1x16xf32>,
        %get3A_504 = vector.shape_cast %get3A_503 : vector<1x16xf32> to vector<16xf32>
        %swap3A_505 = arith.index_cast %select_n3A : i32 to index
        %swap3A_506 = arith.index_cast %rem3A_142 : i32 to index
        %swap3A_507 = arith.constant 576 : index
        %swap3A_508 = tpu.vector_load %arg9[%swap3A_505, %swap3A_506, %swap3A_507] {strides = array<i32>} : memref<4x4x1024xf32, #tpu.memory_space<vmem>>, vector<1x1x16xf32>,
        %swap3A_509 = vector.shape_cast %swap3A_508 : vector<1x1x16xf32> to vector<16xf32>
        %swap3A_510 = vector.shape_cast %get3A_504 : vector<16xf32> to vector<1x1x16xf32>
        tpu.vector_store %arg9[%swap3A_505, %swap3A_506, %swap3A_507], %swap3A_510 {add = true, strides = array<i32>} : memref<4x4x1024xf32, #tpu.memory_space<vmem>>, vector<1x1x16xf32>,
        %get3A_511 = arith.index_cast %scan3A_122 : i32 to index
        %get3A_512 = arith.constant 592 : index
        %get3A_513 = tpu.vector_load %arg7[%get3A_511, %get3A_512] {strides = array<i32>} : memref<16x1024xf32, #tpu.memory_space<vmem>>, vector<1x16xf32>,
        %get3A_514 = vector.shape_cast %get3A_513 : vector<1x16xf32> to vector<16xf32>
        %swap3A_515 = arith.index_cast %select_n3A : i32 to index
        %swap3A_516 = arith.index_cast %rem3A_142 : i32 to index
        %swap3A_517 = arith.constant 592 : index
        %swap3A_518 = tpu.vector_load %arg9[%swap3A_515, %swap3A_516, %swap3A_517] {strides = array<i32>} : memref<4x4x1024xf32, #tpu.memory_space<vmem>>, vector<1x1x16xf32>,
        %swap3A_519 = vector.shape_cast %swap3A_518 : vector<1x1x16xf32> to vector<16xf32>
        %swap3A_520 = vector.shape_cast %get3A_514 : vector<16xf32> to vector<1x1x16xf32>
        tpu.vector_store %arg9[%swap3A_515, %swap3A_516, %swap3A_517], %swap3A_520 {add = true, strides = array<i32>} : memref<4x4x1024xf32, #tpu.memory_space<vmem>>, vector<1x1x16xf32>,
        %get3A_521 = arith.index_cast %scan3A_122 : i32 to index
        %get3A_522 = arith.constant 608 : index
        %get3A_523 = tpu.vector_load %arg7[%get3A_521, %get3A_522] {strides = array<i32>} : memref<16x1024xf32, #tpu.memory_space<vmem>>, vector<1x16xf32>,
        %get3A_524 = vector.shape_cast %get3A_523 : vector<1x16xf32> to vector<16xf32>
        %swap3A_525 = arith.index_cast %select_n3A : i32 to index
        %swap3A_526 = arith.index_cast %rem3A_142 : i32 to index
        %swap3A_527 = arith.constant 608 : index
        %swap3A_528 = tpu.vector_load %arg9[%swap3A_525, %swap3A_526, %swap3A_527] {strides = array<i32>} : memref<4x4x1024xf32, #tpu.memory_space<vmem>>, vector<1x1x16xf32>,
        %swap3A_529 = vector.shape_cast %swap3A_528 : vector<1x1x16xf32> to vector<16xf32>
        %swap3A_530 = vector.shape_cast %get3A_524 : vector<16xf32> to vector<1x1x16xf32>
        tpu.vector_store %arg9[%swap3A_525, %swap3A_526, %swap3A_527], %swap3A_530 {add = true, strides = array<i32>} : memref<4x4x1024xf32, #tpu.memory_space<vmem>>, vector<1x1x16xf32>,
        %get3A_531 = arith.index_cast %scan3A_122 : i32 to index
        %get3A_532 = arith.constant 624 : index
        %get3A_533 = tpu.vector_load %arg7[%get3A_531, %get3A_532] {strides = array<i32>} : memref<16x1024xf32, #tpu.memory_space<vmem>>, vector<1x16xf32>,
        %get3A_534 = vector.shape_cast %get3A_533 : vector<1x16xf32> to vector<16xf32>
        %swap3A_535 = arith.index_cast %select_n3A : i32 to index
        %swap3A_536 = arith.index_cast %rem3A_142 : i32 to index
        %swap3A_537 = arith.constant 624 : index
        %swap3A_538 = tpu.vector_load %arg9[%swap3A_535, %swap3A_536, %swap3A_537] {strides = array<i32>} : memref<4x4x1024xf32, #tpu.memory_space<vmem>>, vector<1x1x16xf32>,
        %swap3A_539 = vector.shape_cast %swap3A_538 : vector<1x1x16xf32> to vector<16xf32>
        %swap3A_540 = vector.shape_cast %get3A_534 : vector<16xf32> to vector<1x1x16xf32>
        tpu.vector_store %arg9[%swap3A_535, %swap3A_536, %swap3A_537], %swap3A_540 {add = true, strides = array<i32>} : memref<4x4x1024xf32, #tpu.memory_space<vmem>>, vector<1x1x16xf32>,
        %get3A_541 = arith.index_cast %scan3A_122 : i32 to index
        %get3A_542 = arith.constant 640 : index
        %get3A_543 = tpu.vector_load %arg7[%get3A_541, %get3A_542] {strides = array<i32>} : memref<16x1024xf32, #tpu.memory_space<vmem>>, vector<1x16xf32>,
        %get3A_544 = vector.shape_cast %get3A_543 : vector<1x16xf32> to vector<16xf32>
        %swap3A_545 = arith.index_cast %select_n3A : i32 to index
        %swap3A_546 = arith.index_cast %rem3A_142 : i32 to index
        %swap3A_547 = arith.constant 640 : index
        %swap3A_548 = tpu.vector_load %arg9[%swap3A_545, %swap3A_546, %swap3A_547] {strides = array<i32>} : memref<4x4x1024xf32, #tpu.memory_space<vmem>>, vector<1x1x16xf32>,
        %swap3A_549 = vector.shape_cast %swap3A_548 : vector<1x1x16xf32> to vector<16xf32>
        %swap3A_550 = vector.shape_cast %get3A_544 : vector<16xf32> to vector<1x1x16xf32>
        tpu.vector_store %arg9[%swap3A_545, %swap3A_546, %swap3A_547], %swap3A_550 {add = true, strides = array<i32>} : memref<4x4x1024xf32, #tpu.memory_space<vmem>>, vector<1x1x16xf32>,
        %get3A_551 = arith.index_cast %scan3A_122 : i32 to index
        %get3A_552 = arith.constant 656 : index
        %get3A_553 = tpu.vector_load %arg7[%get3A_551, %get3A_552] {strides = array<i32>} : memref<16x1024xf32, #tpu.memory_space<vmem>>, vector<1x16xf32>,
        %get3A_554 = vector.shape_cast %get3A_553 : vector<1x16xf32> to vector<16xf32>
        %swap3A_555 = arith.index_cast %select_n3A : i32 to index
        %swap3A_556 = arith.index_cast %rem3A_142 : i32 to index
        %swap3A_557 = arith.constant 656 : index
        %swap3A_558 = tpu.vector_load %arg9[%swap3A_555, %swap3A_556, %swap3A_557] {strides = array<i32>} : memref<4x4x1024xf32, #tpu.memory_space<vmem>>, vector<1x1x16xf32>,
        %swap3A_559 = vector.shape_cast %swap3A_558 : vector<1x1x16xf32> to vector<16xf32>
        %swap3A_560 = vector.shape_cast %get3A_554 : vector<16xf32> to vector<1x1x16xf32>
        tpu.vector_store %arg9[%swap3A_555, %swap3A_556, %swap3A_557], %swap3A_560 {add = true, strides = array<i32>} : memref<4x4x1024xf32, #tpu.memory_space<vmem>>, vector<1x1x16xf32>,
        %get3A_561 = arith.index_cast %scan3A_122 : i32 to index
        %get3A_562 = arith.constant 672 : index
        %get3A_563 = tpu.vector_load %arg7[%get3A_561, %get3A_562] {strides = array<i32>} : memref<16x1024xf32, #tpu.memory_space<vmem>>, vector<1x16xf32>,
        %get3A_564 = vector.shape_cast %get3A_563 : vector<1x16xf32> to vector<16xf32>
        %swap3A_565 = arith.index_cast %select_n3A : i32 to index
        %swap3A_566 = arith.index_cast %rem3A_142 : i32 to index
        %swap3A_567 = arith.constant 672 : index
        %swap3A_568 = tpu.vector_load %arg9[%swap3A_565, %swap3A_566, %swap3A_567] {strides = array<i32>} : memref<4x4x1024xf32, #tpu.memory_space<vmem>>, vector<1x1x16xf32>,
        %swap3A_569 = vector.shape_cast %swap3A_568 : vector<1x1x16xf32> to vector<16xf32>
        %swap3A_570 = vector.shape_cast %get3A_564 : vector<16xf32> to vector<1x1x16xf32>
        tpu.vector_store %arg9[%swap3A_565, %swap3A_566, %swap3A_567], %swap3A_570 {add = true, strides = array<i32>} : memref<4x4x1024xf32, #tpu.memory_space<vmem>>, vector<1x1x16xf32>,
        %get3A_571 = arith.index_cast %scan3A_122 : i32 to index
        %get3A_572 = arith.constant 688 : index
        %get3A_573 = tpu.vector_load %arg7[%get3A_571, %get3A_572] {strides = array<i32>} : memref<16x1024xf32, #tpu.memory_space<vmem>>, vector<1x16xf32>,
        %get3A_574 = vector.shape_cast %get3A_573 : vector<1x16xf32> to vector<16xf32>
        %swap3A_575 = arith.index_cast %select_n3A : i32 to index
        %swap3A_576 = arith.index_cast %rem3A_142 : i32 to index
        %swap3A_577 = arith.constant 688 : index
        %swap3A_578 = tpu.vector_load %arg9[%swap3A_575, %swap3A_576, %swap3A_577] {strides = array<i32>} : memref<4x4x1024xf32, #tpu.memory_space<vmem>>, vector<1x1x16xf32>,
        %swap3A_579 = vector.shape_cast %swap3A_578 : vector<1x1x16xf32> to vector<16xf32>
        %swap3A_580 = vector.shape_cast %get3A_574 : vector<16xf32> to vector<1x1x16xf32>
        tpu.vector_store %arg9[%swap3A_575, %swap3A_576, %swap3A_577], %swap3A_580 {add = true, strides = array<i32>} : memref<4x4x1024xf32, #tpu.memory_space<vmem>>, vector<1x1x16xf32>,
        %get3A_581 = arith.index_cast %scan3A_122 : i32 to index
        %get3A_582 = arith.constant 704 : index
        %get3A_583 = tpu.vector_load %arg7[%get3A_581, %get3A_582] {strides = array<i32>} : memref<16x1024xf32, #tpu.memory_space<vmem>>, vector<1x16xf32>,
        %get3A_584 = vector.shape_cast %get3A_583 : vector<1x16xf32> to vector<16xf32>
        %swap3A_585 = arith.index_cast %select_n3A : i32 to index
        %swap3A_586 = arith.index_cast %rem3A_142 : i32 to index
        %swap3A_587 = arith.constant 704 : index
        %swap3A_588 = tpu.vector_load %arg9[%swap3A_585, %swap3A_586, %swap3A_587] {strides = array<i32>} : memref<4x4x1024xf32, #tpu.memory_space<vmem>>, vector<1x1x16xf32>,
        %swap3A_589 = vector.shape_cast %swap3A_588 : vector<1x1x16xf32> to vector<16xf32>
        %swap3A_590 = vector.shape_cast %get3A_584 : vector<16xf32> to vector<1x1x16xf32>
        tpu.vector_store %arg9[%swap3A_585, %swap3A_586, %swap3A_587], %swap3A_590 {add = true, strides = array<i32>} : memref<4x4x1024xf32, #tpu.memory_space<vmem>>, vector<1x1x16xf32>,
        %get3A_591 = arith.index_cast %scan3A_122 : i32 to index
        %get3A_592 = arith.constant 720 : index
        %get3A_593 = tpu.vector_load %arg7[%get3A_591, %get3A_592] {strides = array<i32>} : memref<16x1024xf32, #tpu.memory_space<vmem>>, vector<1x16xf32>,
        %get3A_594 = vector.shape_cast %get3A_593 : vector<1x16xf32> to vector<16xf32>
        %swap3A_595 = arith.index_cast %select_n3A : i32 to index
        %swap3A_596 = arith.index_cast %rem3A_142 : i32 to index
        %swap3A_597 = arith.constant 720 : index
        %swap3A_598 = tpu.vector_load %arg9[%swap3A_595, %swap3A_596, %swap3A_597] {strides = array<i32>} : memref<4x4x1024xf32, #tpu.memory_space<vmem>>, vector<1x1x16xf32>,
        %swap3A_599 = vector.shape_cast %swap3A_598 : vector<1x1x16xf32> to vector<16xf32>
        %swap3A_600 = vector.shape_cast %get3A_594 : vector<16xf32> to vector<1x1x16xf32>
        tpu.vector_store %arg9[%swap3A_595, %swap3A_596, %swap3A_597], %swap3A_600 {add = true, strides = array<i32>} : memref<4x4x1024xf32, #tpu.memory_space<vmem>>, vector<1x1x16xf32>,
        %get3A_601 = arith.index_cast %scan3A_122 : i32 to index
        %get3A_602 = arith.constant 736 : index
        %get3A_603 = tpu.vector_load %arg7[%get3A_601, %get3A_602] {strides = array<i32>} : memref<16x1024xf32, #tpu.memory_space<vmem>>, vector<1x16xf32>,
        %get3A_604 = vector.shape_cast %get3A_603 : vector<1x16xf32> to vector<16xf32>
        %swap3A_605 = arith.index_cast %select_n3A : i32 to index
        %swap3A_606 = arith.index_cast %rem3A_142 : i32 to index
        %swap3A_607 = arith.constant 736 : index
        %swap3A_608 = tpu.vector_load %arg9[%swap3A_605, %swap3A_606, %swap3A_607] {strides = array<i32>} : memref<4x4x1024xf32, #tpu.memory_space<vmem>>, vector<1x1x16xf32>,
        %swap3A_609 = vector.shape_cast %swap3A_608 : vector<1x1x16xf32> to vector<16xf32>
        %swap3A_610 = vector.shape_cast %get3A_604 : vector<16xf32> to vector<1x1x16xf32>
        tpu.vector_store %arg9[%swap3A_605, %swap3A_606, %swap3A_607], %swap3A_610 {add = true, strides = array<i32>} : memref<4x4x1024xf32, #tpu.memory_space<vmem>>, vector<1x1x16xf32>,
        %get3A_611 = arith.index_cast %scan3A_122 : i32 to index
        %get3A_612 = arith.constant 752 : index
        %get3A_613 = tpu.vector_load %arg7[%get3A_611, %get3A_612] {strides = array<i32>} : memref<16x1024xf32, #tpu.memory_space<vmem>>, vector<1x16xf32>,
        %get3A_614 = vector.shape_cast %get3A_613 : vector<1x16xf32> to vector<16xf32>
        %swap3A_615 = arith.index_cast %select_n3A : i32 to index
        %swap3A_616 = arith.index_cast %rem3A_142 : i32 to index
        %swap3A_617 = arith.constant 752 : index
        %swap3A_618 = tpu.vector_load %arg9[%swap3A_615, %swap3A_616, %swap3A_617] {strides = array<i32>} : memref<4x4x1024xf32, #tpu.memory_space<vmem>>, vector<1x1x16xf32>,
        %swap3A_619 = vector.shape_cast %swap3A_618 : vector<1x1x16xf32> to vector<16xf32>
        %swap3A_620 = vector.shape_cast %get3A_614 : vector<16xf32> to vector<1x1x16xf32>
        tpu.vector_store %arg9[%swap3A_615, %swap3A_616, %swap3A_617], %swap3A_620 {add = true, strides = array<i32>} : memref<4x4x1024xf32, #tpu.memory_space<vmem>>, vector<1x1x16xf32>,
        %get3A_621 = arith.index_cast %scan3A_122 : i32 to index
        %get3A_622 = arith.constant 768 : index
        %get3A_623 = tpu.vector_load %arg7[%get3A_621, %get3A_622] {strides = array<i32>} : memref<16x1024xf32, #tpu.memory_space<vmem>>, vector<1x16xf32>,
        %get3A_624 = vector.shape_cast %get3A_623 : vector<1x16xf32> to vector<16xf32>
        %swap3A_625 = arith.index_cast %select_n3A : i32 to index
        %swap3A_626 = arith.index_cast %rem3A_142 : i32 to index
        %swap3A_627 = arith.constant 768 : index
        %swap3A_628 = tpu.vector_load %arg9[%swap3A_625, %swap3A_626, %swap3A_627] {strides = array<i32>} : memref<4x4x1024xf32, #tpu.memory_space<vmem>>, vector<1x1x16xf32>,
        %swap3A_629 = vector.shape_cast %swap3A_628 : vector<1x1x16xf32> to vector<16xf32>
        %swap3A_630 = vector.shape_cast %get3A_624 : vector<16xf32> to vector<1x1x16xf32>
        tpu.vector_store %arg9[%swap3A_625, %swap3A_626, %swap3A_627], %swap3A_630 {add = true, strides = array<i32>} : memref<4x4x1024xf32, #tpu.memory_space<vmem>>, vector<1x1x16xf32>,
        %get3A_631 = arith.index_cast %scan3A_122 : i32 to index
        %get3A_632 = arith.constant 784 : index
        %get3A_633 = tpu.vector_load %arg7[%get3A_631, %get3A_632] {strides = array<i32>} : memref<16x1024xf32, #tpu.memory_space<vmem>>, vector<1x16xf32>,
        %get3A_634 = vector.shape_cast %get3A_633 : vector<1x16xf32> to vector<16xf32>
        %swap3A_635 = arith.index_cast %select_n3A : i32 to index
        %swap3A_636 = arith.index_cast %rem3A_142 : i32 to index
        %swap3A_637 = arith.constant 784 : index
        %swap3A_638 = tpu.vector_load %arg9[%swap3A_635, %swap3A_636, %swap3A_637] {strides = array<i32>} : memref<4x4x1024xf32, #tpu.memory_space<vmem>>, vector<1x1x16xf32>,
        %swap3A_639 = vector.shape_cast %swap3A_638 : vector<1x1x16xf32> to vector<16xf32>
        %swap3A_640 = vector.shape_cast %get3A_634 : vector<16xf32> to vector<1x1x16xf32>
        tpu.vector_store %arg9[%swap3A_635, %swap3A_636, %swap3A_637], %swap3A_640 {add = true, strides = array<i32>} : memref<4x4x1024xf32, #tpu.memory_space<vmem>>, vector<1x1x16xf32>,
        %get3A_641 = arith.index_cast %scan3A_122 : i32 to index
        %get3A_642 = arith.constant 800 : index
        %get3A_643 = tpu.vector_load %arg7[%get3A_641, %get3A_642] {strides = array<i32>} : memref<16x1024xf32, #tpu.memory_space<vmem>>, vector<1x16xf32>,
        %get3A_644 = vector.shape_cast %get3A_643 : vector<1x16xf32> to vector<16xf32>
        %swap3A_645 = arith.index_cast %select_n3A : i32 to index
        %swap3A_646 = arith.index_cast %rem3A_142 : i32 to index
        %swap3A_647 = arith.constant 800 : index
        %swap3A_648 = tpu.vector_load %arg9[%swap3A_645, %swap3A_646, %swap3A_647] {strides = array<i32>} : memref<4x4x1024xf32, #tpu.memory_space<vmem>>, vector<1x1x16xf32>,
        %swap3A_649 = vector.shape_cast %swap3A_648 : vector<1x1x16xf32> to vector<16xf32>
        %swap3A_650 = vector.shape_cast %get3A_644 : vector<16xf32> to vector<1x1x16xf32>
        tpu.vector_store %arg9[%swap3A_645, %swap3A_646, %swap3A_647], %swap3A_650 {add = true, strides = array<i32>} : memref<4x4x1024xf32, #tpu.memory_space<vmem>>, vector<1x1x16xf32>,
        %get3A_651 = arith.index_cast %scan3A_122 : i32 to index
        %get3A_652 = arith.constant 816 : index
        %get3A_653 = tpu.vector_load %arg7[%get3A_651, %get3A_652] {strides = array<i32>} : memref<16x1024xf32, #tpu.memory_space<vmem>>, vector<1x16xf32>,
        %get3A_654 = vector.shape_cast %get3A_653 : vector<1x16xf32> to vector<16xf32>
        %swap3A_655 = arith.index_cast %select_n3A : i32 to index
        %swap3A_656 = arith.index_cast %rem3A_142 : i32 to index
        %swap3A_657 = arith.constant 816 : index
        %swap3A_658 = tpu.vector_load %arg9[%swap3A_655, %swap3A_656, %swap3A_657] {strides = array<i32>} : memref<4x4x1024xf32, #tpu.memory_space<vmem>>, vector<1x1x16xf32>,
        %swap3A_659 = vector.shape_cast %swap3A_658 : vector<1x1x16xf32> to vector<16xf32>
        %swap3A_660 = vector.shape_cast %get3A_654 : vector<16xf32> to vector<1x1x16xf32>
        tpu.vector_store %arg9[%swap3A_655, %swap3A_656, %swap3A_657], %swap3A_660 {add = true, strides = array<i32>} : memref<4x4x1024xf32, #tpu.memory_space<vmem>>, vector<1x1x16xf32>,
        %get3A_661 = arith.index_cast %scan3A_122 : i32 to index
        %get3A_662 = arith.constant 832 : index
        %get3A_663 = tpu.vector_load %arg7[%get3A_661, %get3A_662] {strides = array<i32>} : memref<16x1024xf32, #tpu.memory_space<vmem>>, vector<1x16xf32>,
        %get3A_664 = vector.shape_cast %get3A_663 : vector<1x16xf32> to vector<16xf32>
        %swap3A_665 = arith.index_cast %select_n3A : i32 to index
        %swap3A_666 = arith.index_cast %rem3A_142 : i32 to index
        %swap3A_667 = arith.constant 832 : index
        %swap3A_668 = tpu.vector_load %arg9[%swap3A_665, %swap3A_666, %swap3A_667] {strides = array<i32>} : memref<4x4x1024xf32, #tpu.memory_space<vmem>>, vector<1x1x16xf32>,
        %swap3A_669 = vector.shape_cast %swap3A_668 : vector<1x1x16xf32> to vector<16xf32>
        %swap3A_670 = vector.shape_cast %get3A_664 : vector<16xf32> to vector<1x1x16xf32>
        tpu.vector_store %arg9[%swap3A_665, %swap3A_666, %swap3A_667], %swap3A_670 {add = true, strides = array<i32>} : memref<4x4x1024xf32, #tpu.memory_space<vmem>>, vector<1x1x16xf32>,
        %get3A_671 = arith.index_cast %scan3A_122 : i32 to index
        %get3A_672 = arith.constant 848 : index
        %get3A_673 = tpu.vector_load %arg7[%get3A_671, %get3A_672] {strides = array<i32>} : memref<16x1024xf32, #tpu.memory_space<vmem>>, vector<1x16xf32>,
        %get3A_674 = vector.shape_cast %get3A_673 : vector<1x16xf32> to vector<16xf32>
        %swap3A_675 = arith.index_cast %select_n3A : i32 to index
        %swap3A_676 = arith.index_cast %rem3A_142 : i32 to index
        %swap3A_677 = arith.constant 848 : index
        %swap3A_678 = tpu.vector_load %arg9[%swap3A_675, %swap3A_676, %swap3A_677] {strides = array<i32>} : memref<4x4x1024xf32, #tpu.memory_space<vmem>>, vector<1x1x16xf32>,
        %swap3A_679 = vector.shape_cast %swap3A_678 : vector<1x1x16xf32> to vector<16xf32>
        %swap3A_680 = vector.shape_cast %get3A_674 : vector<16xf32> to vector<1x1x16xf32>
        tpu.vector_store %arg9[%swap3A_675, %swap3A_676, %swap3A_677], %swap3A_680 {add = true, strides = array<i32>} : memref<4x4x1024xf32, #tpu.memory_space<vmem>>, vector<1x1x16xf32>,
        %get3A_681 = arith.index_cast %scan3A_122 : i32 to index
        %get3A_682 = arith.constant 864 : index
        %get3A_683 = tpu.vector_load %arg7[%get3A_681, %get3A_682] {strides = array<i32>} : memref<16x1024xf32, #tpu.memory_space<vmem>>, vector<1x16xf32>,
        %get3A_684 = vector.shape_cast %get3A_683 : vector<1x16xf32> to vector<16xf32>
        %swap3A_685 = arith.index_cast %select_n3A : i32 to index
        %swap3A_686 = arith.index_cast %rem3A_142 : i32 to index
        %swap3A_687 = arith.constant 864 : index
        %swap3A_688 = tpu.vector_load %arg9[%swap3A_685, %swap3A_686, %swap3A_687] {strides = array<i32>} : memref<4x4x1024xf32, #tpu.memory_space<vmem>>, vector<1x1x16xf32>,
        %swap3A_689 = vector.shape_cast %swap3A_688 : vector<1x1x16xf32> to vector<16xf32>
        %swap3A_690 = vector.shape_cast %get3A_684 : vector<16xf32> to vector<1x1x16xf32>
        tpu.vector_store %arg9[%swap3A_685, %swap3A_686, %swap3A_687], %swap3A_690 {add = true, strides = array<i32>} : memref<4x4x1024xf32, #tpu.memory_space<vmem>>, vector<1x1x16xf32>,
        %get3A_691 = arith.index_cast %scan3A_122 : i32 to index
        %get3A_692 = arith.constant 880 : index
        %get3A_693 = tpu.vector_load %arg7[%get3A_691, %get3A_692] {strides = array<i32>} : memref<16x1024xf32, #tpu.memory_space<vmem>>, vector<1x16xf32>,
        %get3A_694 = vector.shape_cast %get3A_693 : vector<1x16xf32> to vector<16xf32>
        %swap3A_695 = arith.index_cast %select_n3A : i32 to index
        %swap3A_696 = arith.index_cast %rem3A_142 : i32 to index
        %swap3A_697 = arith.constant 880 : index
        %swap3A_698 = tpu.vector_load %arg9[%swap3A_695, %swap3A_696, %swap3A_697] {strides = array<i32>} : memref<4x4x1024xf32, #tpu.memory_space<vmem>>, vector<1x1x16xf32>,
        %swap3A_699 = vector.shape_cast %swap3A_698 : vector<1x1x16xf32> to vector<16xf32>
        %swap3A_700 = vector.shape_cast %get3A_694 : vector<16xf32> to vector<1x1x16xf32>
        tpu.vector_store %arg9[%swap3A_695, %swap3A_696, %swap3A_697], %swap3A_700 {add = true, strides = array<i32>} : memref<4x4x1024xf32, #tpu.memory_space<vmem>>, vector<1x1x16xf32>,
        %get3A_701 = arith.index_cast %scan3A_122 : i32 to index
        %get3A_702 = arith.constant 896 : index
        %get3A_703 = tpu.vector_load %arg7[%get3A_701, %get3A_702] {strides = array<i32>} : memref<16x1024xf32, #tpu.memory_space<vmem>>, vector<1x16xf32>,
        %get3A_704 = vector.shape_cast %get3A_703 : vector<1x16xf32> to vector<16xf32>
        %swap3A_705 = arith.index_cast %select_n3A : i32 to index
        %swap3A_706 = arith.index_cast %rem3A_142 : i32 to index
        %swap3A_707 = arith.constant 896 : index
        %swap3A_708 = tpu.vector_load %arg9[%swap3A_705, %swap3A_706, %swap3A_707] {strides = array<i32>} : memref<4x4x1024xf32, #tpu.memory_space<vmem>>, vector<1x1x16xf32>,
        %swap3A_709 = vector.shape_cast %swap3A_708 : vector<1x1x16xf32> to vector<16xf32>
        %swap3A_710 = vector.shape_cast %get3A_704 : vector<16xf32> to vector<1x1x16xf32>
        tpu.vector_store %arg9[%swap3A_705, %swap3A_706, %swap3A_707], %swap3A_710 {add = true, strides = array<i32>} : memref<4x4x1024xf32, #tpu.memory_space<vmem>>, vector<1x1x16xf32>,
        %get3A_711 = arith.index_cast %scan3A_122 : i32 to index
        %get3A_712 = arith.constant 912 : index
        %get3A_713 = tpu.vector_load %arg7[%get3A_711, %get3A_712] {strides = array<i32>} : memref<16x1024xf32, #tpu.memory_space<vmem>>, vector<1x16xf32>,
        %get3A_714 = vector.shape_cast %get3A_713 : vector<1x16xf32> to vector<16xf32>
        %swap3A_715 = arith.index_cast %select_n3A : i32 to index
        %swap3A_716 = arith.index_cast %rem3A_142 : i32 to index
        %swap3A_717 = arith.constant 912 : index
        %swap3A_718 = tpu.vector_load %arg9[%swap3A_715, %swap3A_716, %swap3A_717] {strides = array<i32>} : memref<4x4x1024xf32, #tpu.memory_space<vmem>>, vector<1x1x16xf32>,
        %swap3A_719 = vector.shape_cast %swap3A_718 : vector<1x1x16xf32> to vector<16xf32>
        %swap3A_720 = vector.shape_cast %get3A_714 : vector<16xf32> to vector<1x1x16xf32>
        tpu.vector_store %arg9[%swap3A_715, %swap3A_716, %swap3A_717], %swap3A_720 {add = true, strides = array<i32>} : memref<4x4x1024xf32, #tpu.memory_space<vmem>>, vector<1x1x16xf32>,
        %get3A_721 = arith.index_cast %scan3A_122 : i32 to index
        %get3A_722 = arith.constant 928 : index
        %get3A_723 = tpu.vector_load %arg7[%get3A_721, %get3A_722] {strides = array<i32>} : memref<16x1024xf32, #tpu.memory_space<vmem>>, vector<1x16xf32>,
        %get3A_724 = vector.shape_cast %get3A_723 : vector<1x16xf32> to vector<16xf32>
        %swap3A_725 = arith.index_cast %select_n3A : i32 to index
        %swap3A_726 = arith.index_cast %rem3A_142 : i32 to index
        %swap3A_727 = arith.constant 928 : index
        %swap3A_728 = tpu.vector_load %arg9[%swap3A_725, %swap3A_726, %swap3A_727] {strides = array<i32>} : memref<4x4x1024xf32, #tpu.memory_space<vmem>>, vector<1x1x16xf32>,
        %swap3A_729 = vector.shape_cast %swap3A_728 : vector<1x1x16xf32> to vector<16xf32>
        %swap3A_730 = vector.shape_cast %get3A_724 : vector<16xf32> to vector<1x1x16xf32>
        tpu.vector_store %arg9[%swap3A_725, %swap3A_726, %swap3A_727], %swap3A_730 {add = true, strides = array<i32>} : memref<4x4x1024xf32, #tpu.memory_space<vmem>>, vector<1x1x16xf32>,
        %get3A_731 = arith.index_cast %scan3A_122 : i32 to index
        %get3A_732 = arith.constant 944 : index
        %get3A_733 = tpu.vector_load %arg7[%get3A_731, %get3A_732] {strides = array<i32>} : memref<16x1024xf32, #tpu.memory_space<vmem>>, vector<1x16xf32>,
        %get3A_734 = vector.shape_cast %get3A_733 : vector<1x16xf32> to vector<16xf32>
        %swap3A_735 = arith.index_cast %select_n3A : i32 to index
        %swap3A_736 = arith.index_cast %rem3A_142 : i32 to index
        %swap3A_737 = arith.constant 944 : index
        %swap3A_738 = tpu.vector_load %arg9[%swap3A_735, %swap3A_736, %swap3A_737] {strides = array<i32>} : memref<4x4x1024xf32, #tpu.memory_space<vmem>>, vector<1x1x16xf32>,
        %swap3A_739 = vector.shape_cast %swap3A_738 : vector<1x1x16xf32> to vector<16xf32>
        %swap3A_740 = vector.shape_cast %get3A_734 : vector<16xf32> to vector<1x1x16xf32>
        tpu.vector_store %arg9[%swap3A_735, %swap3A_736, %swap3A_737], %swap3A_740 {add = true, strides = array<i32>} : memref<4x4x1024xf32, #tpu.memory_space<vmem>>, vector<1x1x16xf32>,
        %get3A_741 = arith.index_cast %scan3A_122 : i32 to index
        %get3A_742 = arith.constant 960 : index
        %get3A_743 = tpu.vector_load %arg7[%get3A_741, %get3A_742] {strides = array<i32>} : memref<16x1024xf32, #tpu.memory_space<vmem>>, vector<1x16xf32>,
        %get3A_744 = vector.shape_cast %get3A_743 : vector<1x16xf32> to vector<16xf32>
        %swap3A_745 = arith.index_cast %select_n3A : i32 to index
        %swap3A_746 = arith.index_cast %rem3A_142 : i32 to index
        %swap3A_747 = arith.constant 960 : index
        %swap3A_748 = tpu.vector_load %arg9[%swap3A_745, %swap3A_746, %swap3A_747] {strides = array<i32>} : memref<4x4x1024xf32, #tpu.memory_space<vmem>>, vector<1x1x16xf32>,
        %swap3A_749 = vector.shape_cast %swap3A_748 : vector<1x1x16xf32> to vector<16xf32>
        %swap3A_750 = vector.shape_cast %get3A_744 : vector<16xf32> to vector<1x1x16xf32>
        tpu.vector_store %arg9[%swap3A_745, %swap3A_746, %swap3A_747], %swap3A_750 {add = true, strides = array<i32>} : memref<4x4x1024xf32, #tpu.memory_space<vmem>>, vector<1x1x16xf32>,
        %get3A_751 = arith.index_cast %scan3A_122 : i32 to index
        %get3A_752 = arith.constant 976 : index
        %get3A_753 = tpu.vector_load %arg7[%get3A_751, %get3A_752] {strides = array<i32>} : memref<16x1024xf32, #tpu.memory_space<vmem>>, vector<1x16xf32>,
        %get3A_754 = vector.shape_cast %get3A_753 : vector<1x16xf32> to vector<16xf32>
        %swap3A_755 = arith.index_cast %select_n3A : i32 to index
        %swap3A_756 = arith.index_cast %rem3A_142 : i32 to index
        %swap3A_757 = arith.constant 976 : index
        %swap3A_758 = tpu.vector_load %arg9[%swap3A_755, %swap3A_756, %swap3A_757] {strides = array<i32>} : memref<4x4x1024xf32, #tpu.memory_space<vmem>>, vector<1x1x16xf32>,
        %swap3A_759 = vector.shape_cast %swap3A_758 : vector<1x1x16xf32> to vector<16xf32>
        %swap3A_760 = vector.shape_cast %get3A_754 : vector<16xf32> to vector<1x1x16xf32>
        tpu.vector_store %arg9[%swap3A_755, %swap3A_756, %swap3A_757], %swap3A_760 {add = true, strides = array<i32>} : memref<4x4x1024xf32, #tpu.memory_space<vmem>>, vector<1x1x16xf32>,
        %get3A_761 = arith.index_cast %scan3A_122 : i32 to index
        %get3A_762 = arith.constant 992 : index
        %get3A_763 = tpu.vector_load %arg7[%get3A_761, %get3A_762] {strides = array<i32>} : memref<16x1024xf32, #tpu.memory_space<vmem>>, vector<1x16xf32>,
        %get3A_764 = vector.shape_cast %get3A_763 : vector<1x16xf32> to vector<16xf32>
        %swap3A_765 = arith.index_cast %select_n3A : i32 to index
        %swap3A_766 = arith.index_cast %rem3A_142 : i32 to index
        %swap3A_767 = arith.constant 992 : index
        %swap3A_768 = tpu.vector_load %arg9[%swap3A_765, %swap3A_766, %swap3A_767] {strides = array<i32>} : memref<4x4x1024xf32, #tpu.memory_space<vmem>>, vector<1x1x16xf32>,
        %swap3A_769 = vector.shape_cast %swap3A_768 : vector<1x1x16xf32> to vector<16xf32>
        %swap3A_770 = vector.shape_cast %get3A_764 : vector<16xf32> to vector<1x1x16xf32>
        tpu.vector_store %arg9[%swap3A_765, %swap3A_766, %swap3A_767], %swap3A_770 {add = true, strides = array<i32>} : memref<4x4x1024xf32, #tpu.memory_space<vmem>>, vector<1x1x16xf32>,
        %get3A_771 = arith.index_cast %scan3A_122 : i32 to index
        %get3A_772 = arith.constant 1008 : index
        %get3A_773 = tpu.vector_load %arg7[%get3A_771, %get3A_772] {strides = array<i32>} : memref<16x1024xf32, #tpu.memory_space<vmem>>, vector<1x16xf32>,
        %get3A_774 = vector.shape_cast %get3A_773 : vector<1x16xf32> to vector<16xf32>
        %swap3A_775 = arith.index_cast %select_n3A : i32 to index
        %swap3A_776 = arith.index_cast %rem3A_142 : i32 to index
        %swap3A_777 = arith.constant 1008 : index
        %swap3A_778 = tpu.vector_load %arg9[%swap3A_775, %swap3A_776, %swap3A_777] {strides = array<i32>} : memref<4x4x1024xf32, #tpu.memory_space<vmem>>, vector<1x1x16xf32>,
        %swap3A_779 = vector.shape_cast %swap3A_778 : vector<1x1x16xf32> to vector<16xf32>
        %swap3A_780 = vector.shape_cast %get3A_774 : vector<16xf32> to vector<1x1x16xf32>
        tpu.vector_store %arg9[%swap3A_775, %swap3A_776, %swap3A_777], %swap3A_780 {add = true, strides = array<i32>} : memref<4x4x1024xf32, #tpu.memory_space<vmem>>, vector<1x1x16xf32>,
        %scan3A_781 = arith.constant 0 : i32
        scf.yield %scan3A_781 : i32
      }
      %scan3A_65 = arith.constant 16 : i32
      %mul3A_66 = arith.constant 4 : i32
      %mul3A_67 = arith.muli %add3A_36, %mul3A_66 : i32
      %add3A_68 = arith.addi %add3A_4, %mul3A_67 : i32
      %dma_start3A_69 = arith.constant 0 : i32
      %dma_start3A_70 = arith.constant 0 : i32
      %dma_start3A_71 = tpu.memref_slice %arg5[%add3A_68, %dma_start3A_69, %dma_start3A_70] : memref<8192x4x1024xf32, #tpu.memory_space<hbm>> -> memref<4x4x1024xf32, #tpu.memory_space<hbm>>
      %dma_start3A_72 = arith.constant 0 : i32
      %dma_start3A_73 = arith.constant 0 : i32
      %dma_start3A_74 = tpu.memref_slice %arg5[%add3A_68, %dma_start3A_72, %dma_start3A_73] : memref<8192x4x1024xf32, #tpu.memory_space<hbm>> -> memref<4x4x1024xf32, #tpu.memory_space<hbm>>
      tpu.enqueue_dma source(%arg9 : memref<4x4x1024xf32, #tpu.memory_space<vmem>>) target(%dma_start3A_74 : memref<4x4x1024xf32, #tpu.memory_space<hbm>>) target_semaphore(%arg15 : memref<!tpu.dma_semaphore, #tpu.memory_space<semaphore_mem>>)
      %mul3A_75 = arith.constant 2 : i32
      %mul3A_76 = arith.muli %scan3A_31, %mul3A_75 : i32
      %add3A_77 = arith.constant 1 : i32
      %add3A_78 = arith.addi %mul3A_76, %add3A_77 : i32
      %ge3A_79 = arith.constant 1 : i32
      %ge3A_80 = arith.cmpi sge, %add3A_78, %ge3A_79 : i32
      %convert_element_type3A_81 = arith.extui %ge3A_80 : i1 to i32
      %cond3A_82 = arith.constant 0 : i32
      %cond3A_83 = arith.cmpi ne, %convert_element_type3A_81, %cond3A_82 : i32
      scf.if %cond3A_83 {
        %dma_wait3A_122 = arith.constant 0 : i32
        %dma_wait3A_123 = arith.constant 0 : i32
        %dma_wait3A_124 = tpu.memref_slice %arg5[%add3A_4, %dma_wait3A_122, %dma_wait3A_123] : memref<8192x4x1024xf32, #tpu.memory_space<hbm>> -> memref<4x4x1024xf32, #tpu.memory_space<hbm>>
        %dma_wait3A_125 = arith.constant 0 : i32
        %dma_wait3A_126 = arith.constant 0 : i32
        %dma_wait3A_127 = tpu.memref_slice %arg5[%add3A_4, %dma_wait3A_125, %dma_wait3A_126] : memref<8192x4x1024xf32, #tpu.memory_space<hbm>> -> memref<4x4x1024xf32, #tpu.memory_space<hbm>>
        tpu.wait_dma2 semaphore(%arg15 : memref<!tpu.dma_semaphore, #tpu.memory_space<semaphore_mem>>) src(%arg9 : memref<4x4x1024xf32, #tpu.memory_space<vmem>>) dst(%dma_wait3A_127 : memref<4x4x1024xf32, #tpu.memory_space<hbm>>)
      } else {
      }
      %add3A_84 = arith.constant 2 : i32
      %add3A_85 = arith.addi %add3A_78, %add3A_84 : i32
      %sub3A_86 = arith.constant 1 : i32
      %sub3A_87 = arith.subi %add3A_85, %sub3A_86 : i32
      %lt3A_88 = arith.constant 32 : i32
      %lt3A_89 = arith.cmpi slt, %sub3A_87, %lt3A_88 : i32
      %convert_element_type3A_90 = arith.extui %lt3A_89 : i1 to i32
      %cond3A_91 = arith.constant 0 : i32
      %cond3A_92 = arith.cmpi ne, %convert_element_type3A_90, %cond3A_91 : i32
      scf.if %cond3A_92 {
        %add3A_122 = arith.constant 2 : i32
        %add3A_123 = arith.addi %add3A_78, %add3A_122 : i32
        %sub3A_124 = arith.constant 1 : i32
        %sub3A_125 = arith.subi %add3A_123, %sub3A_124 : i32
        %mul3A_126 = arith.constant 16 : i32
        %mul3A_127 = arith.muli %sub3A_125, %mul3A_126 : i32
        %dma_start3A_128 = tpu.memref_slice %arg6[%mul3A_127] : memref<512xi32, #tpu.memory_space<vmem>> -> memref<16xi32, #tpu.memory_space<vmem>>
        %dma_start3A_129 = arith.constant 0 : i32
        %dma_start3A_130 = arith.constant 0 : i32
        %dma_start3A_131 = tpu.memref_slice %arg4[%dma_start3A_129, %dma_start3A_130] : memref<8193x1024xf32, #tpu.memory_space<hbm>> -> memref<8193x1024xf32, #tpu.memory_space<hbm>>
        tpu.enqueue_indirect_dma source(%dma_start3A_131 : memref<8193x1024xf32, #tpu.memory_space<hbm>>) target(%arg7 : memref<16x1024xf32, #tpu.memory_space<vmem>>) offsets(%dma_start3A_128 : memref<16xi32, #tpu.memory_space<vmem>>) semaphore(%arg11 : memref<!tpu.dma_semaphore, #tpu.memory_space<semaphore_mem>>)
        %mul3A_132 = arith.constant 4 : i32
        %mul3A_133 = arith.muli %sub3A_125, %mul3A_132 : i32
        %add3A_134 = arith.addi %add3A_4, %mul3A_133 : i32
        %dma_start3A_135 = arith.constant 0 : i32
        %dma_start3A_136 = arith.constant 0 : i32
        %dma_start3A_137 = tpu.memref_slice %arg3[%add3A_134, %dma_start3A_135, %dma_start3A_136] : memref<8192x4x1024xf32, #tpu.memory_space<hbm>> -> memref<4x4x1024xf32, #tpu.memory_space<hbm>>
        %dma_start3A_138 = arith.constant 0 : i32
        %dma_start3A_139 = arith.constant 0 : i32
        %dma_start3A_140 = tpu.memref_slice %arg3[%add3A_134, %dma_start3A_138, %dma_start3A_139] : memref<8192x4x1024xf32, #tpu.memory_space<hbm>> -> memref<4x4x1024xf32, #tpu.memory_space<hbm>>
        tpu.enqueue_dma source(%dma_start3A_140 : memref<4x4x1024xf32, #tpu.memory_space<hbm>>) target(%arg9 : memref<4x4x1024xf32, #tpu.memory_space<vmem>>) target_semaphore(%arg13 : memref<!tpu.dma_semaphore, #tpu.memory_space<semaphore_mem>>)
      } else {
      }
      %dma_wait3A_93 = arith.constant 0 : i32
      %dma_wait3A_94 = arith.constant 0 : i32
      %dma_wait3A_95 = tpu.memref_slice %arg3[%add3A_4, %dma_wait3A_93, %dma_wait3A_94] : memref<8192x4x1024xf32, #tpu.memory_space<hbm>> -> memref<4x4x1024xf32, #tpu.memory_space<hbm>>
      %dma_wait3A_96 = arith.constant 0 : i32
      %dma_wait3A_97 = arith.constant 0 : i32
      %dma_wait3A_98 = tpu.memref_slice %arg3[%add3A_4, %dma_wait3A_96, %dma_wait3A_97] : memref<8192x4x1024xf32, #tpu.memory_space<hbm>> -> memref<4x4x1024xf32, #tpu.memory_space<hbm>>
      tpu.wait_dma2 semaphore(%arg12 : memref<!tpu.dma_semaphore, #tpu.memory_space<semaphore_mem>>) src(%dma_wait3A_98 : memref<4x4x1024xf32, #tpu.memory_space<hbm>>) dst(%arg8 : memref<16x1024xf32, #tpu.memory_space<vmem>>)
      %dma_wait3A_99 = arith.constant 0 : i32
      %dma_wait3A_100 = arith.constant 0 : i32
      %dma_wait3A_101 = tpu.memref_slice %arg3[%add3A_4, %dma_wait3A_99, %dma_wait3A_100] : memref<8192x4x1024xf32, #tpu.memory_space<hbm>> -> memref<4x4x1024xf32, #tpu.memory_space<hbm>>
      %dma_wait3A_102 = arith.constant 0 : i32
      %dma_wait3A_103 = arith.constant 0 : i32
      %dma_wait3A_104 = tpu.memref_slice %arg3[%add3A_4, %dma_wait3A_102, %dma_wait3A_103] : memref<8192x4x1024xf32, #tpu.memory_space<hbm>> -> memref<4x4x1024xf32, #tpu.memory_space<hbm>>
      tpu.wait_dma2 semaphore(%arg14 : memref<!tpu.dma_semaphore, #tpu.memory_space<semaphore_mem>>) src(%dma_wait3A_104 : memref<4x4x1024xf32, #tpu.memory_space<hbm>>) dst(%arg10 : memref<4x4x1024xf32, #tpu.memory_space<vmem>>)
      %scan3A_105 = arith.constant 0 : i32
      %scan3A_106 = arith.constant 0 : i32
      %scan3A_107 = arith.constant 16 : i32
      %scan3A_108 = arith.addi %scan3A_106, %scan3A_107 : i32
      %scan3A_109 = arith.constant 1 : i32
      %scan3A_110 = scf.for %scan3A_122 = %scan3A_106 to %scan3A_108 step %scan3A_109 iter_args(%scan3A_123 = %scan3A_105) -> (i32)  : i32 {
        %jit3A = arith.constant 4 : i32
        %div3A = arith.divsi %scan3A_122, %jit3A : i32
        %sign3A = arith.constant 0 : i32
        %sign3A_124 = arith.cmpi sgt, %scan3A_122, %sign3A : i32
        %sign3A_125 = arith.extui %sign3A_124 : i1 to i32
        %sign3A_126 = arith.constant 0 : i32
        %sign3A_127 = arith.cmpi slt, %scan3A_122, %sign3A_126 : i32
        %sign3A_128 = arith.extui %sign3A_127 : i1 to i32
        %sign3A_129 = arith.subi %sign3A_125, %sign3A_128 : i32
        %sign3A_130 = arith.constant 0 : i32
        %sign3A_131 = arith.cmpi sgt, %jit3A, %sign3A_130 : i32
        %sign3A_132 = arith.extui %sign3A_131 : i1 to i32
        %sign3A_133 = arith.constant 0 : i32
        %sign3A_134 = arith.cmpi slt, %jit3A, %sign3A_133 : i32
        %sign3A_135 = arith.extui %sign3A_134 : i1 to i32
        %sign3A_136 = arith.subi %sign3A_132, %sign3A_135 : i32
        %ne3A = arith.cmpi ne, %sign3A_129, %sign3A_136 : i32
        %rem3A = arith.remsi %scan3A_122, %jit3A : i32
        %ne3A_137 = arith.constant 0 : i32
        %ne3A_138 = arith.cmpi ne, %rem3A, %ne3A_137 : i32
        %and3A = arith.andi %ne3A, %ne3A_138 : i1
        %sub3A_139 = arith.constant 1 : i32
        %sub3A_140 = arith.subi %div3A, %sub3A_139 : i32
        %select_n3A = arith.select %and3A, %sub3A_140, %div3A : i32
        %rem3A_141 = arith.constant 4 : i32
        %rem3A_142 = arith.remsi %scan3A_122, %rem3A_141 : i32
        %get3A = arith.index_cast %scan3A_122 : i32 to index
        %get3A_143 = arith.constant 0 : index
        %get3A_144 = tpu.vector_load %arg8[%get3A, %get3A_143] {strides = array<i32>} : memref<16x1024xf32, #tpu.memory_space<vmem>>, vector<1x16xf32>,
        %get3A_145 = vector.shape_cast %get3A_144 : vector<1x16xf32> to vector<16xf32>
        %swap3A = arith.index_cast %select_n3A : i32 to index
        %swap3A_146 = arith.index_cast %rem3A_142 : i32 to index
        %swap3A_147 = arith.constant 0 : index
        %swap3A_148 = tpu.vector_load %arg10[%swap3A, %swap3A_146, %swap3A_147] {strides = array<i32>} : memref<4x4x1024xf32, #tpu.memory_space<vmem>>, vector<1x1x16xf32>,
        %swap3A_149 = vector.shape_cast %swap3A_148 : vector<1x1x16xf32> to vector<16xf32>
        %swap3A_150 = vector.shape_cast %get3A_145 : vector<16xf32> to vector<1x1x16xf32>
        tpu.vector_store %arg10[%swap3A, %swap3A_146, %swap3A_147], %swap3A_150 {add = true, strides = array<i32>} : memref<4x4x1024xf32, #tpu.memory_space<vmem>>, vector<1x1x16xf32>,
        %get3A_151 = arith.index_cast %scan3A_122 : i32 to index
        %get3A_152 = arith.constant 16 : index
        %get3A_153 = tpu.vector_load %arg8[%get3A_151, %get3A_152] {strides = array<i32>} : memref<16x1024xf32, #tpu.memory_space<vmem>>, vector<1x16xf32>,
        %get3A_154 = vector.shape_cast %get3A_153 : vector<1x16xf32> to vector<16xf32>
        %swap3A_155 = arith.index_cast %select_n3A : i32 to index
        %swap3A_156 = arith.index_cast %rem3A_142 : i32 to index
        %swap3A_157 = arith.constant 16 : index
        %swap3A_158 = tpu.vector_load %arg10[%swap3A_155, %swap3A_156, %swap3A_157] {strides = array<i32>} : memref<4x4x1024xf32, #tpu.memory_space<vmem>>, vector<1x1x16xf32>,
        %swap3A_159 = vector.shape_cast %swap3A_158 : vector<1x1x16xf32> to vector<16xf32>
        %swap3A_160 = vector.shape_cast %get3A_154 : vector<16xf32> to vector<1x1x16xf32>
        tpu.vector_store %arg10[%swap3A_155, %swap3A_156, %swap3A_157], %swap3A_160 {add = true, strides = array<i32>} : memref<4x4x1024xf32, #tpu.memory_space<vmem>>, vector<1x1x16xf32>,
        %get3A_161 = arith.index_cast %scan3A_122 : i32 to index
        %get3A_162 = arith.constant 32 : index
        %get3A_163 = tpu.vector_load %arg8[%get3A_161, %get3A_162] {strides = array<i32>} : memref<16x1024xf32, #tpu.memory_space<vmem>>, vector<1x16xf32>,
        %get3A_164 = vector.shape_cast %get3A_163 : vector<1x16xf32> to vector<16xf32>
        %swap3A_165 = arith.index_cast %select_n3A : i32 to index
        %swap3A_166 = arith.index_cast %rem3A_142 : i32 to index
        %swap3A_167 = arith.constant 32 : index
        %swap3A_168 = tpu.vector_load %arg10[%swap3A_165, %swap3A_166, %swap3A_167] {strides = array<i32>} : memref<4x4x1024xf32, #tpu.memory_space<vmem>>, vector<1x1x16xf32>,
        %swap3A_169 = vector.shape_cast %swap3A_168 : vector<1x1x16xf32> to vector<16xf32>
        %swap3A_170 = vector.shape_cast %get3A_164 : vector<16xf32> to vector<1x1x16xf32>
        tpu.vector_store %arg10[%swap3A_165, %swap3A_166, %swap3A_167], %swap3A_170 {add = true, strides = array<i32>} : memref<4x4x1024xf32, #tpu.memory_space<vmem>>, vector<1x1x16xf32>,
        %get3A_171 = arith.index_cast %scan3A_122 : i32 to index
        %get3A_172 = arith.constant 48 : index
        %get3A_173 = tpu.vector_load %arg8[%get3A_171, %get3A_172] {strides = array<i32>} : memref<16x1024xf32, #tpu.memory_space<vmem>>, vector<1x16xf32>,
        %get3A_174 = vector.shape_cast %get3A_173 : vector<1x16xf32> to vector<16xf32>
        %swap3A_175 = arith.index_cast %select_n3A : i32 to index
        %swap3A_176 = arith.index_cast %rem3A_142 : i32 to index
        %swap3A_177 = arith.constant 48 : index
        %swap3A_178 = tpu.vector_load %arg10[%swap3A_175, %swap3A_176, %swap3A_177] {strides = array<i32>} : memref<4x4x1024xf32, #tpu.memory_space<vmem>>, vector<1x1x16xf32>,
        %swap3A_179 = vector.shape_cast %swap3A_178 : vector<1x1x16xf32> to vector<16xf32>
        %swap3A_180 = vector.shape_cast %get3A_174 : vector<16xf32> to vector<1x1x16xf32>
        tpu.vector_store %arg10[%swap3A_175, %swap3A_176, %swap3A_177], %swap3A_180 {add = true, strides = array<i32>} : memref<4x4x1024xf32, #tpu.memory_space<vmem>>, vector<1x1x16xf32>,
        %get3A_181 = arith.index_cast %scan3A_122 : i32 to index
        %get3A_182 = arith.constant 64 : index
        %get3A_183 = tpu.vector_load %arg8[%get3A_181, %get3A_182] {strides = array<i32>} : memref<16x1024xf32, #tpu.memory_space<vmem>>, vector<1x16xf32>,
        %get3A_184 = vector.shape_cast %get3A_183 : vector<1x16xf32> to vector<16xf32>
        %swap3A_185 = arith.index_cast %select_n3A : i32 to index
        %swap3A_186 = arith.index_cast %rem3A_142 : i32 to index
        %swap3A_187 = arith.constant 64 : index
        %swap3A_188 = tpu.vector_load %arg10[%swap3A_185, %swap3A_186, %swap3A_187] {strides = array<i32>} : memref<4x4x1024xf32, #tpu.memory_space<vmem>>, vector<1x1x16xf32>,
        %swap3A_189 = vector.shape_cast %swap3A_188 : vector<1x1x16xf32> to vector<16xf32>
        %swap3A_190 = vector.shape_cast %get3A_184 : vector<16xf32> to vector<1x1x16xf32>
        tpu.vector_store %arg10[%swap3A_185, %swap3A_186, %swap3A_187], %swap3A_190 {add = true, strides = array<i32>} : memref<4x4x1024xf32, #tpu.memory_space<vmem>>, vector<1x1x16xf32>,
        %get3A_191 = arith.index_cast %scan3A_122 : i32 to index
        %get3A_192 = arith.constant 80 : index
        %get3A_193 = tpu.vector_load %arg8[%get3A_191, %get3A_192] {strides = array<i32>} : memref<16x1024xf32, #tpu.memory_space<vmem>>, vector<1x16xf32>,
        %get3A_194 = vector.shape_cast %get3A_193 : vector<1x16xf32> to vector<16xf32>
        %swap3A_195 = arith.index_cast %select_n3A : i32 to index
        %swap3A_196 = arith.index_cast %rem3A_142 : i32 to index
        %swap3A_197 = arith.constant 80 : index
        %swap3A_198 = tpu.vector_load %arg10[%swap3A_195, %swap3A_196, %swap3A_197] {strides = array<i32>} : memref<4x4x1024xf32, #tpu.memory_space<vmem>>, vector<1x1x16xf32>,
        %swap3A_199 = vector.shape_cast %swap3A_198 : vector<1x1x16xf32> to vector<16xf32>
        %swap3A_200 = vector.shape_cast %get3A_194 : vector<16xf32> to vector<1x1x16xf32>
        tpu.vector_store %arg10[%swap3A_195, %swap3A_196, %swap3A_197], %swap3A_200 {add = true, strides = array<i32>} : memref<4x4x1024xf32, #tpu.memory_space<vmem>>, vector<1x1x16xf32>,
        %get3A_201 = arith.index_cast %scan3A_122 : i32 to index
        %get3A_202 = arith.constant 96 : index
        %get3A_203 = tpu.vector_load %arg8[%get3A_201, %get3A_202] {strides = array<i32>} : memref<16x1024xf32, #tpu.memory_space<vmem>>, vector<1x16xf32>,
        %get3A_204 = vector.shape_cast %get3A_203 : vector<1x16xf32> to vector<16xf32>
        %swap3A_205 = arith.index_cast %select_n3A : i32 to index
        %swap3A_206 = arith.index_cast %rem3A_142 : i32 to index
        %swap3A_207 = arith.constant 96 : index
        %swap3A_208 = tpu.vector_load %arg10[%swap3A_205, %swap3A_206, %swap3A_207] {strides = array<i32>} : memref<4x4x1024xf32, #tpu.memory_space<vmem>>, vector<1x1x16xf32>,
        %swap3A_209 = vector.shape_cast %swap3A_208 : vector<1x1x16xf32> to vector<16xf32>
        %swap3A_210 = vector.shape_cast %get3A_204 : vector<16xf32> to vector<1x1x16xf32>
        tpu.vector_store %arg10[%swap3A_205, %swap3A_206, %swap3A_207], %swap3A_210 {add = true, strides = array<i32>} : memref<4x4x1024xf32, #tpu.memory_space<vmem>>, vector<1x1x16xf32>,
        %get3A_211 = arith.index_cast %scan3A_122 : i32 to index
        %get3A_212 = arith.constant 112 : index
        %get3A_213 = tpu.vector_load %arg8[%get3A_211, %get3A_212] {strides = array<i32>} : memref<16x1024xf32, #tpu.memory_space<vmem>>, vector<1x16xf32>,
        %get3A_214 = vector.shape_cast %get3A_213 : vector<1x16xf32> to vector<16xf32>
        %swap3A_215 = arith.index_cast %select_n3A : i32 to index
        %swap3A_216 = arith.index_cast %rem3A_142 : i32 to index
        %swap3A_217 = arith.constant 112 : index
        %swap3A_218 = tpu.vector_load %arg10[%swap3A_215, %swap3A_216, %swap3A_217] {strides = array<i32>} : memref<4x4x1024xf32, #tpu.memory_space<vmem>>, vector<1x1x16xf32>,
        %swap3A_219 = vector.shape_cast %swap3A_218 : vector<1x1x16xf32> to vector<16xf32>
        %swap3A_220 = vector.shape_cast %get3A_214 : vector<16xf32> to vector<1x1x16xf32>
        tpu.vector_store %arg10[%swap3A_215, %swap3A_216, %swap3A_217], %swap3A_220 {add = true, strides = array<i32>} : memref<4x4x1024xf32, #tpu.memory_space<vmem>>, vector<1x1x16xf32>,
        %get3A_221 = arith.index_cast %scan3A_122 : i32 to index
        %get3A_222 = arith.constant 128 : index
        %get3A_223 = tpu.vector_load %arg8[%get3A_221, %get3A_222] {strides = array<i32>} : memref<16x1024xf32, #tpu.memory_space<vmem>>, vector<1x16xf32>,
        %get3A_224 = vector.shape_cast %get3A_223 : vector<1x16xf32> to vector<16xf32>
        %swap3A_225 = arith.index_cast %select_n3A : i32 to index
        %swap3A_226 = arith.index_cast %rem3A_142 : i32 to index
        %swap3A_227 = arith.constant 128 : index
        %swap3A_228 = tpu.vector_load %arg10[%swap3A_225, %swap3A_226, %swap3A_227] {strides = array<i32>} : memref<4x4x1024xf32, #tpu.memory_space<vmem>>, vector<1x1x16xf32>,
        %swap3A_229 = vector.shape_cast %swap3A_228 : vector<1x1x16xf32> to vector<16xf32>
        %swap3A_230 = vector.shape_cast %get3A_224 : vector<16xf32> to vector<1x1x16xf32>
        tpu.vector_store %arg10[%swap3A_225, %swap3A_226, %swap3A_227], %swap3A_230 {add = true, strides = array<i32>} : memref<4x4x1024xf32, #tpu.memory_space<vmem>>, vector<1x1x16xf32>,
        %get3A_231 = arith.index_cast %scan3A_122 : i32 to index
        %get3A_232 = arith.constant 144 : index
        %get3A_233 = tpu.vector_load %arg8[%get3A_231, %get3A_232] {strides = array<i32>} : memref<16x1024xf32, #tpu.memory_space<vmem>>, vector<1x16xf32>,
        %get3A_234 = vector.shape_cast %get3A_233 : vector<1x16xf32> to vector<16xf32>
        %swap3A_235 = arith.index_cast %select_n3A : i32 to index
        %swap3A_236 = arith.index_cast %rem3A_142 : i32 to index
        %swap3A_237 = arith.constant 144 : index
        %swap3A_238 = tpu.vector_load %arg10[%swap3A_235, %swap3A_236, %swap3A_237] {strides = array<i32>} : memref<4x4x1024xf32, #tpu.memory_space<vmem>>, vector<1x1x16xf32>,
        %swap3A_239 = vector.shape_cast %swap3A_238 : vector<1x1x16xf32> to vector<16xf32>
        %swap3A_240 = vector.shape_cast %get3A_234 : vector<16xf32> to vector<1x1x16xf32>
        tpu.vector_store %arg10[%swap3A_235, %swap3A_236, %swap3A_237], %swap3A_240 {add = true, strides = array<i32>} : memref<4x4x1024xf32, #tpu.memory_space<vmem>>, vector<1x1x16xf32>,
        %get3A_241 = arith.index_cast %scan3A_122 : i32 to index
        %get3A_242 = arith.constant 160 : index
        %get3A_243 = tpu.vector_load %arg8[%get3A_241, %get3A_242] {strides = array<i32>} : memref<16x1024xf32, #tpu.memory_space<vmem>>, vector<1x16xf32>,
        %get3A_244 = vector.shape_cast %get3A_243 : vector<1x16xf32> to vector<16xf32>
        %swap3A_245 = arith.index_cast %select_n3A : i32 to index
        %swap3A_246 = arith.index_cast %rem3A_142 : i32 to index
        %swap3A_247 = arith.constant 160 : index
        %swap3A_248 = tpu.vector_load %arg10[%swap3A_245, %swap3A_246, %swap3A_247] {strides = array<i32>} : memref<4x4x1024xf32, #tpu.memory_space<vmem>>, vector<1x1x16xf32>,
        %swap3A_249 = vector.shape_cast %swap3A_248 : vector<1x1x16xf32> to vector<16xf32>
        %swap3A_250 = vector.shape_cast %get3A_244 : vector<16xf32> to vector<1x1x16xf32>
        tpu.vector_store %arg10[%swap3A_245, %swap3A_246, %swap3A_247], %swap3A_250 {add = true, strides = array<i32>} : memref<4x4x1024xf32, #tpu.memory_space<vmem>>, vector<1x1x16xf32>,
        %get3A_251 = arith.index_cast %scan3A_122 : i32 to index
        %get3A_252 = arith.constant 176 : index
        %get3A_253 = tpu.vector_load %arg8[%get3A_251, %get3A_252] {strides = array<i32>} : memref<16x1024xf32, #tpu.memory_space<vmem>>, vector<1x16xf32>,
        %get3A_254 = vector.shape_cast %get3A_253 : vector<1x16xf32> to vector<16xf32>
        %swap3A_255 = arith.index_cast %select_n3A : i32 to index
        %swap3A_256 = arith.index_cast %rem3A_142 : i32 to index
        %swap3A_257 = arith.constant 176 : index
        %swap3A_258 = tpu.vector_load %arg10[%swap3A_255, %swap3A_256, %swap3A_257] {strides = array<i32>} : memref<4x4x1024xf32, #tpu.memory_space<vmem>>, vector<1x1x16xf32>,
        %swap3A_259 = vector.shape_cast %swap3A_258 : vector<1x1x16xf32> to vector<16xf32>
        %swap3A_260 = vector.shape_cast %get3A_254 : vector<16xf32> to vector<1x1x16xf32>
        tpu.vector_store %arg10[%swap3A_255, %swap3A_256, %swap3A_257], %swap3A_260 {add = true, strides = array<i32>} : memref<4x4x1024xf32, #tpu.memory_space<vmem>>, vector<1x1x16xf32>,
        %get3A_261 = arith.index_cast %scan3A_122 : i32 to index
        %get3A_262 = arith.constant 192 : index
        %get3A_263 = tpu.vector_load %arg8[%get3A_261, %get3A_262] {strides = array<i32>} : memref<16x1024xf32, #tpu.memory_space<vmem>>, vector<1x16xf32>,
        %get3A_264 = vector.shape_cast %get3A_263 : vector<1x16xf32> to vector<16xf32>
        %swap3A_265 = arith.index_cast %select_n3A : i32 to index
        %swap3A_266 = arith.index_cast %rem3A_142 : i32 to index
        %swap3A_267 = arith.constant 192 : index
        %swap3A_268 = tpu.vector_load %arg10[%swap3A_265, %swap3A_266, %swap3A_267] {strides = array<i32>} : memref<4x4x1024xf32, #tpu.memory_space<vmem>>, vector<1x1x16xf32>,
        %swap3A_269 = vector.shape_cast %swap3A_268 : vector<1x1x16xf32> to vector<16xf32>
        %swap3A_270 = vector.shape_cast %get3A_264 : vector<16xf32> to vector<1x1x16xf32>
        tpu.vector_store %arg10[%swap3A_265, %swap3A_266, %swap3A_267], %swap3A_270 {add = true, strides = array<i32>} : memref<4x4x1024xf32, #tpu.memory_space<vmem>>, vector<1x1x16xf32>,
        %get3A_271 = arith.index_cast %scan3A_122 : i32 to index
        %get3A_272 = arith.constant 208 : index
        %get3A_273 = tpu.vector_load %arg8[%get3A_271, %get3A_272] {strides = array<i32>} : memref<16x1024xf32, #tpu.memory_space<vmem>>, vector<1x16xf32>,
        %get3A_274 = vector.shape_cast %get3A_273 : vector<1x16xf32> to vector<16xf32>
        %swap3A_275 = arith.index_cast %select_n3A : i32 to index
        %swap3A_276 = arith.index_cast %rem3A_142 : i32 to index
        %swap3A_277 = arith.constant 208 : index
        %swap3A_278 = tpu.vector_load %arg10[%swap3A_275, %swap3A_276, %swap3A_277] {strides = array<i32>} : memref<4x4x1024xf32, #tpu.memory_space<vmem>>, vector<1x1x16xf32>,
        %swap3A_279 = vector.shape_cast %swap3A_278 : vector<1x1x16xf32> to vector<16xf32>
        %swap3A_280 = vector.shape_cast %get3A_274 : vector<16xf32> to vector<1x1x16xf32>
        tpu.vector_store %arg10[%swap3A_275, %swap3A_276, %swap3A_277], %swap3A_280 {add = true, strides = array<i32>} : memref<4x4x1024xf32, #tpu.memory_space<vmem>>, vector<1x1x16xf32>,
        %get3A_281 = arith.index_cast %scan3A_122 : i32 to index
        %get3A_282 = arith.constant 224 : index
        %get3A_283 = tpu.vector_load %arg8[%get3A_281, %get3A_282] {strides = array<i32>} : memref<16x1024xf32, #tpu.memory_space<vmem>>, vector<1x16xf32>,
        %get3A_284 = vector.shape_cast %get3A_283 : vector<1x16xf32> to vector<16xf32>
        %swap3A_285 = arith.index_cast %select_n3A : i32 to index
        %swap3A_286 = arith.index_cast %rem3A_142 : i32 to index
        %swap3A_287 = arith.constant 224 : index
        %swap3A_288 = tpu.vector_load %arg10[%swap3A_285, %swap3A_286, %swap3A_287] {strides = array<i32>} : memref<4x4x1024xf32, #tpu.memory_space<vmem>>, vector<1x1x16xf32>,
        %swap3A_289 = vector.shape_cast %swap3A_288 : vector<1x1x16xf32> to vector<16xf32>
        %swap3A_290 = vector.shape_cast %get3A_284 : vector<16xf32> to vector<1x1x16xf32>
        tpu.vector_store %arg10[%swap3A_285, %swap3A_286, %swap3A_287], %swap3A_290 {add = true, strides = array<i32>} : memref<4x4x1024xf32, #tpu.memory_space<vmem>>, vector<1x1x16xf32>,
        %get3A_291 = arith.index_cast %scan3A_122 : i32 to index
        %get3A_292 = arith.constant 240 : index
        %get3A_293 = tpu.vector_load %arg8[%get3A_291, %get3A_292] {strides = array<i32>} : memref<16x1024xf32, #tpu.memory_space<vmem>>, vector<1x16xf32>,
        %get3A_294 = vector.shape_cast %get3A_293 : vector<1x16xf32> to vector<16xf32>
        %swap3A_295 = arith.index_cast %select_n3A : i32 to index
        %swap3A_296 = arith.index_cast %rem3A_142 : i32 to index
        %swap3A_297 = arith.constant 240 : index
        %swap3A_298 = tpu.vector_load %arg10[%swap3A_295, %swap3A_296, %swap3A_297] {strides = array<i32>} : memref<4x4x1024xf32, #tpu.memory_space<vmem>>, vector<1x1x16xf32>,
        %swap3A_299 = vector.shape_cast %swap3A_298 : vector<1x1x16xf32> to vector<16xf32>
        %swap3A_300 = vector.shape_cast %get3A_294 : vector<16xf32> to vector<1x1x16xf32>
        tpu.vector_store %arg10[%swap3A_295, %swap3A_296, %swap3A_297], %swap3A_300 {add = true, strides = array<i32>} : memref<4x4x1024xf32, #tpu.memory_space<vmem>>, vector<1x1x16xf32>,
        %get3A_301 = arith.index_cast %scan3A_122 : i32 to index
        %get3A_302 = arith.constant 256 : index
        %get3A_303 = tpu.vector_load %arg8[%get3A_301, %get3A_302] {strides = array<i32>} : memref<16x1024xf32, #tpu.memory_space<vmem>>, vector<1x16xf32>,
        %get3A_304 = vector.shape_cast %get3A_303 : vector<1x16xf32> to vector<16xf32>
        %swap3A_305 = arith.index_cast %select_n3A : i32 to index
        %swap3A_306 = arith.index_cast %rem3A_142 : i32 to index
        %swap3A_307 = arith.constant 256 : index
        %swap3A_308 = tpu.vector_load %arg10[%swap3A_305, %swap3A_306, %swap3A_307] {strides = array<i32>} : memref<4x4x1024xf32, #tpu.memory_space<vmem>>, vector<1x1x16xf32>,
        %swap3A_309 = vector.shape_cast %swap3A_308 : vector<1x1x16xf32> to vector<16xf32>
        %swap3A_310 = vector.shape_cast %get3A_304 : vector<16xf32> to vector<1x1x16xf32>
        tpu.vector_store %arg10[%swap3A_305, %swap3A_306, %swap3A_307], %swap3A_310 {add = true, strides = array<i32>} : memref<4x4x1024xf32, #tpu.memory_space<vmem>>, vector<1x1x16xf32>,
        %get3A_311 = arith.index_cast %scan3A_122 : i32 to index
        %get3A_312 = arith.constant 272 : index
        %get3A_313 = tpu.vector_load %arg8[%get3A_311, %get3A_312] {strides = array<i32>} : memref<16x1024xf32, #tpu.memory_space<vmem>>, vector<1x16xf32>,
        %get3A_314 = vector.shape_cast %get3A_313 : vector<1x16xf32> to vector<16xf32>
        %swap3A_315 = arith.index_cast %select_n3A : i32 to index
        %swap3A_316 = arith.index_cast %rem3A_142 : i32 to index
        %swap3A_317 = arith.constant 272 : index
        %swap3A_318 = tpu.vector_load %arg10[%swap3A_315, %swap3A_316, %swap3A_317] {strides = array<i32>} : memref<4x4x1024xf32, #tpu.memory_space<vmem>>, vector<1x1x16xf32>,
        %swap3A_319 = vector.shape_cast %swap3A_318 : vector<1x1x16xf32> to vector<16xf32>
        %swap3A_320 = vector.shape_cast %get3A_314 : vector<16xf32> to vector<1x1x16xf32>
        tpu.vector_store %arg10[%swap3A_315, %swap3A_316, %swap3A_317], %swap3A_320 {add = true, strides = array<i32>} : memref<4x4x1024xf32, #tpu.memory_space<vmem>>, vector<1x1x16xf32>,
        %get3A_321 = arith.index_cast %scan3A_122 : i32 to index
        %get3A_322 = arith.constant 288 : index
        %get3A_323 = tpu.vector_load %arg8[%get3A_321, %get3A_322] {strides = array<i32>} : memref<16x1024xf32, #tpu.memory_space<vmem>>, vector<1x16xf32>,
        %get3A_324 = vector.shape_cast %get3A_323 : vector<1x16xf32> to vector<16xf32>
        %swap3A_325 = arith.index_cast %select_n3A : i32 to index
        %swap3A_326 = arith.index_cast %rem3A_142 : i32 to index
        %swap3A_327 = arith.constant 288 : index
        %swap3A_328 = tpu.vector_load %arg10[%swap3A_325, %swap3A_326, %swap3A_327] {strides = array<i32>} : memref<4x4x1024xf32, #tpu.memory_space<vmem>>, vector<1x1x16xf32>,
        %swap3A_329 = vector.shape_cast %swap3A_328 : vector<1x1x16xf32> to vector<16xf32>
        %swap3A_330 = vector.shape_cast %get3A_324 : vector<16xf32> to vector<1x1x16xf32>
        tpu.vector_store %arg10[%swap3A_325, %swap3A_326, %swap3A_327], %swap3A_330 {add = true, strides = array<i32>} : memref<4x4x1024xf32, #tpu.memory_space<vmem>>, vector<1x1x16xf32>,
        %get3A_331 = arith.index_cast %scan3A_122 : i32 to index
        %get3A_332 = arith.constant 304 : index
        %get3A_333 = tpu.vector_load %arg8[%get3A_331, %get3A_332] {strides = array<i32>} : memref<16x1024xf32, #tpu.memory_space<vmem>>, vector<1x16xf32>,
        %get3A_334 = vector.shape_cast %get3A_333 : vector<1x16xf32> to vector<16xf32>
        %swap3A_335 = arith.index_cast %select_n3A : i32 to index
        %swap3A_336 = arith.index_cast %rem3A_142 : i32 to index
        %swap3A_337 = arith.constant 304 : index
        %swap3A_338 = tpu.vector_load %arg10[%swap3A_335, %swap3A_336, %swap3A_337] {strides = array<i32>} : memref<4x4x1024xf32, #tpu.memory_space<vmem>>, vector<1x1x16xf32>,
        %swap3A_339 = vector.shape_cast %swap3A_338 : vector<1x1x16xf32> to vector<16xf32>
        %swap3A_340 = vector.shape_cast %get3A_334 : vector<16xf32> to vector<1x1x16xf32>
        tpu.vector_store %arg10[%swap3A_335, %swap3A_336, %swap3A_337], %swap3A_340 {add = true, strides = array<i32>} : memref<4x4x1024xf32, #tpu.memory_space<vmem>>, vector<1x1x16xf32>,
        %get3A_341 = arith.index_cast %scan3A_122 : i32 to index
        %get3A_342 = arith.constant 320 : index
        %get3A_343 = tpu.vector_load %arg8[%get3A_341, %get3A_342] {strides = array<i32>} : memref<16x1024xf32, #tpu.memory_space<vmem>>, vector<1x16xf32>,
        %get3A_344 = vector.shape_cast %get3A_343 : vector<1x16xf32> to vector<16xf32>
        %swap3A_345 = arith.index_cast %select_n3A : i32 to index
        %swap3A_346 = arith.index_cast %rem3A_142 : i32 to index
        %swap3A_347 = arith.constant 320 : index
        %swap3A_348 = tpu.vector_load %arg10[%swap3A_345, %swap3A_346, %swap3A_347] {strides = array<i32>} : memref<4x4x1024xf32, #tpu.memory_space<vmem>>, vector<1x1x16xf32>,
        %swap3A_349 = vector.shape_cast %swap3A_348 : vector<1x1x16xf32> to vector<16xf32>
        %swap3A_350 = vector.shape_cast %get3A_344 : vector<16xf32> to vector<1x1x16xf32>
        tpu.vector_store %arg10[%swap3A_345, %swap3A_346, %swap3A_347], %swap3A_350 {add = true, strides = array<i32>} : memref<4x4x1024xf32, #tpu.memory_space<vmem>>, vector<1x1x16xf32>,
        %get3A_351 = arith.index_cast %scan3A_122 : i32 to index
        %get3A_352 = arith.constant 336 : index
        %get3A_353 = tpu.vector_load %arg8[%get3A_351, %get3A_352] {strides = array<i32>} : memref<16x1024xf32, #tpu.memory_space<vmem>>, vector<1x16xf32>,
        %get3A_354 = vector.shape_cast %get3A_353 : vector<1x16xf32> to vector<16xf32>
        %swap3A_355 = arith.index_cast %select_n3A : i32 to index
        %swap3A_356 = arith.index_cast %rem3A_142 : i32 to index
        %swap3A_357 = arith.constant 336 : index
        %swap3A_358 = tpu.vector_load %arg10[%swap3A_355, %swap3A_356, %swap3A_357] {strides = array<i32>} : memref<4x4x1024xf32, #tpu.memory_space<vmem>>, vector<1x1x16xf32>,
        %swap3A_359 = vector.shape_cast %swap3A_358 : vector<1x1x16xf32> to vector<16xf32>
        %swap3A_360 = vector.shape_cast %get3A_354 : vector<16xf32> to vector<1x1x16xf32>
        tpu.vector_store %arg10[%swap3A_355, %swap3A_356, %swap3A_357], %swap3A_360 {add = true, strides = array<i32>} : memref<4x4x1024xf32, #tpu.memory_space<vmem>>, vector<1x1x16xf32>,
        %get3A_361 = arith.index_cast %scan3A_122 : i32 to index
        %get3A_362 = arith.constant 352 : index
        %get3A_363 = tpu.vector_load %arg8[%get3A_361, %get3A_362] {strides = array<i32>} : memref<16x1024xf32, #tpu.memory_space<vmem>>, vector<1x16xf32>,
        %get3A_364 = vector.shape_cast %get3A_363 : vector<1x16xf32> to vector<16xf32>
        %swap3A_365 = arith.index_cast %select_n3A : i32 to index
        %swap3A_366 = arith.index_cast %rem3A_142 : i32 to index
        %swap3A_367 = arith.constant 352 : index
        %swap3A_368 = tpu.vector_load %arg10[%swap3A_365, %swap3A_366, %swap3A_367] {strides = array<i32>} : memref<4x4x1024xf32, #tpu.memory_space<vmem>>, vector<1x1x16xf32>,
        %swap3A_369 = vector.shape_cast %swap3A_368 : vector<1x1x16xf32> to vector<16xf32>
        %swap3A_370 = vector.shape_cast %get3A_364 : vector<16xf32> to vector<1x1x16xf32>
        tpu.vector_store %arg10[%swap3A_365, %swap3A_366, %swap3A_367], %swap3A_370 {add = true, strides = array<i32>} : memref<4x4x1024xf32, #tpu.memory_space<vmem>>, vector<1x1x16xf32>,
        %get3A_371 = arith.index_cast %scan3A_122 : i32 to index
        %get3A_372 = arith.constant 368 : index
        %get3A_373 = tpu.vector_load %arg8[%get3A_371, %get3A_372] {strides = array<i32>} : memref<16x1024xf32, #tpu.memory_space<vmem>>, vector<1x16xf32>,
        %get3A_374 = vector.shape_cast %get3A_373 : vector<1x16xf32> to vector<16xf32>
        %swap3A_375 = arith.index_cast %select_n3A : i32 to index
        %swap3A_376 = arith.index_cast %rem3A_142 : i32 to index
        %swap3A_377 = arith.constant 368 : index
        %swap3A_378 = tpu.vector_load %arg10[%swap3A_375, %swap3A_376, %swap3A_377] {strides = array<i32>} : memref<4x4x1024xf32, #tpu.memory_space<vmem>>, vector<1x1x16xf32>,
        %swap3A_379 = vector.shape_cast %swap3A_378 : vector<1x1x16xf32> to vector<16xf32>
        %swap3A_380 = vector.shape_cast %get3A_374 : vector<16xf32> to vector<1x1x16xf32>
        tpu.vector_store %arg10[%swap3A_375, %swap3A_376, %swap3A_377], %swap3A_380 {add = true, strides = array<i32>} : memref<4x4x1024xf32, #tpu.memory_space<vmem>>, vector<1x1x16xf32>,
        %get3A_381 = arith.index_cast %scan3A_122 : i32 to index
        %get3A_382 = arith.constant 384 : index
        %get3A_383 = tpu.vector_load %arg8[%get3A_381, %get3A_382] {strides = array<i32>} : memref<16x1024xf32, #tpu.memory_space<vmem>>, vector<1x16xf32>,
        %get3A_384 = vector.shape_cast %get3A_383 : vector<1x16xf32> to vector<16xf32>
        %swap3A_385 = arith.index_cast %select_n3A : i32 to index
        %swap3A_386 = arith.index_cast %rem3A_142 : i32 to index
        %swap3A_387 = arith.constant 384 : index
        %swap3A_388 = tpu.vector_load %arg10[%swap3A_385, %swap3A_386, %swap3A_387] {strides = array<i32>} : memref<4x4x1024xf32, #tpu.memory_space<vmem>>, vector<1x1x16xf32>,
        %swap3A_389 = vector.shape_cast %swap3A_388 : vector<1x1x16xf32> to vector<16xf32>
        %swap3A_390 = vector.shape_cast %get3A_384 : vector<16xf32> to vector<1x1x16xf32>
        tpu.vector_store %arg10[%swap3A_385, %swap3A_386, %swap3A_387], %swap3A_390 {add = true, strides = array<i32>} : memref<4x4x1024xf32, #tpu.memory_space<vmem>>, vector<1x1x16xf32>,
        %get3A_391 = arith.index_cast %scan3A_122 : i32 to index
        %get3A_392 = arith.constant 400 : index
        %get3A_393 = tpu.vector_load %arg8[%get3A_391, %get3A_392] {strides = array<i32>} : memref<16x1024xf32, #tpu.memory_space<vmem>>, vector<1x16xf32>,
        %get3A_394 = vector.shape_cast %get3A_393 : vector<1x16xf32> to vector<16xf32>
        %swap3A_395 = arith.index_cast %select_n3A : i32 to index
        %swap3A_396 = arith.index_cast %rem3A_142 : i32 to index
        %swap3A_397 = arith.constant 400 : index
        %swap3A_398 = tpu.vector_load %arg10[%swap3A_395, %swap3A_396, %swap3A_397] {strides = array<i32>} : memref<4x4x1024xf32, #tpu.memory_space<vmem>>, vector<1x1x16xf32>,
        %swap3A_399 = vector.shape_cast %swap3A_398 : vector<1x1x16xf32> to vector<16xf32>
        %swap3A_400 = vector.shape_cast %get3A_394 : vector<16xf32> to vector<1x1x16xf32>
        tpu.vector_store %arg10[%swap3A_395, %swap3A_396, %swap3A_397], %swap3A_400 {add = true, strides = array<i32>} : memref<4x4x1024xf32, #tpu.memory_space<vmem>>, vector<1x1x16xf32>,
        %get3A_401 = arith.index_cast %scan3A_122 : i32 to index
        %get3A_402 = arith.constant 416 : index
        %get3A_403 = tpu.vector_load %arg8[%get3A_401, %get3A_402] {strides = array<i32>} : memref<16x1024xf32, #tpu.memory_space<vmem>>, vector<1x16xf32>,
        %get3A_404 = vector.shape_cast %get3A_403 : vector<1x16xf32> to vector<16xf32>
        %swap3A_405 = arith.index_cast %select_n3A : i32 to index
        %swap3A_406 = arith.index_cast %rem3A_142 : i32 to index
        %swap3A_407 = arith.constant 416 : index
        %swap3A_408 = tpu.vector_load %arg10[%swap3A_405, %swap3A_406, %swap3A_407] {strides = array<i32>} : memref<4x4x1024xf32, #tpu.memory_space<vmem>>, vector<1x1x16xf32>,
        %swap3A_409 = vector.shape_cast %swap3A_408 : vector<1x1x16xf32> to vector<16xf32>
        %swap3A_410 = vector.shape_cast %get3A_404 : vector<16xf32> to vector<1x1x16xf32>
        tpu.vector_store %arg10[%swap3A_405, %swap3A_406, %swap3A_407], %swap3A_410 {add = true, strides = array<i32>} : memref<4x4x1024xf32, #tpu.memory_space<vmem>>, vector<1x1x16xf32>,
        %get3A_411 = arith.index_cast %scan3A_122 : i32 to index
        %get3A_412 = arith.constant 432 : index
        %get3A_413 = tpu.vector_load %arg8[%get3A_411, %get3A_412] {strides = array<i32>} : memref<16x1024xf32, #tpu.memory_space<vmem>>, vector<1x16xf32>,
        %get3A_414 = vector.shape_cast %get3A_413 : vector<1x16xf32> to vector<16xf32>
        %swap3A_415 = arith.index_cast %select_n3A : i32 to index
        %swap3A_416 = arith.index_cast %rem3A_142 : i32 to index
        %swap3A_417 = arith.constant 432 : index
        %swap3A_418 = tpu.vector_load %arg10[%swap3A_415, %swap3A_416, %swap3A_417] {strides = array<i32>} : memref<4x4x1024xf32, #tpu.memory_space<vmem>>, vector<1x1x16xf32>,
        %swap3A_419 = vector.shape_cast %swap3A_418 : vector<1x1x16xf32> to vector<16xf32>
        %swap3A_420 = vector.shape_cast %get3A_414 : vector<16xf32> to vector<1x1x16xf32>
        tpu.vector_store %arg10[%swap3A_415, %swap3A_416, %swap3A_417], %swap3A_420 {add = true, strides = array<i32>} : memref<4x4x1024xf32, #tpu.memory_space<vmem>>, vector<1x1x16xf32>,
        %get3A_421 = arith.index_cast %scan3A_122 : i32 to index
        %get3A_422 = arith.constant 448 : index
        %get3A_423 = tpu.vector_load %arg8[%get3A_421, %get3A_422] {strides = array<i32>} : memref<16x1024xf32, #tpu.memory_space<vmem>>, vector<1x16xf32>,
        %get3A_424 = vector.shape_cast %get3A_423 : vector<1x16xf32> to vector<16xf32>
        %swap3A_425 = arith.index_cast %select_n3A : i32 to index
        %swap3A_426 = arith.index_cast %rem3A_142 : i32 to index
        %swap3A_427 = arith.constant 448 : index
        %swap3A_428 = tpu.vector_load %arg10[%swap3A_425, %swap3A_426, %swap3A_427] {strides = array<i32>} : memref<4x4x1024xf32, #tpu.memory_space<vmem>>, vector<1x1x16xf32>,
        %swap3A_429 = vector.shape_cast %swap3A_428 : vector<1x1x16xf32> to vector<16xf32>
        %swap3A_430 = vector.shape_cast %get3A_424 : vector<16xf32> to vector<1x1x16xf32>
        tpu.vector_store %arg10[%swap3A_425, %swap3A_426, %swap3A_427], %swap3A_430 {add = true, strides = array<i32>} : memref<4x4x1024xf32, #tpu.memory_space<vmem>>, vector<1x1x16xf32>,
        %get3A_431 = arith.index_cast %scan3A_122 : i32 to index
        %get3A_432 = arith.constant 464 : index
        %get3A_433 = tpu.vector_load %arg8[%get3A_431, %get3A_432] {strides = array<i32>} : memref<16x1024xf32, #tpu.memory_space<vmem>>, vector<1x16xf32>,
        %get3A_434 = vector.shape_cast %get3A_433 : vector<1x16xf32> to vector<16xf32>
        %swap3A_435 = arith.index_cast %select_n3A : i32 to index
        %swap3A_436 = arith.index_cast %rem3A_142 : i32 to index
        %swap3A_437 = arith.constant 464 : index
        %swap3A_438 = tpu.vector_load %arg10[%swap3A_435, %swap3A_436, %swap3A_437] {strides = array<i32>} : memref<4x4x1024xf32, #tpu.memory_space<vmem>>, vector<1x1x16xf32>,
        %swap3A_439 = vector.shape_cast %swap3A_438 : vector<1x1x16xf32> to vector<16xf32>
        %swap3A_440 = vector.shape_cast %get3A_434 : vector<16xf32> to vector<1x1x16xf32>
        tpu.vector_store %arg10[%swap3A_435, %swap3A_436, %swap3A_437], %swap3A_440 {add = true, strides = array<i32>} : memref<4x4x1024xf32, #tpu.memory_space<vmem>>, vector<1x1x16xf32>,
        %get3A_441 = arith.index_cast %scan3A_122 : i32 to index
        %get3A_442 = arith.constant 480 : index
        %get3A_443 = tpu.vector_load %arg8[%get3A_441, %get3A_442] {strides = array<i32>} : memref<16x1024xf32, #tpu.memory_space<vmem>>, vector<1x16xf32>,
        %get3A_444 = vector.shape_cast %get3A_443 : vector<1x16xf32> to vector<16xf32>
        %swap3A_445 = arith.index_cast %select_n3A : i32 to index
        %swap3A_446 = arith.index_cast %rem3A_142 : i32 to index
        %swap3A_447 = arith.constant 480 : index
        %swap3A_448 = tpu.vector_load %arg10[%swap3A_445, %swap3A_446, %swap3A_447] {strides = array<i32>} : memref<4x4x1024xf32, #tpu.memory_space<vmem>>, vector<1x1x16xf32>,
        %swap3A_449 = vector.shape_cast %swap3A_448 : vector<1x1x16xf32> to vector<16xf32>
        %swap3A_450 = vector.shape_cast %get3A_444 : vector<16xf32> to vector<1x1x16xf32>
        tpu.vector_store %arg10[%swap3A_445, %swap3A_446, %swap3A_447], %swap3A_450 {add = true, strides = array<i32>} : memref<4x4x1024xf32, #tpu.memory_space<vmem>>, vector<1x1x16xf32>,
        %get3A_451 = arith.index_cast %scan3A_122 : i32 to index
        %get3A_452 = arith.constant 496 : index
        %get3A_453 = tpu.vector_load %arg8[%get3A_451, %get3A_452] {strides = array<i32>} : memref<16x1024xf32, #tpu.memory_space<vmem>>, vector<1x16xf32>,
        %get3A_454 = vector.shape_cast %get3A_453 : vector<1x16xf32> to vector<16xf32>
        %swap3A_455 = arith.index_cast %select_n3A : i32 to index
        %swap3A_456 = arith.index_cast %rem3A_142 : i32 to index
        %swap3A_457 = arith.constant 496 : index
        %swap3A_458 = tpu.vector_load %arg10[%swap3A_455, %swap3A_456, %swap3A_457] {strides = array<i32>} : memref<4x4x1024xf32, #tpu.memory_space<vmem>>, vector<1x1x16xf32>,
        %swap3A_459 = vector.shape_cast %swap3A_458 : vector<1x1x16xf32> to vector<16xf32>
        %swap3A_460 = vector.shape_cast %get3A_454 : vector<16xf32> to vector<1x1x16xf32>
        tpu.vector_store %arg10[%swap3A_455, %swap3A_456, %swap3A_457], %swap3A_460 {add = true, strides = array<i32>} : memref<4x4x1024xf32, #tpu.memory_space<vmem>>, vector<1x1x16xf32>,
        %get3A_461 = arith.index_cast %scan3A_122 : i32 to index
        %get3A_462 = arith.constant 512 : index
        %get3A_463 = tpu.vector_load %arg8[%get3A_461, %get3A_462] {strides = array<i32>} : memref<16x1024xf32, #tpu.memory_space<vmem>>, vector<1x16xf32>,
        %get3A_464 = vector.shape_cast %get3A_463 : vector<1x16xf32> to vector<16xf32>
        %swap3A_465 = arith.index_cast %select_n3A : i32 to index
        %swap3A_466 = arith.index_cast %rem3A_142 : i32 to index
        %swap3A_467 = arith.constant 512 : index
        %swap3A_468 = tpu.vector_load %arg10[%swap3A_465, %swap3A_466, %swap3A_467] {strides = array<i32>} : memref<4x4x1024xf32, #tpu.memory_space<vmem>>, vector<1x1x16xf32>,
        %swap3A_469 = vector.shape_cast %swap3A_468 : vector<1x1x16xf32> to vector<16xf32>
        %swap3A_470 = vector.shape_cast %get3A_464 : vector<16xf32> to vector<1x1x16xf32>
        tpu.vector_store %arg10[%swap3A_465, %swap3A_466, %swap3A_467], %swap3A_470 {add = true, strides = array<i32>} : memref<4x4x1024xf32, #tpu.memory_space<vmem>>, vector<1x1x16xf32>,
        %get3A_471 = arith.index_cast %scan3A_122 : i32 to index
        %get3A_472 = arith.constant 528 : index
        %get3A_473 = tpu.vector_load %arg8[%get3A_471, %get3A_472] {strides = array<i32>} : memref<16x1024xf32, #tpu.memory_space<vmem>>, vector<1x16xf32>,
        %get3A_474 = vector.shape_cast %get3A_473 : vector<1x16xf32> to vector<16xf32>
        %swap3A_475 = arith.index_cast %select_n3A : i32 to index
        %swap3A_476 = arith.index_cast %rem3A_142 : i32 to index
        %swap3A_477 = arith.constant 528 : index
        %swap3A_478 = tpu.vector_load %arg10[%swap3A_475, %swap3A_476, %swap3A_477] {strides = array<i32>} : memref<4x4x1024xf32, #tpu.memory_space<vmem>>, vector<1x1x16xf32>,
        %swap3A_479 = vector.shape_cast %swap3A_478 : vector<1x1x16xf32> to vector<16xf32>
        %swap3A_480 = vector.shape_cast %get3A_474 : vector<16xf32> to vector<1x1x16xf32>
        tpu.vector_store %arg10[%swap3A_475, %swap3A_476, %swap3A_477], %swap3A_480 {add = true, strides = array<i32>} : memref<4x4x1024xf32, #tpu.memory_space<vmem>>, vector<1x1x16xf32>,
        %get3A_481 = arith.index_cast %scan3A_122 : i32 to index
        %get3A_482 = arith.constant 544 : index
        %get3A_483 = tpu.vector_load %arg8[%get3A_481, %get3A_482] {strides = array<i32>} : memref<16x1024xf32, #tpu.memory_space<vmem>>, vector<1x16xf32>,
        %get3A_484 = vector.shape_cast %get3A_483 : vector<1x16xf32> to vector<16xf32>
        %swap3A_485 = arith.index_cast %select_n3A : i32 to index
        %swap3A_486 = arith.index_cast %rem3A_142 : i32 to index
        %swap3A_487 = arith.constant 544 : index
        %swap3A_488 = tpu.vector_load %arg10[%swap3A_485, %swap3A_486, %swap3A_487] {strides = array<i32>} : memref<4x4x1024xf32, #tpu.memory_space<vmem>>, vector<1x1x16xf32>,
        %swap3A_489 = vector.shape_cast %swap3A_488 : vector<1x1x16xf32> to vector<16xf32>
        %swap3A_490 = vector.shape_cast %get3A_484 : vector<16xf32> to vector<1x1x16xf32>
        tpu.vector_store %arg10[%swap3A_485, %swap3A_486, %swap3A_487], %swap3A_490 {add = true, strides = array<i32>} : memref<4x4x1024xf32, #tpu.memory_space<vmem>>, vector<1x1x16xf32>,
        %get3A_491 = arith.index_cast %scan3A_122 : i32 to index
        %get3A_492 = arith.constant 560 : index
        %get3A_493 = tpu.vector_load %arg8[%get3A_491, %get3A_492] {strides = array<i32>} : memref<16x1024xf32, #tpu.memory_space<vmem>>, vector<1x16xf32>,
        %get3A_494 = vector.shape_cast %get3A_493 : vector<1x16xf32> to vector<16xf32>
        %swap3A_495 = arith.index_cast %select_n3A : i32 to index
        %swap3A_496 = arith.index_cast %rem3A_142 : i32 to index
        %swap3A_497 = arith.constant 560 : index
        %swap3A_498 = tpu.vector_load %arg10[%swap3A_495, %swap3A_496, %swap3A_497] {strides = array<i32>} : memref<4x4x1024xf32, #tpu.memory_space<vmem>>, vector<1x1x16xf32>,
        %swap3A_499 = vector.shape_cast %swap3A_498 : vector<1x1x16xf32> to vector<16xf32>
        %swap3A_500 = vector.shape_cast %get3A_494 : vector<16xf32> to vector<1x1x16xf32>
        tpu.vector_store %arg10[%swap3A_495, %swap3A_496, %swap3A_497], %swap3A_500 {add = true, strides = array<i32>} : memref<4x4x1024xf32, #tpu.memory_space<vmem>>, vector<1x1x16xf32>,
        %get3A_501 = arith.index_cast %scan3A_122 : i32 to index
        %get3A_502 = arith.constant 576 : index
        %get3A_503 = tpu.vector_load %arg8[%get3A_501, %get3A_502] {strides = array<i32>} : memref<16x1024xf32, #tpu.memory_space<vmem>>, vector<1x16xf32>,
        %get3A_504 = vector.shape_cast %get3A_503 : vector<1x16xf32> to vector<16xf32>
        %swap3A_505 = arith.index_cast %select_n3A : i32 to index
        %swap3A_506 = arith.index_cast %rem3A_142 : i32 to index
        %swap3A_507 = arith.constant 576 : index
        %swap3A_508 = tpu.vector_load %arg10[%swap3A_505, %swap3A_506, %swap3A_507] {strides = array<i32>} : memref<4x4x1024xf32, #tpu.memory_space<vmem>>, vector<1x1x16xf32>,
        %swap3A_509 = vector.shape_cast %swap3A_508 : vector<1x1x16xf32> to vector<16xf32>
        %swap3A_510 = vector.shape_cast %get3A_504 : vector<16xf32> to vector<1x1x16xf32>
        tpu.vector_store %arg10[%swap3A_505, %swap3A_506, %swap3A_507], %swap3A_510 {add = true, strides = array<i32>} : memref<4x4x1024xf32, #tpu.memory_space<vmem>>, vector<1x1x16xf32>,
        %get3A_511 = arith.index_cast %scan3A_122 : i32 to index
        %get3A_512 = arith.constant 592 : index
        %get3A_513 = tpu.vector_load %arg8[%get3A_511, %get3A_512] {strides = array<i32>} : memref<16x1024xf32, #tpu.memory_space<vmem>>, vector<1x16xf32>,
        %get3A_514 = vector.shape_cast %get3A_513 : vector<1x16xf32> to vector<16xf32>
        %swap3A_515 = arith.index_cast %select_n3A : i32 to index
        %swap3A_516 = arith.index_cast %rem3A_142 : i32 to index
        %swap3A_517 = arith.constant 592 : index
        %swap3A_518 = tpu.vector_load %arg10[%swap3A_515, %swap3A_516, %swap3A_517] {strides = array<i32>} : memref<4x4x1024xf32, #tpu.memory_space<vmem>>, vector<1x1x16xf32>,
        %swap3A_519 = vector.shape_cast %swap3A_518 : vector<1x1x16xf32> to vector<16xf32>
        %swap3A_520 = vector.shape_cast %get3A_514 : vector<16xf32> to vector<1x1x16xf32>
        tpu.vector_store %arg10[%swap3A_515, %swap3A_516, %swap3A_517], %swap3A_520 {add = true, strides = array<i32>} : memref<4x4x1024xf32, #tpu.memory_space<vmem>>, vector<1x1x16xf32>,
        %get3A_521 = arith.index_cast %scan3A_122 : i32 to index
        %get3A_522 = arith.constant 608 : index
        %get3A_523 = tpu.vector_load %arg8[%get3A_521, %get3A_522] {strides = array<i32>} : memref<16x1024xf32, #tpu.memory_space<vmem>>, vector<1x16xf32>,
        %get3A_524 = vector.shape_cast %get3A_523 : vector<1x16xf32> to vector<16xf32>
        %swap3A_525 = arith.index_cast %select_n3A : i32 to index
        %swap3A_526 = arith.index_cast %rem3A_142 : i32 to index
        %swap3A_527 = arith.constant 608 : index
        %swap3A_528 = tpu.vector_load %arg10[%swap3A_525, %swap3A_526, %swap3A_527] {strides = array<i32>} : memref<4x4x1024xf32, #tpu.memory_space<vmem>>, vector<1x1x16xf32>,
        %swap3A_529 = vector.shape_cast %swap3A_528 : vector<1x1x16xf32> to vector<16xf32>
        %swap3A_530 = vector.shape_cast %get3A_524 : vector<16xf32> to vector<1x1x16xf32>
        tpu.vector_store %arg10[%swap3A_525, %swap3A_526, %swap3A_527], %swap3A_530 {add = true, strides = array<i32>} : memref<4x4x1024xf32, #tpu.memory_space<vmem>>, vector<1x1x16xf32>,
        %get3A_531 = arith.index_cast %scan3A_122 : i32 to index
        %get3A_532 = arith.constant 624 : index
        %get3A_533 = tpu.vector_load %arg8[%get3A_531, %get3A_532] {strides = array<i32>} : memref<16x1024xf32, #tpu.memory_space<vmem>>, vector<1x16xf32>,
        %get3A_534 = vector.shape_cast %get3A_533 : vector<1x16xf32> to vector<16xf32>
        %swap3A_535 = arith.index_cast %select_n3A : i32 to index
        %swap3A_536 = arith.index_cast %rem3A_142 : i32 to index
        %swap3A_537 = arith.constant 624 : index
        %swap3A_538 = tpu.vector_load %arg10[%swap3A_535, %swap3A_536, %swap3A_537] {strides = array<i32>} : memref<4x4x1024xf32, #tpu.memory_space<vmem>>, vector<1x1x16xf32>,
        %swap3A_539 = vector.shape_cast %swap3A_538 : vector<1x1x16xf32> to vector<16xf32>
        %swap3A_540 = vector.shape_cast %get3A_534 : vector<16xf32> to vector<1x1x16xf32>
        tpu.vector_store %arg10[%swap3A_535, %swap3A_536, %swap3A_537], %swap3A_540 {add = true, strides = array<i32>} : memref<4x4x1024xf32, #tpu.memory_space<vmem>>, vector<1x1x16xf32>,
        %get3A_541 = arith.index_cast %scan3A_122 : i32 to index
        %get3A_542 = arith.constant 640 : index
        %get3A_543 = tpu.vector_load %arg8[%get3A_541, %get3A_542] {strides = array<i32>} : memref<16x1024xf32, #tpu.memory_space<vmem>>, vector<1x16xf32>,
        %get3A_544 = vector.shape_cast %get3A_543 : vector<1x16xf32> to vector<16xf32>
        %swap3A_545 = arith.index_cast %select_n3A : i32 to index
        %swap3A_546 = arith.index_cast %rem3A_142 : i32 to index
        %swap3A_547 = arith.constant 640 : index
        %swap3A_548 = tpu.vector_load %arg10[%swap3A_545, %swap3A_546, %swap3A_547] {strides = array<i32>} : memref<4x4x1024xf32, #tpu.memory_space<vmem>>, vector<1x1x16xf32>,
        %swap3A_549 = vector.shape_cast %swap3A_548 : vector<1x1x16xf32> to vector<16xf32>
        %swap3A_550 = vector.shape_cast %get3A_544 : vector<16xf32> to vector<1x1x16xf32>
        tpu.vector_store %arg10[%swap3A_545, %swap3A_546, %swap3A_547], %swap3A_550 {add = true, strides = array<i32>} : memref<4x4x1024xf32, #tpu.memory_space<vmem>>, vector<1x1x16xf32>,
        %get3A_551 = arith.index_cast %scan3A_122 : i32 to index
        %get3A_552 = arith.constant 656 : index
        %get3A_553 = tpu.vector_load %arg8[%get3A_551, %get3A_552] {strides = array<i32>} : memref<16x1024xf32, #tpu.memory_space<vmem>>, vector<1x16xf32>,
        %get3A_554 = vector.shape_cast %get3A_553 : vector<1x16xf32> to vector<16xf32>
        %swap3A_555 = arith.index_cast %select_n3A : i32 to index
        %swap3A_556 = arith.index_cast %rem3A_142 : i32 to index
        %swap3A_557 = arith.constant 656 : index
        %swap3A_558 = tpu.vector_load %arg10[%swap3A_555, %swap3A_556, %swap3A_557] {strides = array<i32>} : memref<4x4x1024xf32, #tpu.memory_space<vmem>>, vector<1x1x16xf32>,
        %swap3A_559 = vector.shape_cast %swap3A_558 : vector<1x1x16xf32> to vector<16xf32>
        %swap3A_560 = vector.shape_cast %get3A_554 : vector<16xf32> to vector<1x1x16xf32>
        tpu.vector_store %arg10[%swap3A_555, %swap3A_556, %swap3A_557], %swap3A_560 {add = true, strides = array<i32>} : memref<4x4x1024xf32, #tpu.memory_space<vmem>>, vector<1x1x16xf32>,
        %get3A_561 = arith.index_cast %scan3A_122 : i32 to index
        %get3A_562 = arith.constant 672 : index
        %get3A_563 = tpu.vector_load %arg8[%get3A_561, %get3A_562] {strides = array<i32>} : memref<16x1024xf32, #tpu.memory_space<vmem>>, vector<1x16xf32>,
        %get3A_564 = vector.shape_cast %get3A_563 : vector<1x16xf32> to vector<16xf32>
        %swap3A_565 = arith.index_cast %select_n3A : i32 to index
        %swap3A_566 = arith.index_cast %rem3A_142 : i32 to index
        %swap3A_567 = arith.constant 672 : index
        %swap3A_568 = tpu.vector_load %arg10[%swap3A_565, %swap3A_566, %swap3A_567] {strides = array<i32>} : memref<4x4x1024xf32, #tpu.memory_space<vmem>>, vector<1x1x16xf32>,
        %swap3A_569 = vector.shape_cast %swap3A_568 : vector<1x1x16xf32> to vector<16xf32>
        %swap3A_570 = vector.shape_cast %get3A_564 : vector<16xf32> to vector<1x1x16xf32>
        tpu.vector_store %arg10[%swap3A_565, %swap3A_566, %swap3A_567], %swap3A_570 {add = true, strides = array<i32>} : memref<4x4x1024xf32, #tpu.memory_space<vmem>>, vector<1x1x16xf32>,
        %get3A_571 = arith.index_cast %scan3A_122 : i32 to index
        %get3A_572 = arith.constant 688 : index
        %get3A_573 = tpu.vector_load %arg8[%get3A_571, %get3A_572] {strides = array<i32>} : memref<16x1024xf32, #tpu.memory_space<vmem>>, vector<1x16xf32>,
        %get3A_574 = vector.shape_cast %get3A_573 : vector<1x16xf32> to vector<16xf32>
        %swap3A_575 = arith.index_cast %select_n3A : i32 to index
        %swap3A_576 = arith.index_cast %rem3A_142 : i32 to index
        %swap3A_577 = arith.constant 688 : index
        %swap3A_578 = tpu.vector_load %arg10[%swap3A_575, %swap3A_576, %swap3A_577] {strides = array<i32>} : memref<4x4x1024xf32, #tpu.memory_space<vmem>>, vector<1x1x16xf32>,
        %swap3A_579 = vector.shape_cast %swap3A_578 : vector<1x1x16xf32> to vector<16xf32>
        %swap3A_580 = vector.shape_cast %get3A_574 : vector<16xf32> to vector<1x1x16xf32>
        tpu.vector_store %arg10[%swap3A_575, %swap3A_576, %swap3A_577], %swap3A_580 {add = true, strides = array<i32>} : memref<4x4x1024xf32, #tpu.memory_space<vmem>>, vector<1x1x16xf32>,
        %get3A_581 = arith.index_cast %scan3A_122 : i32 to index
        %get3A_582 = arith.constant 704 : index
        %get3A_583 = tpu.vector_load %arg8[%get3A_581, %get3A_582] {strides = array<i32>} : memref<16x1024xf32, #tpu.memory_space<vmem>>, vector<1x16xf32>,
        %get3A_584 = vector.shape_cast %get3A_583 : vector<1x16xf32> to vector<16xf32>
        %swap3A_585 = arith.index_cast %select_n3A : i32 to index
        %swap3A_586 = arith.index_cast %rem3A_142 : i32 to index
        %swap3A_587 = arith.constant 704 : index
        %swap3A_588 = tpu.vector_load %arg10[%swap3A_585, %swap3A_586, %swap3A_587] {strides = array<i32>} : memref<4x4x1024xf32, #tpu.memory_space<vmem>>, vector<1x1x16xf32>,
        %swap3A_589 = vector.shape_cast %swap3A_588 : vector<1x1x16xf32> to vector<16xf32>
        %swap3A_590 = vector.shape_cast %get3A_584 : vector<16xf32> to vector<1x1x16xf32>
        tpu.vector_store %arg10[%swap3A_585, %swap3A_586, %swap3A_587], %swap3A_590 {add = true, strides = array<i32>} : memref<4x4x1024xf32, #tpu.memory_space<vmem>>, vector<1x1x16xf32>,
        %get3A_591 = arith.index_cast %scan3A_122 : i32 to index
        %get3A_592 = arith.constant 720 : index
        %get3A_593 = tpu.vector_load %arg8[%get3A_591, %get3A_592] {strides = array<i32>} : memref<16x1024xf32, #tpu.memory_space<vmem>>, vector<1x16xf32>,
        %get3A_594 = vector.shape_cast %get3A_593 : vector<1x16xf32> to vector<16xf32>
        %swap3A_595 = arith.index_cast %select_n3A : i32 to index
        %swap3A_596 = arith.index_cast %rem3A_142 : i32 to index
        %swap3A_597 = arith.constant 720 : index
        %swap3A_598 = tpu.vector_load %arg10[%swap3A_595, %swap3A_596, %swap3A_597] {strides = array<i32>} : memref<4x4x1024xf32, #tpu.memory_space<vmem>>, vector<1x1x16xf32>,
        %swap3A_599 = vector.shape_cast %swap3A_598 : vector<1x1x16xf32> to vector<16xf32>
        %swap3A_600 = vector.shape_cast %get3A_594 : vector<16xf32> to vector<1x1x16xf32>
        tpu.vector_store %arg10[%swap3A_595, %swap3A_596, %swap3A_597], %swap3A_600 {add = true, strides = array<i32>} : memref<4x4x1024xf32, #tpu.memory_space<vmem>>, vector<1x1x16xf32>,
        %get3A_601 = arith.index_cast %scan3A_122 : i32 to index
        %get3A_602 = arith.constant 736 : index
        %get3A_603 = tpu.vector_load %arg8[%get3A_601, %get3A_602] {strides = array<i32>} : memref<16x1024xf32, #tpu.memory_space<vmem>>, vector<1x16xf32>,
        %get3A_604 = vector.shape_cast %get3A_603 : vector<1x16xf32> to vector<16xf32>
        %swap3A_605 = arith.index_cast %select_n3A : i32 to index
        %swap3A_606 = arith.index_cast %rem3A_142 : i32 to index
        %swap3A_607 = arith.constant 736 : index
        %swap3A_608 = tpu.vector_load %arg10[%swap3A_605, %swap3A_606, %swap3A_607] {strides = array<i32>} : memref<4x4x1024xf32, #tpu.memory_space<vmem>>, vector<1x1x16xf32>,
        %swap3A_609 = vector.shape_cast %swap3A_608 : vector<1x1x16xf32> to vector<16xf32>
        %swap3A_610 = vector.shape_cast %get3A_604 : vector<16xf32> to vector<1x1x16xf32>
        tpu.vector_store %arg10[%swap3A_605, %swap3A_606, %swap3A_607], %swap3A_610 {add = true, strides = array<i32>} : memref<4x4x1024xf32, #tpu.memory_space<vmem>>, vector<1x1x16xf32>,
        %get3A_611 = arith.index_cast %scan3A_122 : i32 to index
        %get3A_612 = arith.constant 752 : index
        %get3A_613 = tpu.vector_load %arg8[%get3A_611, %get3A_612] {strides = array<i32>} : memref<16x1024xf32, #tpu.memory_space<vmem>>, vector<1x16xf32>,
        %get3A_614 = vector.shape_cast %get3A_613 : vector<1x16xf32> to vector<16xf32>
        %swap3A_615 = arith.index_cast %select_n3A : i32 to index
        %swap3A_616 = arith.index_cast %rem3A_142 : i32 to index
        %swap3A_617 = arith.constant 752 : index
        %swap3A_618 = tpu.vector_load %arg10[%swap3A_615, %swap3A_616, %swap3A_617] {strides = array<i32>} : memref<4x4x1024xf32, #tpu.memory_space<vmem>>, vector<1x1x16xf32>,
        %swap3A_619 = vector.shape_cast %swap3A_618 : vector<1x1x16xf32> to vector<16xf32>
        %swap3A_620 = vector.shape_cast %get3A_614 : vector<16xf32> to vector<1x1x16xf32>
        tpu.vector_store %arg10[%swap3A_615, %swap3A_616, %swap3A_617], %swap3A_620 {add = true, strides = array<i32>} : memref<4x4x1024xf32, #tpu.memory_space<vmem>>, vector<1x1x16xf32>,
        %get3A_621 = arith.index_cast %scan3A_122 : i32 to index
        %get3A_622 = arith.constant 768 : index
        %get3A_623 = tpu.vector_load %arg8[%get3A_621, %get3A_622] {strides = array<i32>} : memref<16x1024xf32, #tpu.memory_space<vmem>>, vector<1x16xf32>,
        %get3A_624 = vector.shape_cast %get3A_623 : vector<1x16xf32> to vector<16xf32>
        %swap3A_625 = arith.index_cast %select_n3A : i32 to index
        %swap3A_626 = arith.index_cast %rem3A_142 : i32 to index
        %swap3A_627 = arith.constant 768 : index
        %swap3A_628 = tpu.vector_load %arg10[%swap3A_625, %swap3A_626, %swap3A_627] {strides = array<i32>} : memref<4x4x1024xf32, #tpu.memory_space<vmem>>, vector<1x1x16xf32>,
        %swap3A_629 = vector.shape_cast %swap3A_628 : vector<1x1x16xf32> to vector<16xf32>
        %swap3A_630 = vector.shape_cast %get3A_624 : vector<16xf32> to vector<1x1x16xf32>
        tpu.vector_store %arg10[%swap3A_625, %swap3A_626, %swap3A_627], %swap3A_630 {add = true, strides = array<i32>} : memref<4x4x1024xf32, #tpu.memory_space<vmem>>, vector<1x1x16xf32>,
        %get3A_631 = arith.index_cast %scan3A_122 : i32 to index
        %get3A_632 = arith.constant 784 : index
        %get3A_633 = tpu.vector_load %arg8[%get3A_631, %get3A_632] {strides = array<i32>} : memref<16x1024xf32, #tpu.memory_space<vmem>>, vector<1x16xf32>,
        %get3A_634 = vector.shape_cast %get3A_633 : vector<1x16xf32> to vector<16xf32>
        %swap3A_635 = arith.index_cast %select_n3A : i32 to index
        %swap3A_636 = arith.index_cast %rem3A_142 : i32 to index
        %swap3A_637 = arith.constant 784 : index
        %swap3A_638 = tpu.vector_load %arg10[%swap3A_635, %swap3A_636, %swap3A_637] {strides = array<i32>} : memref<4x4x1024xf32, #tpu.memory_space<vmem>>, vector<1x1x16xf32>,
        %swap3A_639 = vector.shape_cast %swap3A_638 : vector<1x1x16xf32> to vector<16xf32>
        %swap3A_640 = vector.shape_cast %get3A_634 : vector<16xf32> to vector<1x1x16xf32>
        tpu.vector_store %arg10[%swap3A_635, %swap3A_636, %swap3A_637], %swap3A_640 {add = true, strides = array<i32>} : memref<4x4x1024xf32, #tpu.memory_space<vmem>>, vector<1x1x16xf32>,
        %get3A_641 = arith.index_cast %scan3A_122 : i32 to index
        %get3A_642 = arith.constant 800 : index
        %get3A_643 = tpu.vector_load %arg8[%get3A_641, %get3A_642] {strides = array<i32>} : memref<16x1024xf32, #tpu.memory_space<vmem>>, vector<1x16xf32>,
        %get3A_644 = vector.shape_cast %get3A_643 : vector<1x16xf32> to vector<16xf32>
        %swap3A_645 = arith.index_cast %select_n3A : i32 to index
        %swap3A_646 = arith.index_cast %rem3A_142 : i32 to index
        %swap3A_647 = arith.constant 800 : index
        %swap3A_648 = tpu.vector_load %arg10[%swap3A_645, %swap3A_646, %swap3A_647] {strides = array<i32>} : memref<4x4x1024xf32, #tpu.memory_space<vmem>>, vector<1x1x16xf32>,
        %swap3A_649 = vector.shape_cast %swap3A_648 : vector<1x1x16xf32> to vector<16xf32>
        %swap3A_650 = vector.shape_cast %get3A_644 : vector<16xf32> to vector<1x1x16xf32>
        tpu.vector_store %arg10[%swap3A_645, %swap3A_646, %swap3A_647], %swap3A_650 {add = true, strides = array<i32>} : memref<4x4x1024xf32, #tpu.memory_space<vmem>>, vector<1x1x16xf32>,
        %get3A_651 = arith.index_cast %scan3A_122 : i32 to index
        %get3A_652 = arith.constant 816 : index
        %get3A_653 = tpu.vector_load %arg8[%get3A_651, %get3A_652] {strides = array<i32>} : memref<16x1024xf32, #tpu.memory_space<vmem>>, vector<1x16xf32>,
        %get3A_654 = vector.shape_cast %get3A_653 : vector<1x16xf32> to vector<16xf32>
        %swap3A_655 = arith.index_cast %select_n3A : i32 to index
        %swap3A_656 = arith.index_cast %rem3A_142 : i32 to index
        %swap3A_657 = arith.constant 816 : index
        %swap3A_658 = tpu.vector_load %arg10[%swap3A_655, %swap3A_656, %swap3A_657] {strides = array<i32>} : memref<4x4x1024xf32, #tpu.memory_space<vmem>>, vector<1x1x16xf32>,
        %swap3A_659 = vector.shape_cast %swap3A_658 : vector<1x1x16xf32> to vector<16xf32>
        %swap3A_660 = vector.shape_cast %get3A_654 : vector<16xf32> to vector<1x1x16xf32>
        tpu.vector_store %arg10[%swap3A_655, %swap3A_656, %swap3A_657], %swap3A_660 {add = true, strides = array<i32>} : memref<4x4x1024xf32, #tpu.memory_space<vmem>>, vector<1x1x16xf32>,
        %get3A_661 = arith.index_cast %scan3A_122 : i32 to index
        %get3A_662 = arith.constant 832 : index
        %get3A_663 = tpu.vector_load %arg8[%get3A_661, %get3A_662] {strides = array<i32>} : memref<16x1024xf32, #tpu.memory_space<vmem>>, vector<1x16xf32>,
        %get3A_664 = vector.shape_cast %get3A_663 : vector<1x16xf32> to vector<16xf32>
        %swap3A_665 = arith.index_cast %select_n3A : i32 to index
        %swap3A_666 = arith.index_cast %rem3A_142 : i32 to index
        %swap3A_667 = arith.constant 832 : index
        %swap3A_668 = tpu.vector_load %arg10[%swap3A_665, %swap3A_666, %swap3A_667] {strides = array<i32>} : memref<4x4x1024xf32, #tpu.memory_space<vmem>>, vector<1x1x16xf32>,
        %swap3A_669 = vector.shape_cast %swap3A_668 : vector<1x1x16xf32> to vector<16xf32>
        %swap3A_670 = vector.shape_cast %get3A_664 : vector<16xf32> to vector<1x1x16xf32>
        tpu.vector_store %arg10[%swap3A_665, %swap3A_666, %swap3A_667], %swap3A_670 {add = true, strides = array<i32>} : memref<4x4x1024xf32, #tpu.memory_space<vmem>>, vector<1x1x16xf32>,
        %get3A_671 = arith.index_cast %scan3A_122 : i32 to index
        %get3A_672 = arith.constant 848 : index
        %get3A_673 = tpu.vector_load %arg8[%get3A_671, %get3A_672] {strides = array<i32>} : memref<16x1024xf32, #tpu.memory_space<vmem>>, vector<1x16xf32>,
        %get3A_674 = vector.shape_cast %get3A_673 : vector<1x16xf32> to vector<16xf32>
        %swap3A_675 = arith.index_cast %select_n3A : i32 to index
        %swap3A_676 = arith.index_cast %rem3A_142 : i32 to index
        %swap3A_677 = arith.constant 848 : index
        %swap3A_678 = tpu.vector_load %arg10[%swap3A_675, %swap3A_676, %swap3A_677] {strides = array<i32>} : memref<4x4x1024xf32, #tpu.memory_space<vmem>>, vector<1x1x16xf32>,
        %swap3A_679 = vector.shape_cast %swap3A_678 : vector<1x1x16xf32> to vector<16xf32>
        %swap3A_680 = vector.shape_cast %get3A_674 : vector<16xf32> to vector<1x1x16xf32>
        tpu.vector_store %arg10[%swap3A_675, %swap3A_676, %swap3A_677], %swap3A_680 {add = true, strides = array<i32>} : memref<4x4x1024xf32, #tpu.memory_space<vmem>>, vector<1x1x16xf32>,
        %get3A_681 = arith.index_cast %scan3A_122 : i32 to index
        %get3A_682 = arith.constant 864 : index
        %get3A_683 = tpu.vector_load %arg8[%get3A_681, %get3A_682] {strides = array<i32>} : memref<16x1024xf32, #tpu.memory_space<vmem>>, vector<1x16xf32>,
        %get3A_684 = vector.shape_cast %get3A_683 : vector<1x16xf32> to vector<16xf32>
        %swap3A_685 = arith.index_cast %select_n3A : i32 to index
        %swap3A_686 = arith.index_cast %rem3A_142 : i32 to index
        %swap3A_687 = arith.constant 864 : index
        %swap3A_688 = tpu.vector_load %arg10[%swap3A_685, %swap3A_686, %swap3A_687] {strides = array<i32>} : memref<4x4x1024xf32, #tpu.memory_space<vmem>>, vector<1x1x16xf32>,
        %swap3A_689 = vector.shape_cast %swap3A_688 : vector<1x1x16xf32> to vector<16xf32>
        %swap3A_690 = vector.shape_cast %get3A_684 : vector<16xf32> to vector<1x1x16xf32>
        tpu.vector_store %arg10[%swap3A_685, %swap3A_686, %swap3A_687], %swap3A_690 {add = true, strides = array<i32>} : memref<4x4x1024xf32, #tpu.memory_space<vmem>>, vector<1x1x16xf32>,
        %get3A_691 = arith.index_cast %scan3A_122 : i32 to index
        %get3A_692 = arith.constant 880 : index
        %get3A_693 = tpu.vector_load %arg8[%get3A_691, %get3A_692] {strides = array<i32>} : memref<16x1024xf32, #tpu.memory_space<vmem>>, vector<1x16xf32>,
        %get3A_694 = vector.shape_cast %get3A_693 : vector<1x16xf32> to vector<16xf32>
        %swap3A_695 = arith.index_cast %select_n3A : i32 to index
        %swap3A_696 = arith.index_cast %rem3A_142 : i32 to index
        %swap3A_697 = arith.constant 880 : index
        %swap3A_698 = tpu.vector_load %arg10[%swap3A_695, %swap3A_696, %swap3A_697] {strides = array<i32>} : memref<4x4x1024xf32, #tpu.memory_space<vmem>>, vector<1x1x16xf32>,
        %swap3A_699 = vector.shape_cast %swap3A_698 : vector<1x1x16xf32> to vector<16xf32>
        %swap3A_700 = vector.shape_cast %get3A_694 : vector<16xf32> to vector<1x1x16xf32>
        tpu.vector_store %arg10[%swap3A_695, %swap3A_696, %swap3A_697], %swap3A_700 {add = true, strides = array<i32>} : memref<4x4x1024xf32, #tpu.memory_space<vmem>>, vector<1x1x16xf32>,
        %get3A_701 = arith.index_cast %scan3A_122 : i32 to index
        %get3A_702 = arith.constant 896 : index
        %get3A_703 = tpu.vector_load %arg8[%get3A_701, %get3A_702] {strides = array<i32>} : memref<16x1024xf32, #tpu.memory_space<vmem>>, vector<1x16xf32>,
        %get3A_704 = vector.shape_cast %get3A_703 : vector<1x16xf32> to vector<16xf32>
        %swap3A_705 = arith.index_cast %select_n3A : i32 to index
        %swap3A_706 = arith.index_cast %rem3A_142 : i32 to index
        %swap3A_707 = arith.constant 896 : index
        %swap3A_708 = tpu.vector_load %arg10[%swap3A_705, %swap3A_706, %swap3A_707] {strides = array<i32>} : memref<4x4x1024xf32, #tpu.memory_space<vmem>>, vector<1x1x16xf32>,
        %swap3A_709 = vector.shape_cast %swap3A_708 : vector<1x1x16xf32> to vector<16xf32>
        %swap3A_710 = vector.shape_cast %get3A_704 : vector<16xf32> to vector<1x1x16xf32>
        tpu.vector_store %arg10[%swap3A_705, %swap3A_706, %swap3A_707], %swap3A_710 {add = true, strides = array<i32>} : memref<4x4x1024xf32, #tpu.memory_space<vmem>>, vector<1x1x16xf32>,
        %get3A_711 = arith.index_cast %scan3A_122 : i32 to index
        %get3A_712 = arith.constant 912 : index
        %get3A_713 = tpu.vector_load %arg8[%get3A_711, %get3A_712] {strides = array<i32>} : memref<16x1024xf32, #tpu.memory_space<vmem>>, vector<1x16xf32>,
        %get3A_714 = vector.shape_cast %get3A_713 : vector<1x16xf32> to vector<16xf32>
        %swap3A_715 = arith.index_cast %select_n3A : i32 to index
        %swap3A_716 = arith.index_cast %rem3A_142 : i32 to index
        %swap3A_717 = arith.constant 912 : index
        %swap3A_718 = tpu.vector_load %arg10[%swap3A_715, %swap3A_716, %swap3A_717] {strides = array<i32>} : memref<4x4x1024xf32, #tpu.memory_space<vmem>>, vector<1x1x16xf32>,
        %swap3A_719 = vector.shape_cast %swap3A_718 : vector<1x1x16xf32> to vector<16xf32>
        %swap3A_720 = vector.shape_cast %get3A_714 : vector<16xf32> to vector<1x1x16xf32>
        tpu.vector_store %arg10[%swap3A_715, %swap3A_716, %swap3A_717], %swap3A_720 {add = true, strides = array<i32>} : memref<4x4x1024xf32, #tpu.memory_space<vmem>>, vector<1x1x16xf32>,
        %get3A_721 = arith.index_cast %scan3A_122 : i32 to index
        %get3A_722 = arith.constant 928 : index
        %get3A_723 = tpu.vector_load %arg8[%get3A_721, %get3A_722] {strides = array<i32>} : memref<16x1024xf32, #tpu.memory_space<vmem>>, vector<1x16xf32>,
        %get3A_724 = vector.shape_cast %get3A_723 : vector<1x16xf32> to vector<16xf32>
        %swap3A_725 = arith.index_cast %select_n3A : i32 to index
        %swap3A_726 = arith.index_cast %rem3A_142 : i32 to index
        %swap3A_727 = arith.constant 928 : index
        %swap3A_728 = tpu.vector_load %arg10[%swap3A_725, %swap3A_726, %swap3A_727] {strides = array<i32>} : memref<4x4x1024xf32, #tpu.memory_space<vmem>>, vector<1x1x16xf32>,
        %swap3A_729 = vector.shape_cast %swap3A_728 : vector<1x1x16xf32> to vector<16xf32>
        %swap3A_730 = vector.shape_cast %get3A_724 : vector<16xf32> to vector<1x1x16xf32>
        tpu.vector_store %arg10[%swap3A_725, %swap3A_726, %swap3A_727], %swap3A_730 {add = true, strides = array<i32>} : memref<4x4x1024xf32, #tpu.memory_space<vmem>>, vector<1x1x16xf32>,
        %get3A_731 = arith.index_cast %scan3A_122 : i32 to index
        %get3A_732 = arith.constant 944 : index
        %get3A_733 = tpu.vector_load %arg8[%get3A_731, %get3A_732] {strides = array<i32>} : memref<16x1024xf32, #tpu.memory_space<vmem>>, vector<1x16xf32>,
        %get3A_734 = vector.shape_cast %get3A_733 : vector<1x16xf32> to vector<16xf32>
        %swap3A_735 = arith.index_cast %select_n3A : i32 to index
        %swap3A_736 = arith.index_cast %rem3A_142 : i32 to index
        %swap3A_737 = arith.constant 944 : index
        %swap3A_738 = tpu.vector_load %arg10[%swap3A_735, %swap3A_736, %swap3A_737] {strides = array<i32>} : memref<4x4x1024xf32, #tpu.memory_space<vmem>>, vector<1x1x16xf32>,
        %swap3A_739 = vector.shape_cast %swap3A_738 : vector<1x1x16xf32> to vector<16xf32>
        %swap3A_740 = vector.shape_cast %get3A_734 : vector<16xf32> to vector<1x1x16xf32>
        tpu.vector_store %arg10[%swap3A_735, %swap3A_736, %swap3A_737], %swap3A_740 {add = true, strides = array<i32>} : memref<4x4x1024xf32, #tpu.memory_space<vmem>>, vector<1x1x16xf32>,
        %get3A_741 = arith.index_cast %scan3A_122 : i32 to index
        %get3A_742 = arith.constant 960 : index
        %get3A_743 = tpu.vector_load %arg8[%get3A_741, %get3A_742] {strides = array<i32>} : memref<16x1024xf32, #tpu.memory_space<vmem>>, vector<1x16xf32>,
        %get3A_744 = vector.shape_cast %get3A_743 : vector<1x16xf32> to vector<16xf32>
        %swap3A_745 = arith.index_cast %select_n3A : i32 to index
        %swap3A_746 = arith.index_cast %rem3A_142 : i32 to index
        %swap3A_747 = arith.constant 960 : index
        %swap3A_748 = tpu.vector_load %arg10[%swap3A_745, %swap3A_746, %swap3A_747] {strides = array<i32>} : memref<4x4x1024xf32, #tpu.memory_space<vmem>>, vector<1x1x16xf32>,
        %swap3A_749 = vector.shape_cast %swap3A_748 : vector<1x1x16xf32> to vector<16xf32>
        %swap3A_750 = vector.shape_cast %get3A_744 : vector<16xf32> to vector<1x1x16xf32>
        tpu.vector_store %arg10[%swap3A_745, %swap3A_746, %swap3A_747], %swap3A_750 {add = true, strides = array<i32>} : memref<4x4x1024xf32, #tpu.memory_space<vmem>>, vector<1x1x16xf32>,
        %get3A_751 = arith.index_cast %scan3A_122 : i32 to index
        %get3A_752 = arith.constant 976 : index
        %get3A_753 = tpu.vector_load %arg8[%get3A_751, %get3A_752] {strides = array<i32>} : memref<16x1024xf32, #tpu.memory_space<vmem>>, vector<1x16xf32>,
        %get3A_754 = vector.shape_cast %get3A_753 : vector<1x16xf32> to vector<16xf32>
        %swap3A_755 = arith.index_cast %select_n3A : i32 to index
        %swap3A_756 = arith.index_cast %rem3A_142 : i32 to index
        %swap3A_757 = arith.constant 976 : index
        %swap3A_758 = tpu.vector_load %arg10[%swap3A_755, %swap3A_756, %swap3A_757] {strides = array<i32>} : memref<4x4x1024xf32, #tpu.memory_space<vmem>>, vector<1x1x16xf32>,
        %swap3A_759 = vector.shape_cast %swap3A_758 : vector<1x1x16xf32> to vector<16xf32>
        %swap3A_760 = vector.shape_cast %get3A_754 : vector<16xf32> to vector<1x1x16xf32>
        tpu.vector_store %arg10[%swap3A_755, %swap3A_756, %swap3A_757], %swap3A_760 {add = true, strides = array<i32>} : memref<4x4x1024xf32, #tpu.memory_space<vmem>>, vector<1x1x16xf32>,
        %get3A_761 = arith.index_cast %scan3A_122 : i32 to index
        %get3A_762 = arith.constant 992 : index
        %get3A_763 = tpu.vector_load %arg8[%get3A_761, %get3A_762] {strides = array<i32>} : memref<16x1024xf32, #tpu.memory_space<vmem>>, vector<1x16xf32>,
        %get3A_764 = vector.shape_cast %get3A_763 : vector<1x16xf32> to vector<16xf32>
        %swap3A_765 = arith.index_cast %select_n3A : i32 to index
        %swap3A_766 = arith.index_cast %rem3A_142 : i32 to index
        %swap3A_767 = arith.constant 992 : index
        %swap3A_768 = tpu.vector_load %arg10[%swap3A_765, %swap3A_766, %swap3A_767] {strides = array<i32>} : memref<4x4x1024xf32, #tpu.memory_space<vmem>>, vector<1x1x16xf32>,
        %swap3A_769 = vector.shape_cast %swap3A_768 : vector<1x1x16xf32> to vector<16xf32>
        %swap3A_770 = vector.shape_cast %get3A_764 : vector<16xf32> to vector<1x1x16xf32>
        tpu.vector_store %arg10[%swap3A_765, %swap3A_766, %swap3A_767], %swap3A_770 {add = true, strides = array<i32>} : memref<4x4x1024xf32, #tpu.memory_space<vmem>>, vector<1x1x16xf32>,
        %get3A_771 = arith.index_cast %scan3A_122 : i32 to index
        %get3A_772 = arith.constant 1008 : index
        %get3A_773 = tpu.vector_load %arg8[%get3A_771, %get3A_772] {strides = array<i32>} : memref<16x1024xf32, #tpu.memory_space<vmem>>, vector<1x16xf32>,
        %get3A_774 = vector.shape_cast %get3A_773 : vector<1x16xf32> to vector<16xf32>
        %swap3A_775 = arith.index_cast %select_n3A : i32 to index
        %swap3A_776 = arith.index_cast %rem3A_142 : i32 to index
        %swap3A_777 = arith.constant 1008 : index
        %swap3A_778 = tpu.vector_load %arg10[%swap3A_775, %swap3A_776, %swap3A_777] {strides = array<i32>} : memref<4x4x1024xf32, #tpu.memory_space<vmem>>, vector<1x1x16xf32>,
        %swap3A_779 = vector.shape_cast %swap3A_778 : vector<1x1x16xf32> to vector<16xf32>
        %swap3A_780 = vector.shape_cast %get3A_774 : vector<16xf32> to vector<1x1x16xf32>
        tpu.vector_store %arg10[%swap3A_775, %swap3A_776, %swap3A_777], %swap3A_780 {add = true, strides = array<i32>} : memref<4x4x1024xf32, #tpu.memory_space<vmem>>, vector<1x1x16xf32>,
        %scan3A_781 = arith.constant 0 : i32
        scf.yield %scan3A_781 : i32
      }
      %scan3A_111 = arith.constant 16 : i32
      %mul3A_112 = arith.constant 4 : i32
      %mul3A_113 = arith.muli %add3A_78, %mul3A_112 : i32
      %add3A_114 = arith.addi %add3A_4, %mul3A_113 : i32
      %dma_start3A_115 = arith.constant 0 : i32
      %dma_start3A_116 = arith.constant 0 : i32
      %dma_start3A_117 = tpu.memref_slice %arg5[%add3A_114, %dma_start3A_115, %dma_start3A_116] : memref<8192x4x1024xf32, #tpu.memory_space<hbm>> -> memref<4x4x1024xf32, #tpu.memory_space<hbm>>
      %dma_start3A_118 = arith.constant 0 : i32
      %dma_start3A_119 = arith.constant 0 : i32
      %dma_start3A_120 = tpu.memref_slice %arg5[%add3A_114, %dma_start3A_118, %dma_start3A_119] : memref<8192x4x1024xf32, #tpu.memory_space<hbm>> -> memref<4x4x1024xf32, #tpu.memory_space<hbm>>
      tpu.enqueue_dma source(%arg10 : memref<4x4x1024xf32, #tpu.memory_space<vmem>>) target(%dma_start3A_120 : memref<4x4x1024xf32, #tpu.memory_space<hbm>>) target_semaphore(%arg16 : memref<!tpu.dma_semaphore, #tpu.memory_space<semaphore_mem>>)
      %scan3A_121 = arith.constant 0 : i32
      scf.yield %scan3A_121 : i32
    }
    %scan3A_25 = arith.constant 16 : i32
    %dma_wait3A = arith.constant 0 : i32
    %dma_wait3A_26 = arith.constant 0 : i32
    %dma_wait3A_27 = tpu.memref_slice %arg5[%add3A_4, %dma_wait3A, %dma_wait3A_26] : memref<8192x4x1024xf32, #tpu.memory_space<hbm>> -> memref<4x4x1024xf32, #tpu.memory_space<hbm>>
    %dma_wait3A_28 = arith.constant 0 : i32
    %dma_wait3A_29 = arith.constant 0 : i32
    %dma_wait3A_30 = tpu.memref_slice %arg5[%add3A_4, %dma_wait3A_28, %dma_wait3A_29] : memref<8192x4x1024xf32, #tpu.memory_space<hbm>> -> memref<4x4x1024xf32, #tpu.memory_space<hbm>>
    tpu.wait_dma2 semaphore(%arg16 : memref<!tpu.dma_semaphore, #tpu.memory_space<semaphore_mem>>) src(%arg10 : memref<4x4x1024xf32, #tpu.memory_space<vmem>>) dst(%dma_wait3A_30 : memref<4x4x1024xf32, #tpu.memory_space<hbm>>)
    return
  }
}

module attributes {stable_mosaic.version = 14 : i64} {
  func.func @_cumsum_body(%arg0: memref<8192x4xf32, #tpu.memory_space<vmem>>, %arg1: memref<8192x4xi32, #tpu.memory_space<vmem>>) attributes {dimension_semantics = [], scalar_prefetch = 0 : i64, scratch_operands = 0 : i64, tpu.core_type = #tpu.core_type<tc>} {
    %get3A = arith.constant 0 : index
    %get3A_0 = arith.constant 0 : index
    %get3A_1 = vector.load %arg0[%get3A, %get3A_0] : memref<8192x4xf32, #tpu.memory_space<vmem>>, vector<8192x4xf32>
    %iota3A = tpu.iota {dimensions = array<i32: 0>} : vector<8192x4xi32>
    %eq3A = arith.constant 0 : i32
    %eq3A_2 = vector.broadcast %eq3A : i32 to vector<8192x4xi32>
    %eq3A_3 = arith.cmpi eq, %iota3A, %eq3A_2 : vector<8192x4xi32>
    %convert_element_type3A = arith.fptosi %get3A_1 : vector<8192x4xf32> to vector<8192x4xi32>
    %jit3A = arith.constant 0 : i32
    %broadcast_in_dim3A = vector.broadcast %jit3A : i32 to vector<8192x4xi32>
    %select_n3A = arith.select %eq3A_3, %broadcast_in_dim3A, %convert_element_type3A : vector<8192x4xi1>, vector<8192x4xi32>
    %broadcast_in_dim3A_4 = arith.constant 0 : i32
    %broadcast_in_dim3A_5 = vector.broadcast %broadcast_in_dim3A_4 : i32 to vector<1x4xi32>
    %slice3A = vector.extract_strided_slice %select_n3A {offsets = [0, 0], sizes = [8191, 4], strides = [1, 1]} : vector<8192x4xi32> to vector<8191x4xi32>
    %concatenate3A = tpu.concatenate %broadcast_in_dim3A_5, %slice3A in 0 : vector<1x4xi32>, vector<8191x4xi32> -> vector<8192x4xi32>
    %add3A = arith.addi %select_n3A, %concatenate3A : vector<8192x4xi32>
    %broadcast_in_dim3A_6 = arith.constant 0 : i32
    %broadcast_in_dim3A_7 = vector.broadcast %broadcast_in_dim3A_6 : i32 to vector<2x4xi32>
    %slice3A_8 = vector.extract_strided_slice %add3A {offsets = [0, 0], sizes = [8190, 4], strides = [1, 1]} : vector<8192x4xi32> to vector<8190x4xi32>
    %concatenate3A_9 = tpu.concatenate %broadcast_in_dim3A_7, %slice3A_8 in 0 : vector<2x4xi32>, vector<8190x4xi32> -> vector<8192x4xi32>
    %add3A_10 = arith.addi %add3A, %concatenate3A_9 : vector<8192x4xi32>
    %broadcast_in_dim3A_11 = arith.constant 0 : i32
    %broadcast_in_dim3A_12 = vector.broadcast %broadcast_in_dim3A_11 : i32 to vector<4x4xi32>
    %slice3A_13 = vector.extract_strided_slice %add3A_10 {offsets = [0, 0], sizes = [8188, 4], strides = [1, 1]} : vector<8192x4xi32> to vector<8188x4xi32>
    %concatenate3A_14 = tpu.concatenate %broadcast_in_dim3A_12, %slice3A_13 in 0 : vector<4x4xi32>, vector<8188x4xi32> -> vector<8192x4xi32>
    %add3A_15 = arith.addi %add3A_10, %concatenate3A_14 : vector<8192x4xi32>
    %broadcast_in_dim3A_16 = arith.constant 0 : i32
    %broadcast_in_dim3A_17 = vector.broadcast %broadcast_in_dim3A_16 : i32 to vector<8x4xi32>
    %slice3A_18 = vector.extract_strided_slice %add3A_15 {offsets = [0, 0], sizes = [8184, 4], strides = [1, 1]} : vector<8192x4xi32> to vector<8184x4xi32>
    %concatenate3A_19 = tpu.concatenate %broadcast_in_dim3A_17, %slice3A_18 in 0 : vector<8x4xi32>, vector<8184x4xi32> -> vector<8192x4xi32>
    %add3A_20 = arith.addi %add3A_15, %concatenate3A_19 : vector<8192x4xi32>
    %broadcast_in_dim3A_21 = arith.constant 0 : i32
    %broadcast_in_dim3A_22 = vector.broadcast %broadcast_in_dim3A_21 : i32 to vector<16x4xi32>
    %slice3A_23 = vector.extract_strided_slice %add3A_20 {offsets = [0, 0], sizes = [8176, 4], strides = [1, 1]} : vector<8192x4xi32> to vector<8176x4xi32>
    %concatenate3A_24 = tpu.concatenate %broadcast_in_dim3A_22, %slice3A_23 in 0 : vector<16x4xi32>, vector<8176x4xi32> -> vector<8192x4xi32>
    %add3A_25 = arith.addi %add3A_20, %concatenate3A_24 : vector<8192x4xi32>
    %broadcast_in_dim3A_26 = arith.constant 0 : i32
    %broadcast_in_dim3A_27 = vector.broadcast %broadcast_in_dim3A_26 : i32 to vector<32x4xi32>
    %slice3A_28 = vector.extract_strided_slice %add3A_25 {offsets = [0, 0], sizes = [8160, 4], strides = [1, 1]} : vector<8192x4xi32> to vector<8160x4xi32>
    %concatenate3A_29 = tpu.concatenate %broadcast_in_dim3A_27, %slice3A_28 in 0 : vector<32x4xi32>, vector<8160x4xi32> -> vector<8192x4xi32>
    %add3A_30 = arith.addi %add3A_25, %concatenate3A_29 : vector<8192x4xi32>
    %broadcast_in_dim3A_31 = arith.constant 0 : i32
    %broadcast_in_dim3A_32 = vector.broadcast %broadcast_in_dim3A_31 : i32 to vector<64x4xi32>
    %slice3A_33 = vector.extract_strided_slice %add3A_30 {offsets = [0, 0], sizes = [8128, 4], strides = [1, 1]} : vector<8192x4xi32> to vector<8128x4xi32>
    %concatenate3A_34 = tpu.concatenate %broadcast_in_dim3A_32, %slice3A_33 in 0 : vector<64x4xi32>, vector<8128x4xi32> -> vector<8192x4xi32>
    %add3A_35 = arith.addi %add3A_30, %concatenate3A_34 : vector<8192x4xi32>
    %broadcast_in_dim3A_36 = arith.constant 0 : i32
    %broadcast_in_dim3A_37 = vector.broadcast %broadcast_in_dim3A_36 : i32 to vector<128x4xi32>
    %slice3A_38 = vector.extract_strided_slice %add3A_35 {offsets = [0, 0], sizes = [8064, 4], strides = [1, 1]} : vector<8192x4xi32> to vector<8064x4xi32>
    %concatenate3A_39 = tpu.concatenate %broadcast_in_dim3A_37, %slice3A_38 in 0 : vector<128x4xi32>, vector<8064x4xi32> -> vector<8192x4xi32>
    %add3A_40 = arith.addi %add3A_35, %concatenate3A_39 : vector<8192x4xi32>
    %broadcast_in_dim3A_41 = arith.constant 0 : i32
    %broadcast_in_dim3A_42 = vector.broadcast %broadcast_in_dim3A_41 : i32 to vector<256x4xi32>
    %slice3A_43 = vector.extract_strided_slice %add3A_40 {offsets = [0, 0], sizes = [7936, 4], strides = [1, 1]} : vector<8192x4xi32> to vector<7936x4xi32>
    %concatenate3A_44 = tpu.concatenate %broadcast_in_dim3A_42, %slice3A_43 in 0 : vector<256x4xi32>, vector<7936x4xi32> -> vector<8192x4xi32>
    %add3A_45 = arith.addi %add3A_40, %concatenate3A_44 : vector<8192x4xi32>
    %broadcast_in_dim3A_46 = arith.constant 0 : i32
    %broadcast_in_dim3A_47 = vector.broadcast %broadcast_in_dim3A_46 : i32 to vector<512x4xi32>
    %slice3A_48 = vector.extract_strided_slice %add3A_45 {offsets = [0, 0], sizes = [7680, 4], strides = [1, 1]} : vector<8192x4xi32> to vector<7680x4xi32>
    %concatenate3A_49 = tpu.concatenate %broadcast_in_dim3A_47, %slice3A_48 in 0 : vector<512x4xi32>, vector<7680x4xi32> -> vector<8192x4xi32>
    %add3A_50 = arith.addi %add3A_45, %concatenate3A_49 : vector<8192x4xi32>
    %broadcast_in_dim3A_51 = arith.constant 0 : i32
    %broadcast_in_dim3A_52 = vector.broadcast %broadcast_in_dim3A_51 : i32 to vector<1024x4xi32>
    %slice3A_53 = vector.extract_strided_slice %add3A_50 {offsets = [0, 0], sizes = [7168, 4], strides = [1, 1]} : vector<8192x4xi32> to vector<7168x4xi32>
    %concatenate3A_54 = tpu.concatenate %broadcast_in_dim3A_52, %slice3A_53 in 0 : vector<1024x4xi32>, vector<7168x4xi32> -> vector<8192x4xi32>
    %add3A_55 = arith.addi %add3A_50, %concatenate3A_54 : vector<8192x4xi32>
    %broadcast_in_dim3A_56 = arith.constant 0 : i32
    %broadcast_in_dim3A_57 = vector.broadcast %broadcast_in_dim3A_56 : i32 to vector<2048x4xi32>
    %slice3A_58 = vector.extract_strided_slice %add3A_55 {offsets = [0, 0], sizes = [6144, 4], strides = [1, 1]} : vector<8192x4xi32> to vector<6144x4xi32>
    %concatenate3A_59 = tpu.concatenate %broadcast_in_dim3A_57, %slice3A_58 in 0 : vector<2048x4xi32>, vector<6144x4xi32> -> vector<8192x4xi32>
    %add3A_60 = arith.addi %add3A_55, %concatenate3A_59 : vector<8192x4xi32>
    %broadcast_in_dim3A_61 = arith.constant 0 : i32
    %broadcast_in_dim3A_62 = vector.broadcast %broadcast_in_dim3A_61 : i32 to vector<4096x4xi32>
    %slice3A_63 = vector.extract_strided_slice %add3A_60 {offsets = [0, 0], sizes = [4096, 4], strides = [1, 1]} : vector<8192x4xi32> to vector<4096x4xi32>
    %concatenate3A_64 = tpu.concatenate %broadcast_in_dim3A_62, %slice3A_63 in 0 : vector<4096x4xi32>, vector<4096x4xi32> -> vector<8192x4xi32>
    %add3A_65 = arith.addi %add3A_60, %concatenate3A_64 : vector<8192x4xi32>
    %swap3A = arith.constant 0 : index
    %swap3A_66 = arith.constant 0 : index
    %swap3A_67 = vector.load %arg1[%swap3A, %swap3A_66] : memref<8192x4xi32, #tpu.memory_space<vmem>>, vector<8192x4xi32>
    tpu.vector_store %arg1[%swap3A, %swap3A_66], %add3A_65 {strides = array<i32>} : memref<8192x4xi32, #tpu.memory_space<vmem>>, vector<8192x4xi32>,
    return
  }
}

module attributes {stable_mosaic.version = 14 : i64} {
  func.func @_mm_body(%arg0: i32, %arg1: memref<16x4xi32, #tpu.memory_space<smem>>, %arg2: memref<256x4xi32, #tpu.memory_space<vmem>>, %arg3: memref<256x4x1024xf32, #tpu.memory_space<vmem>>, %arg4: memref<8193x1024xf32, #tpu.memory_space<any>>, %arg5: memref<256x4x1024xf32, #tpu.memory_space<vmem>>, %arg6: memref<2x4x264x1024xf32, #tpu.memory_space<vmem>>, %arg7: memref<2x4x!tpu.dma_semaphore, #tpu.memory_space<semaphore_mem>>) attributes {dimension_semantics = [#tpu.dimension_semantics<arbitrary>], iteration_bounds = array<i64: 16>, scalar_prefetch = 1 : i64, scratch_operands = 2 : i64, tpu.core_type = #tpu.core_type<tc>, window_params = [{transform_indices = @transform_0, window_bounds = array<i64: 256, 4>}, {transform_indices = @transform_1, window_bounds = array<i64: 256, 4, 1024>}, {}, {transform_indices = @transform_3, window_bounds = array<i64: 256, 4, 1024>}]} {
    %eq3A = arith.constant 0 : i32
    %eq3A_0 = arith.cmpi eq, %arg0, %eq3A : i32
    %convert_element_type3A = arith.extui %eq3A_0 : i1 to i32
    %cond3A = arith.constant 0 : i32
    %cond3A_1 = arith.cmpi ne, %convert_element_type3A, %cond3A : i32
    scf.if %cond3A_1 {
      %get3A_209 = arith.constant 0 : index
      %get3A_210 = arith.constant 0 : index
      %get3A_211 = memref.load %arg1[%get3A_209, %get3A_210] : memref<16x4xi32, #tpu.memory_space<smem>>
      %shift_right_arithmetic3A_212 = arith.constant 3 : i32
      %shift_right_arithmetic3A_213 = arith.shrsi %get3A_211, %shift_right_arithmetic3A_212 : i32
      %shift_left3A_214 = arith.constant 3 : i32
      %shift_left3A_215 = arith.shli %shift_right_arithmetic3A_213, %shift_left3A_214 : i32
      %multiple_of3A_216 = tpu.assume_multiple %shift_left3A_215, 8 : i32
      %dma_start3A = arith.constant 0 : i32
      %dma_start3A_217 = arith.constant 0 : i32
      %dma_start3A_218 = arith.constant 0 : i32
      %dma_start3A_219 = arith.constant 0 : i32
      %dma_start3A_220 = tpu.memref_slice %arg7[%dma_start3A_218, %dma_start3A_219] : memref<2x4x!tpu.dma_semaphore, #tpu.memory_space<semaphore_mem>> -> memref<1x1x!tpu.dma_semaphore, #tpu.memory_space<semaphore_mem>>
      %dma_start3A_221 = tpu.memref_squeeze %dma_start3A_220 : memref<1x1x!tpu.dma_semaphore, #tpu.memory_space<semaphore_mem>> -> memref<!tpu.dma_semaphore, #tpu.memory_space<semaphore_mem>>
      %dma_start3A_222 = arith.constant 0 : i32
      %dma_start3A_223 = arith.constant 0 : i32
      %dma_start3A_224 = tpu.memref_slice %arg6[%dma_start3A, %dma_start3A_217, %dma_start3A_222, %dma_start3A_223] : memref<2x4x264x1024xf32, #tpu.memory_space<vmem>> -> memref<1x1x264x1024xf32, #tpu.memory_space<vmem>>
      %dma_start3A_225 = tpu.memref_squeeze %dma_start3A_224 : memref<1x1x264x1024xf32, #tpu.memory_space<vmem>> -> memref<264x1024xf32, #tpu.memory_space<vmem>>
      %dma_start3A_226 = arith.constant 0 : i32
      %dma_start3A_227 = tpu.memref_slice %arg4[%multiple_of3A_216, %dma_start3A_226] : memref<8193x1024xf32, #tpu.memory_space<any>> -> memref<264x1024xf32, #tpu.memory_space<any>>
      tpu.enqueue_dma source(%dma_start3A_227 : memref<264x1024xf32, #tpu.memory_space<any>>) target(%dma_start3A_225 : memref<264x1024xf32, #tpu.memory_space<vmem>>) target_semaphore(%dma_start3A_221 : memref<!tpu.dma_semaphore, #tpu.memory_space<semaphore_mem>>)
      %get3A_228 = arith.constant 0 : index
      %get3A_229 = arith.constant 1 : index
      %get3A_230 = memref.load %arg1[%get3A_228, %get3A_229] : memref<16x4xi32, #tpu.memory_space<smem>>
      %shift_right_arithmetic3A_231 = arith.constant 3 : i32
      %shift_right_arithmetic3A_232 = arith.shrsi %get3A_230, %shift_right_arithmetic3A_231 : i32
      %shift_left3A_233 = arith.constant 3 : i32
      %shift_left3A_234 = arith.shli %shift_right_arithmetic3A_232, %shift_left3A_233 : i32
      %multiple_of3A_235 = tpu.assume_multiple %shift_left3A_234, 8 : i32
      %dma_start3A_236 = arith.constant 0 : i32
      %dma_start3A_237 = arith.constant 1 : i32
      %dma_start3A_238 = arith.constant 0 : i32
      %dma_start3A_239 = arith.constant 1 : i32
      %dma_start3A_240 = tpu.memref_slice %arg7[%dma_start3A_238, %dma_start3A_239] : memref<2x4x!tpu.dma_semaphore, #tpu.memory_space<semaphore_mem>> -> memref<1x1x!tpu.dma_semaphore, #tpu.memory_space<semaphore_mem>>
      %dma_start3A_241 = tpu.memref_squeeze %dma_start3A_240 : memref<1x1x!tpu.dma_semaphore, #tpu.memory_space<semaphore_mem>> -> memref<!tpu.dma_semaphore, #tpu.memory_space<semaphore_mem>>
      %dma_start3A_242 = arith.constant 0 : i32
      %dma_start3A_243 = arith.constant 0 : i32
      %dma_start3A_244 = tpu.memref_slice %arg6[%dma_start3A_236, %dma_start3A_237, %dma_start3A_242, %dma_start3A_243] : memref<2x4x264x1024xf32, #tpu.memory_space<vmem>> -> memref<1x1x264x1024xf32, #tpu.memory_space<vmem>>
      %dma_start3A_245 = tpu.memref_squeeze %dma_start3A_244 : memref<1x1x264x1024xf32, #tpu.memory_space<vmem>> -> memref<264x1024xf32, #tpu.memory_space<vmem>>
      %dma_start3A_246 = arith.constant 0 : i32
      %dma_start3A_247 = tpu.memref_slice %arg4[%multiple_of3A_235, %dma_start3A_246] : memref<8193x1024xf32, #tpu.memory_space<any>> -> memref<264x1024xf32, #tpu.memory_space<any>>
      tpu.enqueue_dma source(%dma_start3A_247 : memref<264x1024xf32, #tpu.memory_space<any>>) target(%dma_start3A_245 : memref<264x1024xf32, #tpu.memory_space<vmem>>) target_semaphore(%dma_start3A_241 : memref<!tpu.dma_semaphore, #tpu.memory_space<semaphore_mem>>)
      %get3A_248 = arith.constant 0 : index
      %get3A_249 = arith.constant 2 : index
      %get3A_250 = memref.load %arg1[%get3A_248, %get3A_249] : memref<16x4xi32, #tpu.memory_space<smem>>
      %shift_right_arithmetic3A_251 = arith.constant 3 : i32
      %shift_right_arithmetic3A_252 = arith.shrsi %get3A_250, %shift_right_arithmetic3A_251 : i32
      %shift_left3A_253 = arith.constant 3 : i32
      %shift_left3A_254 = arith.shli %shift_right_arithmetic3A_252, %shift_left3A_253 : i32
      %multiple_of3A_255 = tpu.assume_multiple %shift_left3A_254, 8 : i32
      %dma_start3A_256 = arith.constant 0 : i32
      %dma_start3A_257 = arith.constant 2 : i32
      %dma_start3A_258 = arith.constant 0 : i32
      %dma_start3A_259 = arith.constant 2 : i32
      %dma_start3A_260 = tpu.memref_slice %arg7[%dma_start3A_258, %dma_start3A_259] : memref<2x4x!tpu.dma_semaphore, #tpu.memory_space<semaphore_mem>> -> memref<1x1x!tpu.dma_semaphore, #tpu.memory_space<semaphore_mem>>
      %dma_start3A_261 = tpu.memref_squeeze %dma_start3A_260 : memref<1x1x!tpu.dma_semaphore, #tpu.memory_space<semaphore_mem>> -> memref<!tpu.dma_semaphore, #tpu.memory_space<semaphore_mem>>
      %dma_start3A_262 = arith.constant 0 : i32
      %dma_start3A_263 = arith.constant 0 : i32
      %dma_start3A_264 = tpu.memref_slice %arg6[%dma_start3A_256, %dma_start3A_257, %dma_start3A_262, %dma_start3A_263] : memref<2x4x264x1024xf32, #tpu.memory_space<vmem>> -> memref<1x1x264x1024xf32, #tpu.memory_space<vmem>>
      %dma_start3A_265 = tpu.memref_squeeze %dma_start3A_264 : memref<1x1x264x1024xf32, #tpu.memory_space<vmem>> -> memref<264x1024xf32, #tpu.memory_space<vmem>>
      %dma_start3A_266 = arith.constant 0 : i32
      %dma_start3A_267 = tpu.memref_slice %arg4[%multiple_of3A_255, %dma_start3A_266] : memref<8193x1024xf32, #tpu.memory_space<any>> -> memref<264x1024xf32, #tpu.memory_space<any>>
      tpu.enqueue_dma source(%dma_start3A_267 : memref<264x1024xf32, #tpu.memory_space<any>>) target(%dma_start3A_265 : memref<264x1024xf32, #tpu.memory_space<vmem>>) target_semaphore(%dma_start3A_261 : memref<!tpu.dma_semaphore, #tpu.memory_space<semaphore_mem>>)
      %get3A_268 = arith.constant 0 : index
      %get3A_269 = arith.constant 3 : index
      %get3A_270 = memref.load %arg1[%get3A_268, %get3A_269] : memref<16x4xi32, #tpu.memory_space<smem>>
      %shift_right_arithmetic3A_271 = arith.constant 3 : i32
      %shift_right_arithmetic3A_272 = arith.shrsi %get3A_270, %shift_right_arithmetic3A_271 : i32
      %shift_left3A_273 = arith.constant 3 : i32
      %shift_left3A_274 = arith.shli %shift_right_arithmetic3A_272, %shift_left3A_273 : i32
      %multiple_of3A_275 = tpu.assume_multiple %shift_left3A_274, 8 : i32
      %dma_start3A_276 = arith.constant 0 : i32
      %dma_start3A_277 = arith.constant 3 : i32
      %dma_start3A_278 = arith.constant 0 : i32
      %dma_start3A_279 = arith.constant 3 : i32
      %dma_start3A_280 = tpu.memref_slice %arg7[%dma_start3A_278, %dma_start3A_279] : memref<2x4x!tpu.dma_semaphore, #tpu.memory_space<semaphore_mem>> -> memref<1x1x!tpu.dma_semaphore, #tpu.memory_space<semaphore_mem>>
      %dma_start3A_281 = tpu.memref_squeeze %dma_start3A_280 : memref<1x1x!tpu.dma_semaphore, #tpu.memory_space<semaphore_mem>> -> memref<!tpu.dma_semaphore, #tpu.memory_space<semaphore_mem>>
      %dma_start3A_282 = arith.constant 0 : i32
      %dma_start3A_283 = arith.constant 0 : i32
      %dma_start3A_284 = tpu.memref_slice %arg6[%dma_start3A_276, %dma_start3A_277, %dma_start3A_282, %dma_start3A_283] : memref<2x4x264x1024xf32, #tpu.memory_space<vmem>> -> memref<1x1x264x1024xf32, #tpu.memory_space<vmem>>
      %dma_start3A_285 = tpu.memref_squeeze %dma_start3A_284 : memref<1x1x264x1024xf32, #tpu.memory_space<vmem>> -> memref<264x1024xf32, #tpu.memory_space<vmem>>
      %dma_start3A_286 = arith.constant 0 : i32
      %dma_start3A_287 = tpu.memref_slice %arg4[%multiple_of3A_275, %dma_start3A_286] : memref<8193x1024xf32, #tpu.memory_space<any>> -> memref<264x1024xf32, #tpu.memory_space<any>>
      tpu.enqueue_dma source(%dma_start3A_287 : memref<264x1024xf32, #tpu.memory_space<any>>) target(%dma_start3A_285 : memref<264x1024xf32, #tpu.memory_space<vmem>>) target_semaphore(%dma_start3A_281 : memref<!tpu.dma_semaphore, #tpu.memory_space<semaphore_mem>>)
    } else {
    }
    %add3A = arith.constant 1 : i32
    %add3A_2 = arith.addi %arg0, %add3A : i32
    %lt3A = arith.constant 16 : i32
    %lt3A_3 = arith.cmpi slt, %add3A_2, %lt3A : i32
    %convert_element_type3A_4 = arith.extui %lt3A_3 : i1 to i32
    %cond3A_5 = arith.constant 0 : i32
    %cond3A_6 = arith.cmpi ne, %convert_element_type3A_4, %cond3A_5 : i32
    scf.if %cond3A_6 {
      %add3A_209 = arith.constant 1 : i32
      %add3A_210 = arith.addi %arg0, %add3A_209 : i32
      %add3A_211 = arith.constant 1 : i32
      %add3A_212 = arith.addi %arg0, %add3A_211 : i32
      %jit3A_213 = arith.constant 2 : i32
      %eq3A_214 = arith.constant 0 : i32
      %eq3A_215 = arith.cmpi eq, %jit3A_213, %eq3A_214 : i32
      %jit3A_216 = arith.constant 1 : i32
      %select_n3A_217 = arith.select %eq3A_215, %jit3A_216, %jit3A_213 : i32
      %rem3A_218 = arith.remsi %add3A_212, %select_n3A_217 : i32
      %ne3A_219 = arith.constant 0 : i32
      %ne3A_220 = arith.cmpi ne, %rem3A_218, %ne3A_219 : i32
      %lt3A_221 = arith.constant 0 : i32
      %lt3A_222 = arith.cmpi slt, %rem3A_218, %lt3A_221 : i32
      %lt3A_223 = arith.constant 0 : i32
      %lt3A_224 = arith.cmpi slt, %select_n3A_217, %lt3A_223 : i32
      %ne3A_225 = arith.xori %lt3A_222, %lt3A_224 : i1
      %and3A_226 = arith.andi %ne3A_225, %ne3A_220 : i1
      %add3A_227 = arith.addi %rem3A_218, %select_n3A_217 : i32
      %select_n3A_228 = arith.select %and3A_226, %add3A_227, %rem3A_218 : i32
      %get3A_229 = arith.index_cast %add3A_210 : i32 to index
      %get3A_230 = arith.constant 0 : index
      %get3A_231 = memref.load %arg1[%get3A_229, %get3A_230] : memref<16x4xi32, #tpu.memory_space<smem>>
      %shift_right_arithmetic3A_232 = arith.constant 3 : i32
      %shift_right_arithmetic3A_233 = arith.shrsi %get3A_231, %shift_right_arithmetic3A_232 : i32
      %shift_left3A_234 = arith.constant 3 : i32
      %shift_left3A_235 = arith.shli %shift_right_arithmetic3A_233, %shift_left3A_234 : i32
      %multiple_of3A_236 = tpu.assume_multiple %shift_left3A_235, 8 : i32
      %dma_start3A = arith.constant 0 : i32
      %dma_start3A_237 = arith.constant 0 : i32
      %dma_start3A_238 = tpu.memref_slice %arg7[%select_n3A_228, %dma_start3A_237] : memref<2x4x!tpu.dma_semaphore, #tpu.memory_space<semaphore_mem>> -> memref<1x1x!tpu.dma_semaphore, #tpu.memory_space<semaphore_mem>>
      %dma_start3A_239 = tpu.memref_squeeze %dma_start3A_238 : memref<1x1x!tpu.dma_semaphore, #tpu.memory_space<semaphore_mem>> -> memref<!tpu.dma_semaphore, #tpu.memory_space<semaphore_mem>>
      %dma_start3A_240 = arith.constant 0 : i32
      %dma_start3A_241 = arith.constant 0 : i32
      %dma_start3A_242 = tpu.memref_slice %arg6[%select_n3A_228, %dma_start3A, %dma_start3A_240, %dma_start3A_241] : memref<2x4x264x1024xf32, #tpu.memory_space<vmem>> -> memref<1x1x264x1024xf32, #tpu.memory_space<vmem>>
      %dma_start3A_243 = tpu.memref_squeeze %dma_start3A_242 : memref<1x1x264x1024xf32, #tpu.memory_space<vmem>> -> memref<264x1024xf32, #tpu.memory_space<vmem>>
      %dma_start3A_244 = arith.constant 0 : i32
      %dma_start3A_245 = tpu.memref_slice %arg4[%multiple_of3A_236, %dma_start3A_244] : memref<8193x1024xf32, #tpu.memory_space<any>> -> memref<264x1024xf32, #tpu.memory_space<any>>
      tpu.enqueue_dma source(%dma_start3A_245 : memref<264x1024xf32, #tpu.memory_space<any>>) target(%dma_start3A_243 : memref<264x1024xf32, #tpu.memory_space<vmem>>) target_semaphore(%dma_start3A_239 : memref<!tpu.dma_semaphore, #tpu.memory_space<semaphore_mem>>)
      %get3A_246 = arith.index_cast %add3A_210 : i32 to index
      %get3A_247 = arith.constant 1 : index
      %get3A_248 = memref.load %arg1[%get3A_246, %get3A_247] : memref<16x4xi32, #tpu.memory_space<smem>>
      %shift_right_arithmetic3A_249 = arith.constant 3 : i32
      %shift_right_arithmetic3A_250 = arith.shrsi %get3A_248, %shift_right_arithmetic3A_249 : i32
      %shift_left3A_251 = arith.constant 3 : i32
      %shift_left3A_252 = arith.shli %shift_right_arithmetic3A_250, %shift_left3A_251 : i32
      %multiple_of3A_253 = tpu.assume_multiple %shift_left3A_252, 8 : i32
      %dma_start3A_254 = arith.constant 1 : i32
      %dma_start3A_255 = arith.constant 1 : i32
      %dma_start3A_256 = tpu.memref_slice %arg7[%select_n3A_228, %dma_start3A_255] : memref<2x4x!tpu.dma_semaphore, #tpu.memory_space<semaphore_mem>> -> memref<1x1x!tpu.dma_semaphore, #tpu.memory_space<semaphore_mem>>
      %dma_start3A_257 = tpu.memref_squeeze %dma_start3A_256 : memref<1x1x!tpu.dma_semaphore, #tpu.memory_space<semaphore_mem>> -> memref<!tpu.dma_semaphore, #tpu.memory_space<semaphore_mem>>
      %dma_start3A_258 = arith.constant 0 : i32
      %dma_start3A_259 = arith.constant 0 : i32
      %dma_start3A_260 = tpu.memref_slice %arg6[%select_n3A_228, %dma_start3A_254, %dma_start3A_258, %dma_start3A_259] : memref<2x4x264x1024xf32, #tpu.memory_space<vmem>> -> memref<1x1x264x1024xf32, #tpu.memory_space<vmem>>
      %dma_start3A_261 = tpu.memref_squeeze %dma_start3A_260 : memref<1x1x264x1024xf32, #tpu.memory_space<vmem>> -> memref<264x1024xf32, #tpu.memory_space<vmem>>
      %dma_start3A_262 = arith.constant 0 : i32
      %dma_start3A_263 = tpu.memref_slice %arg4[%multiple_of3A_253, %dma_start3A_262] : memref<8193x1024xf32, #tpu.memory_space<any>> -> memref<264x1024xf32, #tpu.memory_space<any>>
      tpu.enqueue_dma source(%dma_start3A_263 : memref<264x1024xf32, #tpu.memory_space<any>>) target(%dma_start3A_261 : memref<264x1024xf32, #tpu.memory_space<vmem>>) target_semaphore(%dma_start3A_257 : memref<!tpu.dma_semaphore, #tpu.memory_space<semaphore_mem>>)
      %get3A_264 = arith.index_cast %add3A_210 : i32 to index
      %get3A_265 = arith.constant 2 : index
      %get3A_266 = memref.load %arg1[%get3A_264, %get3A_265] : memref<16x4xi32, #tpu.memory_space<smem>>
      %shift_right_arithmetic3A_267 = arith.constant 3 : i32
      %shift_right_arithmetic3A_268 = arith.shrsi %get3A_266, %shift_right_arithmetic3A_267 : i32
      %shift_left3A_269 = arith.constant 3 : i32
      %shift_left3A_270 = arith.shli %shift_right_arithmetic3A_268, %shift_left3A_269 : i32
      %multiple_of3A_271 = tpu.assume_multiple %shift_left3A_270, 8 : i32
      %dma_start3A_272 = arith.constant 2 : i32
      %dma_start3A_273 = arith.constant 2 : i32
      %dma_start3A_274 = tpu.memref_slice %arg7[%select_n3A_228, %dma_start3A_273] : memref<2x4x!tpu.dma_semaphore, #tpu.memory_space<semaphore_mem>> -> memref<1x1x!tpu.dma_semaphore, #tpu.memory_space<semaphore_mem>>
      %dma_start3A_275 = tpu.memref_squeeze %dma_start3A_274 : memref<1x1x!tpu.dma_semaphore, #tpu.memory_space<semaphore_mem>> -> memref<!tpu.dma_semaphore, #tpu.memory_space<semaphore_mem>>
      %dma_start3A_276 = arith.constant 0 : i32
      %dma_start3A_277 = arith.constant 0 : i32
      %dma_start3A_278 = tpu.memref_slice %arg6[%select_n3A_228, %dma_start3A_272, %dma_start3A_276, %dma_start3A_277] : memref<2x4x264x1024xf32, #tpu.memory_space<vmem>> -> memref<1x1x264x1024xf32, #tpu.memory_space<vmem>>
      %dma_start3A_279 = tpu.memref_squeeze %dma_start3A_278 : memref<1x1x264x1024xf32, #tpu.memory_space<vmem>> -> memref<264x1024xf32, #tpu.memory_space<vmem>>
      %dma_start3A_280 = arith.constant 0 : i32
      %dma_start3A_281 = tpu.memref_slice %arg4[%multiple_of3A_271, %dma_start3A_280] : memref<8193x1024xf32, #tpu.memory_space<any>> -> memref<264x1024xf32, #tpu.memory_space<any>>
      tpu.enqueue_dma source(%dma_start3A_281 : memref<264x1024xf32, #tpu.memory_space<any>>) target(%dma_start3A_279 : memref<264x1024xf32, #tpu.memory_space<vmem>>) target_semaphore(%dma_start3A_275 : memref<!tpu.dma_semaphore, #tpu.memory_space<semaphore_mem>>)
      %get3A_282 = arith.index_cast %add3A_210 : i32 to index
      %get3A_283 = arith.constant 3 : index
      %get3A_284 = memref.load %arg1[%get3A_282, %get3A_283] : memref<16x4xi32, #tpu.memory_space<smem>>
      %shift_right_arithmetic3A_285 = arith.constant 3 : i32
      %shift_right_arithmetic3A_286 = arith.shrsi %get3A_284, %shift_right_arithmetic3A_285 : i32
      %shift_left3A_287 = arith.constant 3 : i32
      %shift_left3A_288 = arith.shli %shift_right_arithmetic3A_286, %shift_left3A_287 : i32
      %multiple_of3A_289 = tpu.assume_multiple %shift_left3A_288, 8 : i32
      %dma_start3A_290 = arith.constant 3 : i32
      %dma_start3A_291 = arith.constant 3 : i32
      %dma_start3A_292 = tpu.memref_slice %arg7[%select_n3A_228, %dma_start3A_291] : memref<2x4x!tpu.dma_semaphore, #tpu.memory_space<semaphore_mem>> -> memref<1x1x!tpu.dma_semaphore, #tpu.memory_space<semaphore_mem>>
      %dma_start3A_293 = tpu.memref_squeeze %dma_start3A_292 : memref<1x1x!tpu.dma_semaphore, #tpu.memory_space<semaphore_mem>> -> memref<!tpu.dma_semaphore, #tpu.memory_space<semaphore_mem>>
      %dma_start3A_294 = arith.constant 0 : i32
      %dma_start3A_295 = arith.constant 0 : i32
      %dma_start3A_296 = tpu.memref_slice %arg6[%select_n3A_228, %dma_start3A_290, %dma_start3A_294, %dma_start3A_295] : memref<2x4x264x1024xf32, #tpu.memory_space<vmem>> -> memref<1x1x264x1024xf32, #tpu.memory_space<vmem>>
      %dma_start3A_297 = tpu.memref_squeeze %dma_start3A_296 : memref<1x1x264x1024xf32, #tpu.memory_space<vmem>> -> memref<264x1024xf32, #tpu.memory_space<vmem>>
      %dma_start3A_298 = arith.constant 0 : i32
      %dma_start3A_299 = tpu.memref_slice %arg4[%multiple_of3A_289, %dma_start3A_298] : memref<8193x1024xf32, #tpu.memory_space<any>> -> memref<264x1024xf32, #tpu.memory_space<any>>
      tpu.enqueue_dma source(%dma_start3A_299 : memref<264x1024xf32, #tpu.memory_space<any>>) target(%dma_start3A_297 : memref<264x1024xf32, #tpu.memory_space<vmem>>) target_semaphore(%dma_start3A_293 : memref<!tpu.dma_semaphore, #tpu.memory_space<semaphore_mem>>)
    } else {
    }
    %jit3A = arith.constant 2 : i32
    %eq3A_7 = arith.constant 0 : i32
    %eq3A_8 = arith.cmpi eq, %jit3A, %eq3A_7 : i32
    %jit3A_9 = arith.constant 1 : i32
    %select_n3A = arith.select %eq3A_8, %jit3A_9, %jit3A : i32
    %rem3A = arith.remsi %arg0, %select_n3A : i32
    %ne3A = arith.constant 0 : i32
    %ne3A_10 = arith.cmpi ne, %rem3A, %ne3A : i32
    %lt3A_11 = arith.constant 0 : i32
    %lt3A_12 = arith.cmpi slt, %rem3A, %lt3A_11 : i32
    %lt3A_13 = arith.constant 0 : i32
    %lt3A_14 = arith.cmpi slt, %select_n3A, %lt3A_13 : i32
    %ne3A_15 = arith.xori %lt3A_12, %lt3A_14 : i1
    %and3A = arith.andi %ne3A_15, %ne3A_10 : i1
    %add3A_16 = arith.addi %rem3A, %select_n3A : i32
    %select_n3A_17 = arith.select %and3A, %add3A_16, %rem3A : i32
    %dma_wait3A = arith.constant 0 : i32
    %dma_wait3A_18 = arith.constant 0 : i32
    %dma_wait3A_19 = tpu.memref_slice %arg7[%select_n3A_17, %dma_wait3A_18] : memref<2x4x!tpu.dma_semaphore, #tpu.memory_space<semaphore_mem>> -> memref<1x1x!tpu.dma_semaphore, #tpu.memory_space<semaphore_mem>>
    %dma_wait3A_20 = tpu.memref_squeeze %dma_wait3A_19 : memref<1x1x!tpu.dma_semaphore, #tpu.memory_space<semaphore_mem>> -> memref<!tpu.dma_semaphore, #tpu.memory_space<semaphore_mem>>
    %dma_wait3A_21 = arith.constant 0 : i32
    %dma_wait3A_22 = arith.constant 0 : i32
    %dma_wait3A_23 = tpu.memref_slice %arg6[%select_n3A_17, %dma_wait3A, %dma_wait3A_21, %dma_wait3A_22] : memref<2x4x264x1024xf32, #tpu.memory_space<vmem>> -> memref<1x1x264x1024xf32, #tpu.memory_space<vmem>>
    %dma_wait3A_24 = tpu.memref_squeeze %dma_wait3A_23 : memref<1x1x264x1024xf32, #tpu.memory_space<vmem>> -> memref<264x1024xf32, #tpu.memory_space<vmem>>
    %dma_wait3A_25 = arith.constant 0 : i32
    %dma_wait3A_26 = arith.constant 0 : i32
    %dma_wait3A_27 = tpu.memref_slice %arg4[%dma_wait3A_25, %dma_wait3A_26] : memref<8193x1024xf32, #tpu.memory_space<any>> -> memref<264x1024xf32, #tpu.memory_space<any>>
    tpu.wait_dma2 semaphore(%dma_wait3A_20 : memref<!tpu.dma_semaphore, #tpu.memory_space<semaphore_mem>>) src(%dma_wait3A_27 : memref<264x1024xf32, #tpu.memory_space<any>>) dst(%dma_wait3A_24 : memref<264x1024xf32, #tpu.memory_space<vmem>>)
    %dma_wait3A_28 = arith.constant 1 : i32
    %dma_wait3A_29 = arith.constant 1 : i32
    %dma_wait3A_30 = tpu.memref_slice %arg7[%select_n3A_17, %dma_wait3A_29] : memref<2x4x!tpu.dma_semaphore, #tpu.memory_space<semaphore_mem>> -> memref<1x1x!tpu.dma_semaphore, #tpu.memory_space<semaphore_mem>>
    %dma_wait3A_31 = tpu.memref_squeeze %dma_wait3A_30 : memref<1x1x!tpu.dma_semaphore, #tpu.memory_space<semaphore_mem>> -> memref<!tpu.dma_semaphore, #tpu.memory_space<semaphore_mem>>
    %dma_wait3A_32 = arith.constant 0 : i32
    %dma_wait3A_33 = arith.constant 0 : i32
    %dma_wait3A_34 = tpu.memref_slice %arg6[%select_n3A_17, %dma_wait3A_28, %dma_wait3A_32, %dma_wait3A_33] : memref<2x4x264x1024xf32, #tpu.memory_space<vmem>> -> memref<1x1x264x1024xf32, #tpu.memory_space<vmem>>
    %dma_wait3A_35 = tpu.memref_squeeze %dma_wait3A_34 : memref<1x1x264x1024xf32, #tpu.memory_space<vmem>> -> memref<264x1024xf32, #tpu.memory_space<vmem>>
    %dma_wait3A_36 = arith.constant 0 : i32
    %dma_wait3A_37 = arith.constant 0 : i32
    %dma_wait3A_38 = tpu.memref_slice %arg4[%dma_wait3A_36, %dma_wait3A_37] : memref<8193x1024xf32, #tpu.memory_space<any>> -> memref<264x1024xf32, #tpu.memory_space<any>>
    tpu.wait_dma2 semaphore(%dma_wait3A_31 : memref<!tpu.dma_semaphore, #tpu.memory_space<semaphore_mem>>) src(%dma_wait3A_38 : memref<264x1024xf32, #tpu.memory_space<any>>) dst(%dma_wait3A_35 : memref<264x1024xf32, #tpu.memory_space<vmem>>)
    %dma_wait3A_39 = arith.constant 2 : i32
    %dma_wait3A_40 = arith.constant 2 : i32
    %dma_wait3A_41 = tpu.memref_slice %arg7[%select_n3A_17, %dma_wait3A_40] : memref<2x4x!tpu.dma_semaphore, #tpu.memory_space<semaphore_mem>> -> memref<1x1x!tpu.dma_semaphore, #tpu.memory_space<semaphore_mem>>
    %dma_wait3A_42 = tpu.memref_squeeze %dma_wait3A_41 : memref<1x1x!tpu.dma_semaphore, #tpu.memory_space<semaphore_mem>> -> memref<!tpu.dma_semaphore, #tpu.memory_space<semaphore_mem>>
    %dma_wait3A_43 = arith.constant 0 : i32
    %dma_wait3A_44 = arith.constant 0 : i32
    %dma_wait3A_45 = tpu.memref_slice %arg6[%select_n3A_17, %dma_wait3A_39, %dma_wait3A_43, %dma_wait3A_44] : memref<2x4x264x1024xf32, #tpu.memory_space<vmem>> -> memref<1x1x264x1024xf32, #tpu.memory_space<vmem>>
    %dma_wait3A_46 = tpu.memref_squeeze %dma_wait3A_45 : memref<1x1x264x1024xf32, #tpu.memory_space<vmem>> -> memref<264x1024xf32, #tpu.memory_space<vmem>>
    %dma_wait3A_47 = arith.constant 0 : i32
    %dma_wait3A_48 = arith.constant 0 : i32
    %dma_wait3A_49 = tpu.memref_slice %arg4[%dma_wait3A_47, %dma_wait3A_48] : memref<8193x1024xf32, #tpu.memory_space<any>> -> memref<264x1024xf32, #tpu.memory_space<any>>
    tpu.wait_dma2 semaphore(%dma_wait3A_42 : memref<!tpu.dma_semaphore, #tpu.memory_space<semaphore_mem>>) src(%dma_wait3A_49 : memref<264x1024xf32, #tpu.memory_space<any>>) dst(%dma_wait3A_46 : memref<264x1024xf32, #tpu.memory_space<vmem>>)
    %dma_wait3A_50 = arith.constant 3 : i32
    %dma_wait3A_51 = arith.constant 3 : i32
    %dma_wait3A_52 = tpu.memref_slice %arg7[%select_n3A_17, %dma_wait3A_51] : memref<2x4x!tpu.dma_semaphore, #tpu.memory_space<semaphore_mem>> -> memref<1x1x!tpu.dma_semaphore, #tpu.memory_space<semaphore_mem>>
    %dma_wait3A_53 = tpu.memref_squeeze %dma_wait3A_52 : memref<1x1x!tpu.dma_semaphore, #tpu.memory_space<semaphore_mem>> -> memref<!tpu.dma_semaphore, #tpu.memory_space<semaphore_mem>>
    %dma_wait3A_54 = arith.constant 0 : i32
    %dma_wait3A_55 = arith.constant 0 : i32
    %dma_wait3A_56 = tpu.memref_slice %arg6[%select_n3A_17, %dma_wait3A_50, %dma_wait3A_54, %dma_wait3A_55] : memref<2x4x264x1024xf32, #tpu.memory_space<vmem>> -> memref<1x1x264x1024xf32, #tpu.memory_space<vmem>>
    %dma_wait3A_57 = tpu.memref_squeeze %dma_wait3A_56 : memref<1x1x264x1024xf32, #tpu.memory_space<vmem>> -> memref<264x1024xf32, #tpu.memory_space<vmem>>
    %dma_wait3A_58 = arith.constant 0 : i32
    %dma_wait3A_59 = arith.constant 0 : i32
    %dma_wait3A_60 = tpu.memref_slice %arg4[%dma_wait3A_58, %dma_wait3A_59] : memref<8193x1024xf32, #tpu.memory_space<any>> -> memref<264x1024xf32, #tpu.memory_space<any>>
    tpu.wait_dma2 semaphore(%dma_wait3A_53 : memref<!tpu.dma_semaphore, #tpu.memory_space<semaphore_mem>>) src(%dma_wait3A_60 : memref<264x1024xf32, #tpu.memory_space<any>>) dst(%dma_wait3A_57 : memref<264x1024xf32, #tpu.memory_space<vmem>>)
    %iota3A = tpu.iota {dimensions = array<i32: 1>} : vector<256x264xi32>
    %get3A = arith.index_cast %arg0 : i32 to index
    %get3A_61 = arith.constant 0 : index
    %get3A_62 = memref.load %arg1[%get3A, %get3A_61] : memref<16x4xi32, #tpu.memory_space<smem>>
    %shift_right_arithmetic3A = arith.constant 3 : i32
    %shift_right_arithmetic3A_63 = arith.shrsi %get3A_62, %shift_right_arithmetic3A : i32
    %shift_left3A = arith.constant 3 : i32
    %shift_left3A_64 = arith.shli %shift_right_arithmetic3A_63, %shift_left3A : i32
    %multiple_of3A = tpu.assume_multiple %shift_left3A_64, 8 : i32
    %get3A_65 = arith.constant 0 : index
    %get3A_66 = arith.constant 0 : index
    %get3A_67 = vector.load %arg2[%get3A_65, %get3A_66] : memref<256x4xi32, #tpu.memory_space<vmem>>, vector<256x1xi32>
    %get3A_68 = vector.shape_cast %get3A_67 : vector<256x1xi32> to vector<256xi32>
    %sub3A = vector.broadcast %multiple_of3A : i32 to vector<256xi32>
    %sub3A_69 = arith.subi %get3A_68, %sub3A : vector<256xi32>
    %broadcast_in_dim3A = vector.shape_cast %sub3A_69 : vector<256xi32> to vector<256x1xi32>
    %eq3A_70 = vector.broadcast %broadcast_in_dim3A : vector<256x1xi32> to vector<256x264xi32>
    %eq3A_71 = arith.cmpi eq, %eq3A_70, %iota3A : vector<256x264xi32>
    %convert_element_type3A_72 = arith.extui %eq3A_71 : vector<256x264xi1> to vector<256x264xi32>
    %convert_element_type3A_73 = arith.sitofp %convert_element_type3A_72 : vector<256x264xi32> to vector<256x264xf32>
    %get3A_74 = arith.index_cast %select_n3A_17 : i32 to index
    %get3A_75 = arith.constant 0 : index
    %get3A_76 = arith.constant 0 : index
    %get3A_77 = arith.constant 0 : index
    %get3A_78 = vector.load %arg6[%get3A_74, %get3A_75, %get3A_76, %get3A_77] : memref<2x4x264x1024xf32, #tpu.memory_space<vmem>>, vector<1x1x264x1024xf32>
    %get3A_79 = vector.shape_cast %get3A_78 : vector<1x1x264x1024xf32> to vector<264x1024xf32>
    %dot_general3A = arith.constant dense<0.000000e+00> : vector<256x1024xf32>
    %dot_general3A_80 = tpu.matmul %convert_element_type3A_73, %get3A_79, %dot_general3A {dimension_numbers = #tpu.dot_dimension_numbers<[1], [0], [0], [1], [0, 0, 1, 1], [], []>, precision = #tpu.contract_precision<fp32>, transpose_lhs_hint = false} : vector<256x264xf32>, vector<264x1024xf32>, vector<256x1024xf32> -> vector<256x1024xf32>
    %get3A_81 = arith.constant 0 : index
    %get3A_82 = arith.constant 0 : index
    %get3A_83 = arith.constant 0 : index
    %get3A_84 = vector.load %arg3[%get3A_81, %get3A_82, %get3A_83] : memref<256x4x1024xf32, #tpu.memory_space<vmem>>, vector<256x1x1024xf32>
    %get3A_85 = vector.shape_cast %get3A_84 : vector<256x1x1024xf32> to vector<256x1024xf32>
    %add3A_86 = arith.addf %get3A_85, %dot_general3A_80 : vector<256x1024xf32>
    %swap3A = arith.constant 0 : index
    %swap3A_87 = arith.constant 0 : index
    %swap3A_88 = arith.constant 0 : index
    %swap3A_89 = vector.load %arg5[%swap3A, %swap3A_87, %swap3A_88] : memref<256x4x1024xf32, #tpu.memory_space<vmem>>, vector<256x1x1024xf32>
    %swap3A_90 = vector.shape_cast %swap3A_89 : vector<256x1x1024xf32> to vector<256x1024xf32>
    %swap3A_91 = vector.shape_cast %add3A_86 : vector<256x1024xf32> to vector<256x1x1024xf32>
    tpu.vector_store %arg5[%swap3A, %swap3A_87, %swap3A_88], %swap3A_91 {strides = array<i32>} : memref<256x4x1024xf32, #tpu.memory_space<vmem>>, vector<256x1x1024xf32>,
    %get3A_92 = arith.index_cast %arg0 : i32 to index
    %get3A_93 = arith.constant 1 : index
    %get3A_94 = memref.load %arg1[%get3A_92, %get3A_93] : memref<16x4xi32, #tpu.memory_space<smem>>
    %shift_right_arithmetic3A_95 = arith.constant 3 : i32
    %shift_right_arithmetic3A_96 = arith.shrsi %get3A_94, %shift_right_arithmetic3A_95 : i32
    %shift_left3A_97 = arith.constant 3 : i32
    %shift_left3A_98 = arith.shli %shift_right_arithmetic3A_96, %shift_left3A_97 : i32
    %multiple_of3A_99 = tpu.assume_multiple %shift_left3A_98, 8 : i32
    %get3A_100 = arith.constant 0 : index
    %get3A_101 = arith.constant 1 : index
    %get3A_102 = vector.load %arg2[%get3A_100, %get3A_101] : memref<256x4xi32, #tpu.memory_space<vmem>>, vector<256x1xi32>
    %get3A_103 = vector.shape_cast %get3A_102 : vector<256x1xi32> to vector<256xi32>
    %sub3A_104 = vector.broadcast %multiple_of3A_99 : i32 to vector<256xi32>
    %sub3A_105 = arith.subi %get3A_103, %sub3A_104 : vector<256xi32>
    %broadcast_in_dim3A_106 = vector.shape_cast %sub3A_105 : vector<256xi32> to vector<256x1xi32>
    %eq3A_107 = vector.broadcast %broadcast_in_dim3A_106 : vector<256x1xi32> to vector<256x264xi32>
    %eq3A_108 = arith.cmpi eq, %eq3A_107, %iota3A : vector<256x264xi32>
    %convert_element_type3A_109 = arith.extui %eq3A_108 : vector<256x264xi1> to vector<256x264xi32>
    %convert_element_type3A_110 = arith.sitofp %convert_element_type3A_109 : vector<256x264xi32> to vector<256x264xf32>
    %get3A_111 = arith.index_cast %select_n3A_17 : i32 to index
    %get3A_112 = arith.constant 1 : index
    %get3A_113 = arith.constant 0 : index
    %get3A_114 = arith.constant 0 : index
    %get3A_115 = vector.load %arg6[%get3A_111, %get3A_112, %get3A_113, %get3A_114] : memref<2x4x264x1024xf32, #tpu.memory_space<vmem>>, vector<1x1x264x1024xf32>
    %get3A_116 = vector.shape_cast %get3A_115 : vector<1x1x264x1024xf32> to vector<264x1024xf32>
    %dot_general3A_117 = arith.constant dense<0.000000e+00> : vector<256x1024xf32>
    %dot_general3A_118 = tpu.matmul %convert_element_type3A_110, %get3A_116, %dot_general3A_117 {dimension_numbers = #tpu.dot_dimension_numbers<[1], [0], [0], [1], [0, 0, 1, 1], [], []>, precision = #tpu.contract_precision<fp32>, transpose_lhs_hint = false} : vector<256x264xf32>, vector<264x1024xf32>, vector<256x1024xf32> -> vector<256x1024xf32>
    %get3A_119 = arith.constant 0 : index
    %get3A_120 = arith.constant 1 : index
    %get3A_121 = arith.constant 0 : index
    %get3A_122 = vector.load %arg3[%get3A_119, %get3A_120, %get3A_121] : memref<256x4x1024xf32, #tpu.memory_space<vmem>>, vector<256x1x1024xf32>
    %get3A_123 = vector.shape_cast %get3A_122 : vector<256x1x1024xf32> to vector<256x1024xf32>
    %add3A_124 = arith.addf %get3A_123, %dot_general3A_118 : vector<256x1024xf32>
    %swap3A_125 = arith.constant 0 : index
    %swap3A_126 = arith.constant 1 : index
    %swap3A_127 = arith.constant 0 : index
    %swap3A_128 = vector.load %arg5[%swap3A_125, %swap3A_126, %swap3A_127] : memref<256x4x1024xf32, #tpu.memory_space<vmem>>, vector<256x1x1024xf32>
    %swap3A_129 = vector.shape_cast %swap3A_128 : vector<256x1x1024xf32> to vector<256x1024xf32>
    %swap3A_130 = vector.shape_cast %add3A_124 : vector<256x1024xf32> to vector<256x1x1024xf32>
    tpu.vector_store %arg5[%swap3A_125, %swap3A_126, %swap3A_127], %swap3A_130 {strides = array<i32>} : memref<256x4x1024xf32, #tpu.memory_space<vmem>>, vector<256x1x1024xf32>,
    %get3A_131 = arith.index_cast %arg0 : i32 to index
    %get3A_132 = arith.constant 2 : index
    %get3A_133 = memref.load %arg1[%get3A_131, %get3A_132] : memref<16x4xi32, #tpu.memory_space<smem>>
    %shift_right_arithmetic3A_134 = arith.constant 3 : i32
    %shift_right_arithmetic3A_135 = arith.shrsi %get3A_133, %shift_right_arithmetic3A_134 : i32
    %shift_left3A_136 = arith.constant 3 : i32
    %shift_left3A_137 = arith.shli %shift_right_arithmetic3A_135, %shift_left3A_136 : i32
    %multiple_of3A_138 = tpu.assume_multiple %shift_left3A_137, 8 : i32
    %get3A_139 = arith.constant 0 : index
    %get3A_140 = arith.constant 2 : index
    %get3A_141 = vector.load %arg2[%get3A_139, %get3A_140] : memref<256x4xi32, #tpu.memory_space<vmem>>, vector<256x1xi32>
    %get3A_142 = vector.shape_cast %get3A_141 : vector<256x1xi32> to vector<256xi32>
    %sub3A_143 = vector.broadcast %multiple_of3A_138 : i32 to vector<256xi32>
    %sub3A_144 = arith.subi %get3A_142, %sub3A_143 : vector<256xi32>
    %broadcast_in_dim3A_145 = vector.shape_cast %sub3A_144 : vector<256xi32> to vector<256x1xi32>
    %eq3A_146 = vector.broadcast %broadcast_in_dim3A_145 : vector<256x1xi32> to vector<256x264xi32>
    %eq3A_147 = arith.cmpi eq, %eq3A_146, %iota3A : vector<256x264xi32>
    %convert_element_type3A_148 = arith.extui %eq3A_147 : vector<256x264xi1> to vector<256x264xi32>
    %convert_element_type3A_149 = arith.sitofp %convert_element_type3A_148 : vector<256x264xi32> to vector<256x264xf32>
    %get3A_150 = arith.index_cast %select_n3A_17 : i32 to index
    %get3A_151 = arith.constant 2 : index
    %get3A_152 = arith.constant 0 : index
    %get3A_153 = arith.constant 0 : index
    %get3A_154 = vector.load %arg6[%get3A_150, %get3A_151, %get3A_152, %get3A_153] : memref<2x4x264x1024xf32, #tpu.memory_space<vmem>>, vector<1x1x264x1024xf32>
    %get3A_155 = vector.shape_cast %get3A_154 : vector<1x1x264x1024xf32> to vector<264x1024xf32>
    %dot_general3A_156 = arith.constant dense<0.000000e+00> : vector<256x1024xf32>
    %dot_general3A_157 = tpu.matmul %convert_element_type3A_149, %get3A_155, %dot_general3A_156 {dimension_numbers = #tpu.dot_dimension_numbers<[1], [0], [0], [1], [0, 0, 1, 1], [], []>, precision = #tpu.contract_precision<fp32>, transpose_lhs_hint = false} : vector<256x264xf32>, vector<264x1024xf32>, vector<256x1024xf32> -> vector<256x1024xf32>
    %get3A_158 = arith.constant 0 : index
    %get3A_159 = arith.constant 2 : index
    %get3A_160 = arith.constant 0 : index
    %get3A_161 = vector.load %arg3[%get3A_158, %get3A_159, %get3A_160] : memref<256x4x1024xf32, #tpu.memory_space<vmem>>, vector<256x1x1024xf32>
    %get3A_162 = vector.shape_cast %get3A_161 : vector<256x1x1024xf32> to vector<256x1024xf32>
    %add3A_163 = arith.addf %get3A_162, %dot_general3A_157 : vector<256x1024xf32>
    %swap3A_164 = arith.constant 0 : index
    %swap3A_165 = arith.constant 2 : index
    %swap3A_166 = arith.constant 0 : index
    %swap3A_167 = vector.load %arg5[%swap3A_164, %swap3A_165, %swap3A_166] : memref<256x4x1024xf32, #tpu.memory_space<vmem>>, vector<256x1x1024xf32>
    %swap3A_168 = vector.shape_cast %swap3A_167 : vector<256x1x1024xf32> to vector<256x1024xf32>
    %swap3A_169 = vector.shape_cast %add3A_163 : vector<256x1024xf32> to vector<256x1x1024xf32>
    tpu.vector_store %arg5[%swap3A_164, %swap3A_165, %swap3A_166], %swap3A_169 {strides = array<i32>} : memref<256x4x1024xf32, #tpu.memory_space<vmem>>, vector<256x1x1024xf32>,
    %get3A_170 = arith.index_cast %arg0 : i32 to index
    %get3A_171 = arith.constant 3 : index
    %get3A_172 = memref.load %arg1[%get3A_170, %get3A_171] : memref<16x4xi32, #tpu.memory_space<smem>>
    %shift_right_arithmetic3A_173 = arith.constant 3 : i32
    %shift_right_arithmetic3A_174 = arith.shrsi %get3A_172, %shift_right_arithmetic3A_173 : i32
    %shift_left3A_175 = arith.constant 3 : i32
    %shift_left3A_176 = arith.shli %shift_right_arithmetic3A_174, %shift_left3A_175 : i32
    %multiple_of3A_177 = tpu.assume_multiple %shift_left3A_176, 8 : i32
    %get3A_178 = arith.constant 0 : index
    %get3A_179 = arith.constant 3 : index
    %get3A_180 = vector.load %arg2[%get3A_178, %get3A_179] : memref<256x4xi32, #tpu.memory_space<vmem>>, vector<256x1xi32>
    %get3A_181 = vector.shape_cast %get3A_180 : vector<256x1xi32> to vector<256xi32>
    %sub3A_182 = vector.broadcast %multiple_of3A_177 : i32 to vector<256xi32>
    %sub3A_183 = arith.subi %get3A_181, %sub3A_182 : vector<256xi32>
    %broadcast_in_dim3A_184 = vector.shape_cast %sub3A_183 : vector<256xi32> to vector<256x1xi32>
    %eq3A_185 = vector.broadcast %broadcast_in_dim3A_184 : vector<256x1xi32> to vector<256x264xi32>
    %eq3A_186 = arith.cmpi eq, %eq3A_185, %iota3A : vector<256x264xi32>
    %convert_element_type3A_187 = arith.extui %eq3A_186 : vector<256x264xi1> to vector<256x264xi32>
    %convert_element_type3A_188 = arith.sitofp %convert_element_type3A_187 : vector<256x264xi32> to vector<256x264xf32>
    %get3A_189 = arith.index_cast %select_n3A_17 : i32 to index
    %get3A_190 = arith.constant 3 : index
    %get3A_191 = arith.constant 0 : index
    %get3A_192 = arith.constant 0 : index
    %get3A_193 = vector.load %arg6[%get3A_189, %get3A_190, %get3A_191, %get3A_192] : memref<2x4x264x1024xf32, #tpu.memory_space<vmem>>, vector<1x1x264x1024xf32>
    %get3A_194 = vector.shape_cast %get3A_193 : vector<1x1x264x1024xf32> to vector<264x1024xf32>
    %dot_general3A_195 = arith.constant dense<0.000000e+00> : vector<256x1024xf32>
    %dot_general3A_196 = tpu.matmul %convert_element_type3A_188, %get3A_194, %dot_general3A_195 {dimension_numbers = #tpu.dot_dimension_numbers<[1], [0], [0], [1], [0, 0, 1, 1], [], []>, precision = #tpu.contract_precision<fp32>, transpose_lhs_hint = false} : vector<256x264xf32>, vector<264x1024xf32>, vector<256x1024xf32> -> vector<256x1024xf32>
    %get3A_197 = arith.constant 0 : index
    %get3A_198 = arith.constant 3 : index
    %get3A_199 = arith.constant 0 : index
    %get3A_200 = vector.load %arg3[%get3A_197, %get3A_198, %get3A_199] : memref<256x4x1024xf32, #tpu.memory_space<vmem>>, vector<256x1x1024xf32>
    %get3A_201 = vector.shape_cast %get3A_200 : vector<256x1x1024xf32> to vector<256x1024xf32>
    %add3A_202 = arith.addf %get3A_201, %dot_general3A_196 : vector<256x1024xf32>
    %swap3A_203 = arith.constant 0 : index
    %swap3A_204 = arith.constant 3 : index
    %swap3A_205 = arith.constant 0 : index
    %swap3A_206 = vector.load %arg5[%swap3A_203, %swap3A_204, %swap3A_205] : memref<256x4x1024xf32, #tpu.memory_space<vmem>>, vector<256x1x1024xf32>
    %swap3A_207 = vector.shape_cast %swap3A_206 : vector<256x1x1024xf32> to vector<256x1024xf32>
    %swap3A_208 = vector.shape_cast %add3A_202 : vector<256x1024xf32> to vector<256x1x1024xf32>
    tpu.vector_store %arg5[%swap3A_203, %swap3A_204, %swap3A_205], %swap3A_208 {strides = array<i32>} : memref<256x4x1024xf32, #tpu.memory_space<vmem>>, vector<256x1x1024xf32>,
    return
  }
  func.func @transform_0(%arg0: i32, %arg1: memref<16x4xi32, #tpu.memory_space<smem>>) -> (i32, i32) {
    %c0_i32 = arith.constant 0 : i32
    %c0_i32_0 = arith.constant 0 : i32
    return %arg0, %c0_i32 : i32, i32
  }
  func.func @transform_1(%arg0: i32, %arg1: memref<16x4xi32, #tpu.memory_space<smem>>) -> (i32, i32, i32) {
    %c0_i32 = arith.constant 0 : i32
    %c0_i32_0 = arith.constant 0 : i32
    %c0_i32_1 = arith.constant 0 : i32
    return %arg0, %c0_i32, %c0_i32_0 : i32, i32, i32
  }
  func.func @transform_3(%arg0: i32, %arg1: memref<16x4xi32, #tpu.memory_space<smem>>) -> (i32, i32, i32) {
    %c0_i32 = arith.constant 0 : i32
    %c0_i32_0 = arith.constant 0 : i32
    %c0_i32_1 = arith.constant 0 : i32
    return %arg0, %c0_i32, %c0_i32_0 : i32, i32, i32
  }
}

</mosaic_0001>

<sc_bundles>
// kernel: kernel.5.cloned.1.call-start
scs
__scs_entry_jumppad:
0x0: {  	(pc) =	sbr.rel $0x88, $3  }
0x1: {  	(tag) =	ssettag $0x0;
	lr =	simm.s32 $0x1  }
0x2: {  	[smem:$0x3F9E] =	sst lr;
	_ =	strace $0xD0000000  }
0x3: {  	_ = 	snop  }
0x4: {  	_ = 	snop  }
0x5: {  	_ = 	snop  }
0x6: {  	_ = 	snop  }
0x7: {  	_ = 	snop  }
__scs_overlays_trampoline_lowered:
0x8: {  	[smem:$0x3FAD] =	sst s0  }
0x9: {  	[smem:$0x3FAE] =	sst s1  }
0xa: {  	[smem:$0x3FAF] =	sst s2  }
0xb: {  	[smem:$0x3FB0] =	sst s3  }
0xc: {  	[smem:$0x3FB1] =	sst s4  }
0xd: {  	[smem:$0x3FB2] =	sst s5  }
0xe: {  	[smem:$0x3FB3] =	sst s6  }
0xf: {  	[smem:$0x3FB4] =	sst s7  }
0x10: {  	[smem:$0x3FB5] =	sst s8  }
0x11: {  	[smem:$0x3FB6] =	sst s9;
	s0 =	simm.s32 @!p0 $0x0  }
0x12: {  	s1 =	sld [smem:$0x3F9C];
	s0 =	simm.s32 @p0 $0x1  }
0x13: {  	[smem:$0x3FB7] =	sst s0;
	s0 =	simm.s32 @!p1 $0x0  }
0x14: {  	s2 =	sld [smem:$0x3F9B];
	s0 =	simm.s32 @p1 $0x1  }
0x15: {  	[smem:$0x3FB8] =	sst s0;
	s0 =	simm.s32 @!p2 $0x0  }
0x16: {  	s3 =	sld [smem:$0x3FDB];
	s0 =	simm.s32 @p2 $0x1  }
0x17: {  	s4 =	simm.s32 $0x1BF5;
	[smem:$0x3FBA] =	sst s0  }
0x18: {  	s0 =	sld [smem:$0x3F9D];
	_ =	swait.ge [sflag:s4], $0x0  }
0x19: {  	s7 =	sld [smem:$0x3F9E]  }
0x1a: {  	s8 =	sadd.s32 $0xFFFFE003, lr  }
0x1b: {  	s9 =	sadd.s32 $0xFFFFFEF7, lr;
	s5 =	simm.s32 $0xFFFFFFFF;
	p2 =	slt.u32 s8, $0xFFFFF086  }
0x1c: {  	p1 =	slt.u32 s9, $0xF7A;
	s5 =	simm.s32 @!p2 $0x0  }
0x1d: {  	s5 =	simm.s32 @p1 $0x1;
	p0 =	seq.s32 s7, s2  }
0x1e: {  	s7 =	smul.u32 @!p0 $0xF7A, s2;
	p2 =	seq.s32 @!p0 s5, $0x0  }
0x1f: {  	s9 =	smul.u32 $0xF7A, s1;
	s8 =	simm.s32 @!p0 $0x1BF5;
	p2 =	por !p2, p0  }
0x20: {  	[sflag:s8] =	ssyncset.s32 @!p0 $0xFFFFF086;
	s6 =	sadd.s32 @!p0 s3, s7;
	s7 =	simm.s32 @!p0 $0x108  }
0x21: {  	s3 =	sadd.s32 s3, s9;
	s6 =	sadd.s32 @!p0 $0x88, s6;
	s7 =	simm.s32 @p2 $0x1082  }
0x22: {  	[simem:s7], [sflag:s8] =	dma.local @!p0 [hbm:s6], $0xF7A  }
0x23: {  	s9 =	sor.u32 $0xD0000000, s2;
	s6 =	simm.s32 $0x108;
	_ =	swait.ge @!p0 [sflag:s8], $0x0  }
0x24: {  	s3 =	sadd.s32 $0x88, s3;
	s6 =	simm.s32 @!p1 $0x1082;
	[sflag:s4] =	ssyncset.s32 $0xFFFFF086  }
0x25: {  	[simem:s6], [sflag:s4] =	dma.local [hbm:s3], $0xF7A  }
0x26: {  	[smem:$0x3F9E] =	sst s1;
	(tag) =	ssettag s2;
	_ =	strace s9  }
0x27: {  	s1 =	sld [smem:$0x3FAE]  }
0x28: {  	s2 =	sld [smem:$0x3FAF]  }
0x29: {  	s4 =	sld [smem:$0x3FB1]  }
0x2a: {  	p0 =	seq.s32 s5, $0x0;
	s5 =	sld [smem:$0x3FB2]  }
0x2b: {  	s6 =	sld [smem:$0x3FB3]  }
0x2c: {  	s7 =	sld [smem:$0x3FB4]  }
0x2d: {  	s3 =	simm.s32 $0x108;
	s8 =	sld [smem:$0x3FB5]  }
0x2e: {  	s3 =	simm.s32 @!p0 $0x1082;
	s9 =	sld [smem:$0x3FB6]  }
0x2f: {  	lr =	sadd.s32 s0, s3;
	s0 =	sld [smem:$0x3FAD]  }
0x30: {  	s3 =	sld [smem:$0x3FB0]  }
0x31: {  	[smem:$0x3FB9] =	sst s10  }
0x32: {  	s10 =	sld [smem:$0x3FB7];
	_ =	sdelay $0x3  }
0x33: {  	p0 =	seq.s32 s10, $0x1;
	s10 =	sld [smem:$0x3FB9];
	_ =	sdelay $0x3  }
0x34: {  	[smem:$0x3FB9] =	sst s10  }
0x35: {  	s10 =	sld [smem:$0x3FB8];
	_ =	sdelay $0x3  }
0x36: {  	p1 =	seq.s32 s10, $0x1;
	s10 =	sld [smem:$0x3FB9];
	_ =	sdelay $0x3  }
0x37: {  	[smem:$0x3FB9] =	sst s10  }
0x38: {  	s10 =	sld [smem:$0x3FBA]  }
0x39: {  	_ = 	snop;
	(pc) =	sbr.ind lr, $3  }
0x3a: {  	_ = 	snop  }
0x3b: {  	_ = 	snop  }
0x3c: {  	p2 =	seq.s32 s10, $0x1;
	s10 =	sld [smem:$0x3FB9]  }
0x3d: {  	_ =	shalt  }
0x3e: {  	_ =	shalt  }
0x3f: {  	_ =	shalt  }
0x40: {  	_ =	shalt  }
0x41: {  	_ =	shalt  }
0x42: {  	_ =	shalt  }
0x43: {  	_ =	shalt  }
0x44: {  	_ =	shalt  }
0x45: {  	_ =	shalt  }
0x46: {  	_ =	shalt  }
0x47: {  	_ =	shalt  }
0x48: {  	_ =	shalt  }
0x49: {  	_ =	shalt  }
0x4a: {  	_ =	shalt  }
0x4b: {  	_ =	shalt  }
0x4c: {  	_ =	shalt  }
0x4d: {  	_ =	shalt  }
0x4e: {  	_ =	shalt  }
0x4f: {  	_ =	shalt  }
0x50: {  	_ =	shalt  }
0x51: {  	_ =	shalt  }
0x52: {  	_ =	shalt  }
0x53: {  	_ =	shalt  }
0x54: {  	_ =	shalt  }
0x55: {  	_ =	shalt  }
0x56: {  	_ =	shalt  }
0x57: {  	_ =	shalt  }
0x58: {  	_ =	shalt  }
0x59: {  	_ =	shalt  }
0x5a: {  	_ =	shalt  }
0x5b: {  	_ =	shalt  }
0x5c: {  	_ =	shalt  }
0x5d: {  	_ =	shalt  }
0x5e: {  	_ =	shalt  }
0x5f: {  	_ =	shalt  }
0x60: {  	_ =	shalt  }
0x61: {  	_ =	shalt  }
0x62: {  	_ =	shalt  }
0x63: {  	_ =	shalt  }
0x64: {  	_ =	shalt  }
0x65: {  	_ =	shalt  }
0x66: {  	_ =	shalt  }
0x67: {  	_ =	shalt  }
0x68: {  	_ =	shalt  }
0x69: {  	_ =	shalt  }
0x6a: {  	_ =	shalt  }
0x6b: {  	_ =	shalt  }
0x6c: {  	_ =	shalt  }
0x6d: {  	_ =	shalt  }
0x6e: {  	_ =	shalt  }
0x6f: {  	_ =	shalt  }
0x70: {  	_ =	shalt  }
0x71: {  	_ =	shalt  }
0x72: {  	_ =	shalt  }
0x73: {  	_ =	shalt  }
0x74: {  	_ =	shalt  }
0x75: {  	_ =	shalt  }
0x76: {  	_ =	shalt  }
0x77: {  	_ =	shalt  }
0x78: {  	_ =	shalt  }
0x79: {  	_ =	shalt  }
0x7a: {  	_ =	shalt  }
0x7b: {  	_ =	shalt  }
0x7c: {  	_ =	shalt  }
0x7d: {  	_ =	shalt  }
0x7e: {  	_ =	shalt  }
0x7f: {  	_ =	shalt  }
0x80: {  	_ =	shalt  }
0x81: {  	_ =	shalt  }
0x82: {  	_ =	shalt  }
0x83: {  	_ =	shalt  }
0x84: {  	_ =	shalt  }
0x85: {  	_ =	shalt  }
0x86: {  	_ =	shalt  }
0x87: {  	_ =	shalt  }
.Lfunc_end0:
.L_simem_size_0:
called_computation_lowered:
.L_overlay_start_0:
0x88: {  	s2 =	sld [smem:$0x3FD9]  }
0x89: {  	s3 =	sld [smem:$0x3FFE];
	_ =	sdelay $0x1  }
0x8a: {  	s1 =	srdreg.scid  }
0x8b: {  	s0 =	sand.u32 $0x1, s1  }
0x8c: {  	s17 =	sshll.u32 s0, $0xA;
	s2 =	sadd.s32 s3, s2  }
0x8d: {  	s2 =	sadd.s32 s2, s17  }
0x8e: {  	[smem:$0x3FC5] =	sst s2  }
0x8f: {  	_ = 	snop  }
0x90: {  	s2 =	sld [smem:$0x3FC8]  }
0x91: {  	s18 =	sld [smem:$0x3FC7]  }
0x92: {  	s4 =	sld [smem:$0x3FD0];
	(tm) =	ssettm $0x1  }
0x93: {  	s5 =	sld [smem:$0x3FFB];
	_ =	sdelay $0x3  }
0x94: {  	_ =	strace s5  }
0x95: {  	s5 =	sld [smem:$0x3FFC];
	_ =	sdelay $0x3  }
0x96: {  	_ =	strace s5  }
0x97: {  	s5 =	sld [smem:$0x3FFD];
	_ =	sdelay $0x3  }
0x98: {  	_ =	strace s5  }
0x99: {  	_ =	strace $0x8FFFFFFF  }
0x9a: {  	s19 =	sld [smem:$0x3FDB];
	_ =	sdelay $0x1  }
0x9b: {  	s6 =	simm.s32 $_scs_section_size  }
0x9c: {  	s7 =	simm.s32 $_size__tile_overlayer_lowered;
	s8 =	simm.s32 $_tile_overlayer_lowered  }
0x9d: {  	s22 =	simm.s32 $0x1BFF;
	s21 =	sshll.u32 s8, $0x1;
	s5 =	sadd.s32 s6, s19  }
0x9e: {  	s9 =	simm.s32 $0x0;
	s20 =	sshll.u32 s7, $0x1;
	s7 =	sadd.s32 s21, s5  }
0x9f: {  	[timem:s9], [sflag:s22] =	dma.local [hbm:s7], s20  }
0xa0: {  	_ =	swait.ge [sflag:s22], s20  }
0xa1: {  	s6 =	ssub.s32 $0x0, s20;
	[sflag:s22] =	ssyncset.done $0x0  }
0xa2: {  	[sflag:s22] =	ssyncadd.s32 s6;
	_ =	sdelay $0x1  }
0xa3: {  	s23 =	simm.s32 $0x1B8B  }
0xa4: {  	_ =	swait.ge [sflag:s23], $0x1  }
0xa5: {  	[sflag:s23] =	ssyncset.done $0x0  }
0xa6: {  	s25 =	simm.s32 $0x1B8E;
	s24 =	sld [smem:$0x3FFE];
	[sflag:s23] =	ssyncadd.s32 $0xFFFFFFFF  }
0xa7: {  	s26 =	simm.s32 $execute0_lowered;
	[smem:$0x3FD2] =	sst s25  }
0xa8: {  	s7 =	sshll.u32 s26, $0x1;
	_ =	strace $0x80000046;
	[dreg:$0x1] =	wrdreg $0xFFFFFFFF  }
0xa9: {  	s28 =	simm.s32 $_size_execute0_lowered;
	s5 =	sadd.s32 s5, s7;
	[dreg:$0x0] =	wrdreg $0x0  }
0xaa: {  	s7 =	sshll.u32 s28, $0x1;
	[dreg:$0x2] =	wrdreg s5  }
0xab: {  	[dreg:$0x3] =	wrdreg s7  }
0xac: {  	[dreg:$0x4] =	wrdreg $0xC0  }
0xad: {  	_ =	task [dreg:s9], $0x5FFFF  }
0xae: {  	[dreg:$0x1] =	wrdreg $0xFFFFFFFF  }
0xaf: {  	[dreg:$0x0] =	wrdreg $0x60  }
0xb0: {  	[dreg:$0x2] =	wrdreg s24  }
0xb1: {  	[dreg:$0x3] =	wrdreg s2  }
0xb2: {  	[dreg:$0x4] =	wrdreg s18  }
0xb3: {  	[dreg:$0x5] =	wrdreg s4  }
0xb4: {  	[dreg:$0x6] =	wrdreg $0x9  }
0xb5: {  	_ =	task.clear_ibuf [dreg:s9], $0x7FFFF;
	_ =	strace $0x90000046  }
0xb6: {  	s29 =	simm.s32 $0x9;
	_ =	strace $0x80000048  }
0xb7: {  	_ =	swait.ge [sflag:s29], $0x1  }
0xb8: {  	[sflag:s29] =	ssyncadd.s32 $0xFFFFFFFF  }
0xb9: {  	_ =	strace $0x90000048  }
0xba: {  	_ =	sfence  }
0xbb: {  	s30 =	sld [smem:$0x0];
	_ =	sdelay $0x2  }
0xbc: {  	s31 =	sshll.u32 s1, $0xD;
	s1 =	sshrl.u32 s1, $0x2  }
0xbd: {  	s3 =	sand.u32 $0x4000, s31;
	s1 =	sadd.s32 s1, s30  }
0xbe: {  	s0 =	sor.u32 s3, s0;
	s1 =	sshll.u32 s1, $0x11  }
0xbf: {  	s0 =	sor.u32 s1, s0  }
0xc0: {  	s0 =	sadd.s32 $0x8F2B, s0  }
0xc1: {  	[sflag:s0] =	ssyncadd.remote.s32 $0x1  }
0xc2: {  	_ =	sfence.sel $0xFFFF  }
0xc3: {  	[dreg:$0x0] =	wrdreg $0xFFFFFFFF;
	(pc) =	sbr.abs _section_cstart, $3  }
0xc4: {  	[dreg:$0x1] =	wrdreg $0xFFFFFFFF  }
0xc5: {  	_ =	task.clear_ibuf [dreg:s9], $0x2FFFF;
	_ =	strace $0x9FFFFFFF  }
0xc6: {  	(tm) =	ssettm $0x7FFFFFFF  }
0xc7: {  	_ =	shalt  }
tec
execute0_lowered:
.L_overlay_start_1:
0x0: {  	(tag) =	ssettag $0x1  }
0x1: {  	s0 =	rddreg [dreg:$0x0]  }
0x2: {  	s7 =	rddreg [dreg:$0x1]  }
0x3: {  	s2 =	rddreg [dreg:$0x2]  }
0x4: {  	s12 =	rddreg [dreg:$0x3];
	s5 =	simm.s32 $0x0;
	s1 =	srdreg.scid  }
0x5: {  	s3 =	stileid.u32;
	s23 =	simm.s32 $0x8200;
	s29 =	simm.s32 $0x6200  }
0x6: {  	s30 =	simm.s32 $0x6A00;
	s31 =	simm.s32 $0x7200;
	s15 =	simm.s32 $0x1  }
0x7: {  	s16 =	simm.s32 $0x3;
	s17 =	simm.s32 $0x5;
	s18 =	simm.s32 $0x2  }
0x8: {  	s19 =	simm.s32 $0x4;
	[smem:$0x7FF] =	sst s5;
	s1 =	sand.u32 $0x1, s1  }
0x9: {  	s3 =	sshll.u32 s3, $0x1;
	s8 =	sadd.s32 $0x100, s2;
	s9 =	sadd.s32 $0x200, s2  }
0xa: {  	s10 =	sadd.s32 $0x300, s2;
	s26 =	smov.u32 s7;
	s28 =	smov.u32 s12  }
0xb: {  	_ =	strace $0x80000047;
	s3 =	sor.u32 s1, s3;
	s1 =	ssub.s32 $0x2, s1  }
0xc: {  	s4 =	sshll.u32 s3, $0x6;
	s6 =	sshrl.u32 s1, $0x1;
	s3 =	sshll.u32 s3, $0x10  }
0xd: {  	s0 =	sadd.s32 s4, s0;
	s1 =	ssub.s32 s1, s6;
	s6 =	sor.u32 $0x200000, s3  }
0xe: {  	v2 =	vlaneseq.u32;
	s3 =	simm.s32 $0xC200;
	s0 =	sadd.s32 $0x20800, s0;
	s11 =	sadd.s32 s7, s6  }
0xf: {  	vm0 =	vmmov $0xffff;
	v1 =	vshrl.u32 v2, $0x3;
	s12 =	sadd.s32 s12, s6;
	s25 =	smax.u32 s1, $0x1;
	[dreg:$0x5] =	wrdreg s0  }
0x10: {  	v0 =	vand.u32 $0x7, v2;
	v2 =	vor.u32 $0x8, v2;
	v1 =	vmul.u32 $0x8, v1;
	s7 =	simm.s32 $0x0;
	[dreg:$0x6] =	wrdreg s25;
	s0 =	simm.s32 $0x7A00  }
.LBB2_1:
0x11: {  	[dreg:$0x7] =	wrdreg s7  }
0x12: {  	s1 =	rddreg [dreg:$0x5];
	s4 =	simm.s32 $0x7  }
0x13: {  	[tilespmem:s5], [sflag:$0x7] =	stream.linear.gather [hbm4b:s1+s5], $0x200, $0x38;
	[tilespmem:$0x10200] =	vst v63  }
0x14: {  	_ =	swait.ge [sflag:s4], $0x200  }
0x15: {  	[sflag:s4] =	ssyncset.done $0x0  }
0x16: {  	[sflag:s4] =	ssyncadd.s32 $0xFFFFFE00  }
0x17: {  	v3 =	vld [tilespmem:$0x0];
	_ =	sdelay $0x4  }
0x18: {  	v4 =	vshll.u32 v3, $0x3  }
0x19: {  	v3 =	vand.u32 $0x7, v3;
	v4 =	vand.u32 $0xFFFFFFC0, v4  }
0x1a: {  	v3 =	vor.u32 v3, v4  }
0x1b: {  	v4 =	vperm.xlane v3, v0;
	_ =	sdelay $0x1  }
0x1c: {  	v4 =	vadd.s32 v1, v4;
	_ =	sdelay $0x3  }
0x1d: {  	s7 =	simm.s32 $0x200  }
0x1e: {  	[tilespmem:s7], [sflag:$0x1] =	stream.indirect_vreg.gather [hbm4b:s2+s5], $0x80, v4, vm0, $0xb8;
	[tilespmem:$0x10200] =	vst v63  }
0x1f: {  	s13 =	simm.s32 $0xA00;
	v3 =	vperm.xlane v3, v2  }
0x20: {  	[tilespmem:s13], [sflag:$0x1] =	stream.indirect_vreg.gather [hbm4b:s8+s5], $0x80, v4, vm0, $0xb8;
	[tilespmem:$0x10200] =	vst v63  }
0x21: {  	s14 =	simm.s32 $0x1200;
	v3 =	vadd.s32 v1, v3  }
0x22: {  	[tilespmem:s14], [sflag:$0x1] =	stream.indirect_vreg.gather [hbm4b:s9+s5], $0x80, v4, vm0, $0xb8;
	[tilespmem:$0x10200] =	vst v63  }
0x23: {  	s20 =	simm.s32 $0x1A00  }
0x24: {  	[tilespmem:s20], [sflag:$0x1] =	stream.indirect_vreg.gather [hbm4b:s10+s5], $0x80, v4, vm0, $0xb8;
	[tilespmem:$0x10200] =	vst v63  }
0x25: {  	s21 =	simm.s32 $0x2200  }
0x26: {  	[tilespmem:s21], [sflag:$0x1] =	stream.indirect_vreg.gather [hbm4b:s2+s5], $0x80, v3, vm0, $0xb8;
	[tilespmem:$0x10200] =	vst v63  }
0x27: {  	s22 =	simm.s32 $0x2A00  }
0x28: {  	[tilespmem:s22], [sflag:$0x1] =	stream.indirect_vreg.gather [hbm4b:s8+s5], $0x80, v3, vm0, $0xb8;
	[tilespmem:$0x10200] =	vst v63  }
0x29: {  	s24 =	simm.s32 $0x3200  }
0x2a: {  	[tilespmem:s24], [sflag:$0x1] =	stream.indirect_vreg.gather [hbm4b:s9+s5], $0x80, v3, vm0, $0xb8;
	[tilespmem:$0x10200] =	vst v63  }
0x2b: {  	s25 =	simm.s32 $0x3A00  }
0x2c: {  	[tilespmem:s25], [sflag:$0x1] =	stream.indirect_vreg.gather [hbm4b:s10+s5], $0x80, v3, vm0, $0xb8;
	[tilespmem:$0x10200] =	vst v63  }
0x2d: {  	s22 =	simm.s32 $0x0  }
0x2e: {  	[tilespmem:s23], [sflag:$0x3] =	stream.linear.gather [hbm4b:s11+s5], $0x4000, $0x38;
	[tilespmem:$0x10200] =	vst v63  }
.LBB2_2:
0x2f: {  	p0 =	seq.s32 s22, $0x0  }
0x30: {  	s13 =	sshll.u32 s22, $0x1;
	s1 =	simm.s32 @!p0 $0x6  }
0x31: {  	s4 =	sor.u32 $0x1, s13;
	_ =	swait.ge @!p0 [sflag:s1], $0x4000  }
0x32: {  	s7 =	sshll.u32 s4, $0x4;
	[sflag:s1] =	ssyncset.done @!p0 $0x0  }
0x33: {  	s20 =	sand.u32 $0x3FFFFFF0, s7;
	[sflag:s1] =	ssyncadd.s32 @!p0 $0xFFFFC000  }
0x34: {  	v3 =	vld [tilespmem:s20+$0x0];
	_ =	sdelay $0x4  }
0x35: {  	v4 =	vshll.u32 v3, $0x3  }
0x36: {  	v3 =	vand.u32 $0x7, v3;
	v4 =	vand.u32 $0xFFFFFFC0, v4  }
0x37: {  	v3 =	vor.u32 v3, v4  }
0x38: {  	v4 =	vperm.xlane v3, v0;
	_ =	sdelay $0x1  }
0x39: {  	v4 =	vadd.s32 v1, v4;
	_ =	sdelay $0x3  }
0x3a: {  	s14 =	simm.s32 $0x0;
	s21 =	simm.s32 $0x4200  }
0x3b: {  	[tilespmem:s21], [sflag:$0x2] =	stream.indirect_vreg.gather [hbm4b:s2+s14], $0x80, v4, vm0, $0xb8;
	[tilespmem:$0x10200] =	vst v63  }
0x3c: {  	s24 =	simm.s32 $0x4A00;
	v3 =	vperm.xlane v3, v2  }
0x3d: {  	[tilespmem:s24], [sflag:$0x2] =	stream.indirect_vreg.gather [hbm4b:s8+s14], $0x80, v4, vm0, $0xb8;
	[tilespmem:$0x10200] =	vst v63  }
0x3e: {  	s25 =	simm.s32 $0x5200;
	v3 =	vadd.s32 v1, v3  }
0x3f: {  	[tilespmem:s25], [sflag:$0x2] =	stream.indirect_vreg.gather [hbm4b:s9+s14], $0x80, v4, vm0, $0xb8;
	[tilespmem:$0x10200] =	vst v63  }
0x40: {  	s7 =	simm.s32 $0x5A00  }
0x41: {  	[tilespmem:s7], [sflag:$0x2] =	stream.indirect_vreg.gather [hbm4b:s10+s14], $0x80, v4, vm0, $0xb8;
	[tilespmem:$0x10200] =	vst v63  }
0x42: {  	_ = 	snop  }
0x43: {  	[tilespmem:s29], [sflag:$0x2] =	stream.indirect_vreg.gather [hbm4b:s2+s14], $0x80, v3, vm0, $0xb8;
	[tilespmem:$0x10200] =	vst v63  }
0x44: {  	_ = 	snop  }
0x45: {  	[tilespmem:s30], [sflag:$0x2] =	stream.indirect_vreg.gather [hbm4b:s8+s14], $0x80, v3, vm0, $0xb8;
	[tilespmem:$0x10200] =	vst v63  }
0x46: {  	s20 =	sshll.u32 s4, $0xB  }
0x47: {  	[tilespmem:s31], [sflag:$0x2] =	stream.indirect_vreg.gather [hbm4b:s9+s14], $0x80, v3, vm0, $0xb8;
	[tilespmem:$0x10200] =	vst v63  }
0x48: {  	s7 =	sadd.s32 s6, s20  }
0x49: {  	[tilespmem:s0], [sflag:$0x2] =	stream.indirect_vreg.gather [hbm4b:s10+s14], $0x80, v3, vm0, $0xb8;
	[tilespmem:$0x10200] =	vst v63  }
0x4a: {  	s1 =	sadd.s32 s26, s7  }
0x4b: {  	[tilespmem:s3], [sflag:$0x4] =	stream.linear.gather [hbm4b:s1+s14], $0x4000, $0x38;
	[tilespmem:$0x10200] =	vst v63  }
0x4c: {  	_ =	swait.ge [sflag:s15], $0x4000  }
0x4d: {  	[sflag:s15] =	ssyncset.done $0x0  }
0x4e: {  	[sflag:s15] =	ssyncadd.s32 $0xFFFFC000  }
0x4f: {  	_ =	swait.ge [sflag:s16], $0x4000  }
0x50: {  	s21 =	sand.u32 $0x2000, s14;
	s24 =	sand.u32 $0x380, s14;
	[sflag:s16] =	ssyncset.done $0x0  }
0x51: {  	s1 =	sor.u32 s24, s21;
	[sflag:s16] =	ssyncadd.s32 $0xFFFFC000  }
0x52: {  	v3 =	vld [tilespmem:s1+$0x200];
	_ =	sdelay $0x1  }
0x53: {  	s25 =	sand.u32 $0x3000, s14;
	s20 =	sand.u32 $0x180, s14  }
0x54: {  	s20 =	sor.u32 s20, s25  }
0x55: {  	s4 =	sor.u32 $0x8200, s20  }
0x56: {  	[tilespmem:s4+$0x0] =	vst.add.f32.msk $0xffff, v3  }
0x57: {  	v3 =	vld [tilespmem:s1+$0x210];
	_ =	sdelay $0x3  }
0x58: {  	s21 =	sor.u32 $0x8210, s20  }
0x59: {  	[tilespmem:s21+$0x0] =	vst.add.f32.msk $0xffff, v3  }
0x5a: {  	v3 =	vld [tilespmem:s1+$0x220];
	_ =	sdelay $0x3  }
0x5b: {  	s24 =	sor.u32 $0x8220, s20  }
0x5c: {  	[tilespmem:s24+$0x0] =	vst.add.f32.msk $0xffff, v3  }
0x5d: {  	v3 =	vld [tilespmem:s1+$0x230];
	_ =	sdelay $0x3  }
0x5e: {  	s25 =	sor.u32 $0x8230, s20  }
0x5f: {  	[tilespmem:s25+$0x0] =	vst.add.f32.msk $0xffff, v3  }
0x60: {  	v3 =	vld [tilespmem:s1+$0x240];
	_ =	sdelay $0x3  }
0x61: {  	s21 =	sor.u32 $0x8240, s20  }
0x62: {  	[tilespmem:s21+$0x0] =	vst.add.f32.msk $0xffff, v3  }
0x63: {  	v3 =	vld [tilespmem:s1+$0x250];
	_ =	sdelay $0x3  }
0x64: {  	s24 =	sor.u32 $0x8250, s20  }
0x65: {  	[tilespmem:s24+$0x0] =	vst.add.f32.msk $0xffff, v3  }
0x66: {  	v3 =	vld [tilespmem:s1+$0x260];
	_ =	sdelay $0x3  }
0x67: {  	s25 =	sor.u32 $0x8260, s20  }
0x68: {  	[tilespmem:s25+$0x0] =	vst.add.f32.msk $0xffff, v3  }
0x69: {  	v3 =	vld [tilespmem:s1+$0x270];
	_ =	sdelay $0x3  }
0x6a: {  	s21 =	sor.u32 $0x8270, s20  }
0x6b: {  	[tilespmem:s21+$0x0] =	vst.add.f32.msk $0xffff, v3  }
0x6c: {  	v3 =	vld [tilespmem:s1+$0x600];
	_ =	sdelay $0x3  }
0x6d: {  	s24 =	sor.u32 $0x8400, s20  }
0x6e: {  	[tilespmem:s24+$0x0] =	vst.add.f32.msk $0xffff, v3  }
0x6f: {  	v3 =	vld [tilespmem:s1+$0x610];
	_ =	sdelay $0x3  }
0x70: {  	s25 =	sor.u32 $0x8410, s20  }
0x71: {  	[tilespmem:s25+$0x0] =	vst.add.f32.msk $0xffff, v3  }
0x72: {  	v3 =	vld [tilespmem:s1+$0x620];
	_ =	sdelay $0x3  }
0x73: {  	s21 =	sor.u32 $0x8420, s20  }
0x74: {  	[tilespmem:s21+$0x0] =	vst.add.f32.msk $0xffff, v3  }
0x75: {  	v3 =	vld [tilespmem:s1+$0x630];
	_ =	sdelay $0x3  }
0x76: {  	s24 =	sor.u32 $0x8430, s20  }
0x77: {  	[tilespmem:s24+$0x0] =	vst.add.f32.msk $0xffff, v3  }
0x78: {  	v3 =	vld [tilespmem:s1+$0x640];
	_ =	sdelay $0x3  }
0x79: {  	s25 =	sor.u32 $0x8440, s20  }
0x7a: {  	[tilespmem:s25+$0x0] =	vst.add.f32.msk $0xffff, v3  }
0x7b: {  	v3 =	vld [tilespmem:s1+$0x650];
	_ =	sdelay $0x3  }
0x7c: {  	s21 =	sor.u32 $0x8450, s20  }
0x7d: {  	[tilespmem:s21+$0x0] =	vst.add.f32.msk $0xffff, v3  }
0x7e: {  	v3 =	vld [tilespmem:s1+$0x660];
	_ =	sdelay $0x3  }
0x7f: {  	s24 =	sor.u32 $0x8460, s20  }
0x80: {  	[tilespmem:s24+$0x0] =	vst.add.f32.msk $0xffff, v3  }
0x81: {  	v3 =	vld [tilespmem:s1+$0x670];
	_ =	sdelay $0x3  }
0x82: {  	s25 =	sor.u32 $0x8470, s20  }
0x83: {  	[tilespmem:s25+$0x0] =	vst.add.f32.msk $0xffff, v3  }
0x84: {  	v3 =	vld [tilespmem:s1+$0xA00];
	_ =	sdelay $0x3  }
0x85: {  	s21 =	sor.u32 $0x8600, s20  }
0x86: {  	[tilespmem:s21+$0x0] =	vst.add.f32.msk $0xffff, v3  }
0x87: {  	v3 =	vld [tilespmem:s1+$0xA10];
	_ =	sdelay $0x3  }
0x88: {  	s24 =	sor.u32 $0x8610, s20  }
0x89: {  	[tilespmem:s24+$0x0] =	vst.add.f32.msk $0xffff, v3  }
0x8a: {  	v3 =	vld [tilespmem:s1+$0xA20];
	_ =	sdelay $0x3  }
0x8b: {  	s25 =	sor.u32 $0x8620, s20  }
0x8c: {  	[tilespmem:s25+$0x0] =	vst.add.f32.msk $0xffff, v3  }
0x8d: {  	v3 =	vld [tilespmem:s1+$0xA30];
	_ =	sdelay $0x3  }
0x8e: {  	s21 =	sor.u32 $0x8630, s20  }
0x8f: {  	[tilespmem:s21+$0x0] =	vst.add.f32.msk $0xffff, v3  }
0x90: {  	v3 =	vld [tilespmem:s1+$0xA40];
	_ =	sdelay $0x3  }
0x91: {  	s24 =	sor.u32 $0x8640, s20  }
0x92: {  	[tilespmem:s24+$0x0] =	vst.add.f32.msk $0xffff, v3  }
0x93: {  	v3 =	vld [tilespmem:s1+$0xA50];
	_ =	sdelay $0x3  }
0x94: {  	s25 =	sor.u32 $0x8650, s20  }
0x95: {  	[tilespmem:s25+$0x0] =	vst.add.f32.msk $0xffff, v3  }
0x96: {  	v3 =	vld [tilespmem:s1+$0xA60];
	_ =	sdelay $0x3  }
0x97: {  	s21 =	sor.u32 $0x8660, s20  }
0x98: {  	[tilespmem:s21+$0x0] =	vst.add.f32.msk $0xffff, v3  }
0x99: {  	v3 =	vld [tilespmem:s1+$0xA70];
	_ =	sdelay $0x3  }
0x9a: {  	s24 =	sor.u32 $0x8670, s20  }
0x9b: {  	[tilespmem:s24+$0x0] =	vst.add.f32.msk $0xffff, v3  }
0x9c: {  	v3 =	vld [tilespmem:s1+$0xE00];
	_ =	sdelay $0x3  }
0x9d: {  	s25 =	sor.u32 $0x8800, s20  }
0x9e: {  	[tilespmem:s25+$0x0] =	vst.add.f32.msk $0xffff, v3  }
0x9f: {  	v3 =	vld [tilespmem:s1+$0xE10];
	_ =	sdelay $0x3  }
0xa0: {  	s21 =	sor.u32 $0x8810, s20  }
0xa1: {  	[tilespmem:s21+$0x0] =	vst.add.f32.msk $0xffff, v3  }
0xa2: {  	v3 =	vld [tilespmem:s1+$0xE20];
	_ =	sdelay $0x3  }
0xa3: {  	s24 =	sor.u32 $0x8820, s20  }
0xa4: {  	[tilespmem:s24+$0x0] =	vst.add.f32.msk $0xffff, v3  }
0xa5: {  	v3 =	vld [tilespmem:s1+$0xE30];
	_ =	sdelay $0x3  }
0xa6: {  	s25 =	sor.u32 $0x8830, s20  }
0xa7: {  	[tilespmem:s25+$0x0] =	vst.add.f32.msk $0xffff, v3  }
0xa8: {  	v3 =	vld [tilespmem:s1+$0xE40];
	_ =	sdelay $0x3  }
0xa9: {  	s21 =	sor.u32 $0x8840, s20  }
0xaa: {  	[tilespmem:s21+$0x0] =	vst.add.f32.msk $0xffff, v3  }
0xab: {  	v3 =	vld [tilespmem:s1+$0xE50];
	_ =	sdelay $0x3  }
0xac: {  	s24 =	sor.u32 $0x8850, s20  }
0xad: {  	[tilespmem:s24+$0x0] =	vst.add.f32.msk $0xffff, v3  }
0xae: {  	v3 =	vld [tilespmem:s1+$0xE60];
	_ =	sdelay $0x3  }
0xaf: {  	s25 =	sor.u32 $0x8860, s20  }
0xb0: {  	[tilespmem:s25+$0x0] =	vst.add.f32.msk $0xffff, v3  }
0xb1: {  	v3 =	vld [tilespmem:s1+$0xE70];
	_ =	sdelay $0x3  }
0xb2: {  	s21 =	sor.u32 $0x8870, s20  }
0xb3: {  	[tilespmem:s21+$0x0] =	vst.add.f32.msk $0xffff, v3  }
0xb4: {  	v3 =	vld [tilespmem:s1+$0x1200];
	_ =	sdelay $0x3  }
0xb5: {  	s24 =	sor.u32 $0x8A00, s20  }
0xb6: {  	[tilespmem:s24+$0x0] =	vst.add.f32.msk $0xffff, v3  }
0xb7: {  	v3 =	vld [tilespmem:s1+$0x1210];
	_ =	sdelay $0x3  }
0xb8: {  	s25 =	sor.u32 $0x8A10, s20  }
0xb9: {  	[tilespmem:s25+$0x0] =	vst.add.f32.msk $0xffff, v3  }
0xba: {  	v3 =	vld [tilespmem:s1+$0x1220];
	_ =	sdelay $0x3  }
0xbb: {  	s21 =	sor.u32 $0x8A20, s20  }
0xbc: {  	[tilespmem:s21+$0x0] =	vst.add.f32.msk $0xffff, v3  }
0xbd: {  	v3 =	vld [tilespmem:s1+$0x1230];
	_ =	sdelay $0x3  }
0xbe: {  	s24 =	sor.u32 $0x8A30, s20  }
0xbf: {  	[tilespmem:s24+$0x0] =	vst.add.f32.msk $0xffff, v3  }
0xc0: {  	v3 =	vld [tilespmem:s1+$0x1240];
	_ =	sdelay $0x3  }
0xc1: {  	s25 =	sor.u32 $0x8A40, s20  }
0xc2: {  	[tilespmem:s25+$0x0] =	vst.add.f32.msk $0xffff, v3  }
0xc3: {  	v3 =	vld [tilespmem:s1+$0x1250];
	_ =	sdelay $0x3  }
0xc4: {  	s21 =	sor.u32 $0x8A50, s20  }
0xc5: {  	[tilespmem:s21+$0x0] =	vst.add.f32.msk $0xffff, v3  }
0xc6: {  	v3 =	vld [tilespmem:s1+$0x1260];
	_ =	sdelay $0x3  }
0xc7: {  	s24 =	sor.u32 $0x8A60, s20  }
0xc8: {  	[tilespmem:s24+$0x0] =	vst.add.f32.msk $0xffff, v3  }
0xc9: {  	v3 =	vld [tilespmem:s1+$0x1270];
	_ =	sdelay $0x3  }
0xca: {  	s25 =	sor.u32 $0x8A70, s20  }
0xcb: {  	[tilespmem:s25+$0x0] =	vst.add.f32.msk $0xffff, v3  }
0xcc: {  	v3 =	vld [tilespmem:s1+$0x1600];
	_ =	sdelay $0x3  }
0xcd: {  	s21 =	sor.u32 $0x8C00, s20  }
0xce: {  	[tilespmem:s21+$0x0] =	vst.add.f32.msk $0xffff, v3  }
0xcf: {  	v3 =	vld [tilespmem:s1+$0x1610];
	_ =	sdelay $0x3  }
0xd0: {  	s24 =	sor.u32 $0x8C10, s20  }
0xd1: {  	[tilespmem:s24+$0x0] =	vst.add.f32.msk $0xffff, v3  }
0xd2: {  	v3 =	vld [tilespmem:s1+$0x1620];
	_ =	sdelay $0x3  }
0xd3: {  	s25 =	sor.u32 $0x8C20, s20  }
0xd4: {  	[tilespmem:s25+$0x0] =	vst.add.f32.msk $0xffff, v3  }
0xd5: {  	v3 =	vld [tilespmem:s1+$0x1630];
	_ =	sdelay $0x3  }
0xd6: {  	s21 =	sor.u32 $0x8C30, s20  }
0xd7: {  	[tilespmem:s21+$0x0] =	vst.add.f32.msk $0xffff, v3  }
0xd8: {  	v3 =	vld [tilespmem:s1+$0x1640];
	_ =	sdelay $0x3  }
0xd9: {  	s24 =	sor.u32 $0x8C40, s20  }
0xda: {  	[tilespmem:s24+$0x0] =	vst.add.f32.msk $0xffff, v3  }
0xdb: {  	v3 =	vld [tilespmem:s1+$0x1650];
	_ =	sdelay $0x3  }
0xdc: {  	s25 =	sor.u32 $0x8C50, s20  }
0xdd: {  	[tilespmem:s25+$0x0] =	vst.add.f32.msk $0xffff, v3  }
0xde: {  	v3 =	vld [tilespmem:s1+$0x1660];
	_ =	sdelay $0x3  }
0xdf: {  	s21 =	sor.u32 $0x8C60, s20  }
0xe0: {  	[tilespmem:s21+$0x0] =	vst.add.f32.msk $0xffff, v3  }
0xe1: {  	v3 =	vld [tilespmem:s1+$0x1670];
	_ =	sdelay $0x3  }
0xe2: {  	s24 =	sor.u32 $0x8C70, s20  }
0xe3: {  	[tilespmem:s24+$0x0] =	vst.add.f32.msk $0xffff, v3  }
0xe4: {  	v3 =	vld [tilespmem:s1+$0x1A00];
	_ =	sdelay $0x3  }
0xe5: {  	s25 =	sor.u32 $0x8E00, s20  }
0xe6: {  	[tilespmem:s25+$0x0] =	vst.add.f32.msk $0xffff, v3  }
0xe7: {  	v3 =	vld [tilespmem:s1+$0x1A10];
	_ =	sdelay $0x3  }
0xe8: {  	s21 =	sor.u32 $0x8E10, s20  }
0xe9: {  	[tilespmem:s21+$0x0] =	vst.add.f32.msk $0xffff, v3  }
0xea: {  	v3 =	vld [tilespmem:s1+$0x1A20];
	_ =	sdelay $0x3  }
0xeb: {  	s24 =	sor.u32 $0x8E20, s20  }
0xec: {  	[tilespmem:s24+$0x0] =	vst.add.f32.msk $0xffff, v3  }
0xed: {  	v3 =	vld [tilespmem:s1+$0x1A30];
	_ =	sdelay $0x3  }
0xee: {  	s25 =	sor.u32 $0x8E30, s20  }
0xef: {  	[tilespmem:s25+$0x0] =	vst.add.f32.msk $0xffff, v3  }
0xf0: {  	v3 =	vld [tilespmem:s1+$0x1A40];
	_ =	sdelay $0x3  }
0xf1: {  	s21 =	sor.u32 $0x8E40, s20  }
0xf2: {  	[tilespmem:s21+$0x0] =	vst.add.f32.msk $0xffff, v3  }
0xf3: {  	v3 =	vld [tilespmem:s1+$0x1A50];
	_ =	sdelay $0x3  }
0xf4: {  	s24 =	sor.u32 $0x8E50, s20  }
0xf5: {  	[tilespmem:s24+$0x0] =	vst.add.f32.msk $0xffff, v3  }
0xf6: {  	v3 =	vld [tilespmem:s1+$0x1A60];
	_ =	sdelay $0x3  }
0xf7: {  	s25 =	sor.u32 $0x8E60, s20  }
0xf8: {  	[tilespmem:s25+$0x0] =	vst.add.f32.msk $0xffff, v3  }
0xf9: {  	v3 =	vld [tilespmem:s1+$0x1A70];
	_ =	sdelay $0x1  }
0xfa: {  	s4 =	sand.u32 $0x7, s14  }
0xfb: {  	s1 =	sshll.u32 s4, $0x7  }
0xfc: {  	s21 =	sor.u32 $0x8E70, s20;
	s1 =	sadd.s32 $0x0, s1  }
0xfd: {  	s24 =	sor.u32 $0x1C00, s1;
	[tilespmem:s21+$0x0] =	vst.add.f32.msk $0xffff, v3  }
0xfe: {  	v3 =	vld [tilespmem:s24+$0x200];
	_ =	sdelay $0x4  }
0xff: {  	s25 =	sor.u32 $0x1C10, s1;
	[tilespmem:s20+$0x9000] =	vst.add.f32.msk $0xffff, v3  }
0x100: {  	v3 =	vld [tilespmem:s25+$0x200];
	_ =	sdelay $0x4  }
0x101: {  	s21 =	sor.u32 $0x1C20, s1;
	[tilespmem:s20+$0x9010] =	vst.add.f32.msk $0xffff, v3  }
0x102: {  	v3 =	vld [tilespmem:s21+$0x200];
	_ =	sdelay $0x4  }
0x103: {  	s24 =	sor.u32 $0x1C30, s1;
	[tilespmem:s20+$0x9020] =	vst.add.f32.msk $0xffff, v3  }
0x104: {  	v3 =	vld [tilespmem:s24+$0x200];
	_ =	sdelay $0x4  }
0x105: {  	s25 =	sor.u32 $0x1C40, s1;
	[tilespmem:s20+$0x9030] =	vst.add.f32.msk $0xffff, v3  }
0x106: {  	v3 =	vld [tilespmem:s25+$0x200];
	_ =	sdelay $0x4  }
0x107: {  	s21 =	sor.u32 $0x1C50, s1;
	[tilespmem:s20+$0x9040] =	vst.add.f32.msk $0xffff, v3  }
0x108: {  	v3 =	vld [tilespmem:s21+$0x200];
	_ =	sdelay $0x4  }
0x109: {  	s24 =	sor.u32 $0x1C60, s1;
	[tilespmem:s20+$0x9050] =	vst.add.f32.msk $0xffff, v3  }
0x10a: {  	v3 =	vld [tilespmem:s24+$0x200];
	_ =	sdelay $0x4  }
0x10b: {  	s25 =	sor.u32 $0x1C70, s1;
	[tilespmem:s20+$0x9060] =	vst.add.f32.msk $0xffff, v3  }
0x10c: {  	v3 =	vld [tilespmem:s25+$0x200];
	_ =	sdelay $0x2  }
0x10d: {  	s1 =	simm.s32 $0x80;
	s21 =	simm.s32 $0x400  }
0x10e: {  	s4 =	simm.s32 $0x800;
	s24 =	sand.u32 $0x2000, s21;
	s25 =	sand.u32 $0x380, s1  }
.LBB2_3:
0x10f: {  	p0 =	sne.s32 s4, $0x3C00;
	s24 =	sor.u32 s25, s24;
	[tilespmem:s20+$0x9070] =	vst.add.f32.msk $0xffff, v3  }
0x110: {  	v3 =	vld [tilespmem:s24+$0x200];
	_ =	sdelay $0x1  }
0x111: {  	s20 =	sand.u32 $0x3000, s21;
	s25 =	sand.u32 $0x180, s1  }
0x112: {  	s20 =	sor.u32 s25, s20  }
0x113: {  	s25 =	sor.u32 $0x8200, s20  }
0x114: {  	[tilespmem:s25+$0x0] =	vst.add.f32.msk $0xffff, v3  }
0x115: {  	v3 =	vld [tilespmem:s24+$0x210];
	_ =	sdelay $0x3  }
0x116: {  	s25 =	sor.u32 $0x8210, s20  }
0x117: {  	[tilespmem:s25+$0x0] =	vst.add.f32.msk $0xffff, v3  }
0x118: {  	v3 =	vld [tilespmem:s24+$0x220];
	_ =	sdelay $0x3  }
0x119: {  	s25 =	sor.u32 $0x8220, s20  }
0x11a: {  	[tilespmem:s25+$0x0] =	vst.add.f32.msk $0xffff, v3  }
0x11b: {  	v3 =	vld [tilespmem:s24+$0x230];
	_ =	sdelay $0x3  }
0x11c: {  	s25 =	sor.u32 $0x8230, s20  }
0x11d: {  	[tilespmem:s25+$0x0] =	vst.add.f32.msk $0xffff, v3  }
0x11e: {  	v3 =	vld [tilespmem:s24+$0x240];
	_ =	sdelay $0x3  }
0x11f: {  	s25 =	sor.u32 $0x8240, s20  }
0x120: {  	[tilespmem:s25+$0x0] =	vst.add.f32.msk $0xffff, v3  }
0x121: {  	v3 =	vld [tilespmem:s24+$0x250];
	_ =	sdelay $0x3  }
0x122: {  	s25 =	sor.u32 $0x8250, s20  }
0x123: {  	[tilespmem:s25+$0x0] =	vst.add.f32.msk $0xffff, v3  }
0x124: {  	v3 =	vld [tilespmem:s24+$0x260];
	_ =	sdelay $0x3  }
0x125: {  	s25 =	sor.u32 $0x8260, s20  }
0x126: {  	[tilespmem:s25+$0x0] =	vst.add.f32.msk $0xffff, v3  }
0x127: {  	v3 =	vld [tilespmem:s24+$0x270];
	_ =	sdelay $0x3  }
0x128: {  	s25 =	sor.u32 $0x8270, s20  }
0x129: {  	[tilespmem:s25+$0x0] =	vst.add.f32.msk $0xffff, v3  }
0x12a: {  	v3 =	vld [tilespmem:s24+$0x600];
	_ =	sdelay $0x3  }
0x12b: {  	s25 =	sor.u32 $0x8400, s20  }
0x12c: {  	[tilespmem:s25+$0x0] =	vst.add.f32.msk $0xffff, v3  }
0x12d: {  	v3 =	vld [tilespmem:s24+$0x610];
	_ =	sdelay $0x3  }
0x12e: {  	s25 =	sor.u32 $0x8410, s20  }
0x12f: {  	[tilespmem:s25+$0x0] =	vst.add.f32.msk $0xffff, v3  }
0x130: {  	v3 =	vld [tilespmem:s24+$0x620];
	_ =	sdelay $0x3  }
0x131: {  	s25 =	sor.u32 $0x8420, s20  }
0x132: {  	[tilespmem:s25+$0x0] =	vst.add.f32.msk $0xffff, v3  }
0x133: {  	v3 =	vld [tilespmem:s24+$0x630];
	_ =	sdelay $0x3  }
0x134: {  	s25 =	sor.u32 $0x8430, s20  }
0x135: {  	[tilespmem:s25+$0x0] =	vst.add.f32.msk $0xffff, v3  }
0x136: {  	v3 =	vld [tilespmem:s24+$0x640];
	_ =	sdelay $0x3  }
0x137: {  	s25 =	sor.u32 $0x8440, s20  }
0x138: {  	[tilespmem:s25+$0x0] =	vst.add.f32.msk $0xffff, v3  }
0x139: {  	v3 =	vld [tilespmem:s24+$0x650];
	_ =	sdelay $0x3  }
0x13a: {  	s25 =	sor.u32 $0x8450, s20  }
0x13b: {  	[tilespmem:s25+$0x0] =	vst.add.f32.msk $0xffff, v3  }
0x13c: {  	v3 =	vld [tilespmem:s24+$0x660];
	_ =	sdelay $0x3  }
0x13d: {  	s25 =	sor.u32 $0x8460, s20  }
0x13e: {  	[tilespmem:s25+$0x0] =	vst.add.f32.msk $0xffff, v3  }
0x13f: {  	v3 =	vld [tilespmem:s24+$0x670];
	_ =	sdelay $0x3  }
0x140: {  	s25 =	sor.u32 $0x8470, s20  }
0x141: {  	[tilespmem:s25+$0x0] =	vst.add.f32.msk $0xffff, v3  }
0x142: {  	v3 =	vld [tilespmem:s24+$0xA00];
	_ =	sdelay $0x3  }
0x143: {  	s25 =	sor.u32 $0x8600, s20  }
0x144: {  	[tilespmem:s25+$0x0] =	vst.add.f32.msk $0xffff, v3  }
0x145: {  	v3 =	vld [tilespmem:s24+$0xA10];
	_ =	sdelay $0x3  }
0x146: {  	s25 =	sor.u32 $0x8610, s20  }
0x147: {  	[tilespmem:s25+$0x0] =	vst.add.f32.msk $0xffff, v3  }
0x148: {  	v3 =	vld [tilespmem:s24+$0xA20];
	_ =	sdelay $0x3  }
0x149: {  	s25 =	sor.u32 $0x8620, s20  }
0x14a: {  	[tilespmem:s25+$0x0] =	vst.add.f32.msk $0xffff, v3  }
0x14b: {  	v3 =	vld [tilespmem:s24+$0xA30];
	_ =	sdelay $0x3  }
0x14c: {  	s25 =	sor.u32 $0x8630, s20  }
0x14d: {  	[tilespmem:s25+$0x0] =	vst.add.f32.msk $0xffff, v3  }
0x14e: {  	v3 =	vld [tilespmem:s24+$0xA40];
	_ =	sdelay $0x3  }
0x14f: {  	s25 =	sor.u32 $0x8640, s20  }
0x150: {  	[tilespmem:s25+$0x0] =	vst.add.f32.msk $0xffff, v3  }
0x151: {  	v3 =	vld [tilespmem:s24+$0xA50];
	_ =	sdelay $0x3  }
0x152: {  	s25 =	sor.u32 $0x8650, s20  }
0x153: {  	[tilespmem:s25+$0x0] =	vst.add.f32.msk $0xffff, v3  }
0x154: {  	v3 =	vld [tilespmem:s24+$0xA60];
	_ =	sdelay $0x3  }
0x155: {  	s25 =	sor.u32 $0x8660, s20  }
0x156: {  	[tilespmem:s25+$0x0] =	vst.add.f32.msk $0xffff, v3  }
0x157: {  	v3 =	vld [tilespmem:s24+$0xA70];
	_ =	sdelay $0x3  }
0x158: {  	s25 =	sor.u32 $0x8670, s20  }
0x159: {  	[tilespmem:s25+$0x0] =	vst.add.f32.msk $0xffff, v3  }
0x15a: {  	v3 =	vld [tilespmem:s24+$0xE00];
	_ =	sdelay $0x3  }
0x15b: {  	s25 =	sor.u32 $0x8800, s20  }
0x15c: {  	[tilespmem:s25+$0x0] =	vst.add.f32.msk $0xffff, v3  }
0x15d: {  	v3 =	vld [tilespmem:s24+$0xE10];
	_ =	sdelay $0x3  }
0x15e: {  	s25 =	sor.u32 $0x8810, s20  }
0x15f: {  	[tilespmem:s25+$0x0] =	vst.add.f32.msk $0xffff, v3  }
0x160: {  	v3 =	vld [tilespmem:s24+$0xE20];
	_ =	sdelay $0x3  }
0x161: {  	s25 =	sor.u32 $0x8820, s20  }
0x162: {  	[tilespmem:s25+$0x0] =	vst.add.f32.msk $0xffff, v3  }
0x163: {  	v3 =	vld [tilespmem:s24+$0xE30];
	_ =	sdelay $0x3  }
0x164: {  	s25 =	sor.u32 $0x8830, s20  }
0x165: {  	[tilespmem:s25+$0x0] =	vst.add.f32.msk $0xffff, v3  }
0x166: {  	v3 =	vld [tilespmem:s24+$0xE40];
	_ =	sdelay $0x3  }
0x167: {  	s25 =	sor.u32 $0x8840, s20  }
0x168: {  	[tilespmem:s25+$0x0] =	vst.add.f32.msk $0xffff, v3  }
0x169: {  	v3 =	vld [tilespmem:s24+$0xE50];
	_ =	sdelay $0x3  }
0x16a: {  	s25 =	sor.u32 $0x8850, s20  }
0x16b: {  	[tilespmem:s25+$0x0] =	vst.add.f32.msk $0xffff, v3  }
0x16c: {  	v3 =	vld [tilespmem:s24+$0xE60];
	_ =	sdelay $0x3  }
0x16d: {  	s25 =	sor.u32 $0x8860, s20  }
0x16e: {  	[tilespmem:s25+$0x0] =	vst.add.f32.msk $0xffff, v3  }
0x16f: {  	v3 =	vld [tilespmem:s24+$0xE70];
	_ =	sdelay $0x3  }
0x170: {  	s25 =	sor.u32 $0x8870, s20  }
0x171: {  	[tilespmem:s25+$0x0] =	vst.add.f32.msk $0xffff, v3  }
0x172: {  	v3 =	vld [tilespmem:s24+$0x1200];
	_ =	sdelay $0x3  }
0x173: {  	s25 =	sor.u32 $0x8A00, s20  }
0x174: {  	[tilespmem:s25+$0x0] =	vst.add.f32.msk $0xffff, v3  }
0x175: {  	v3 =	vld [tilespmem:s24+$0x1210];
	_ =	sdelay $0x3  }
0x176: {  	s25 =	sor.u32 $0x8A10, s20  }
0x177: {  	[tilespmem:s25+$0x0] =	vst.add.f32.msk $0xffff, v3  }
0x178: {  	v3 =	vld [tilespmem:s24+$0x1220];
	_ =	sdelay $0x3  }
0x179: {  	s25 =	sor.u32 $0x8A20, s20  }
0x17a: {  	[tilespmem:s25+$0x0] =	vst.add.f32.msk $0xffff, v3  }
0x17b: {  	v3 =	vld [tilespmem:s24+$0x1230];
	_ =	sdelay $0x3  }
0x17c: {  	s25 =	sor.u32 $0x8A30, s20  }
0x17d: {  	[tilespmem:s25+$0x0] =	vst.add.f32.msk $0xffff, v3  }
0x17e: {  	v3 =	vld [tilespmem:s24+$0x1240];
	_ =	sdelay $0x3  }
0x17f: {  	s25 =	sor.u32 $0x8A40, s20  }
0x180: {  	[tilespmem:s25+$0x0] =	vst.add.f32.msk $0xffff, v3  }
0x181: {  	v3 =	vld [tilespmem:s24+$0x1250];
	_ =	sdelay $0x3  }
0x182: {  	s25 =	sor.u32 $0x8A50, s20  }
0x183: {  	[tilespmem:s25+$0x0] =	vst.add.f32.msk $0xffff, v3  }
0x184: {  	v3 =	vld [tilespmem:s24+$0x1260];
	_ =	sdelay $0x3  }
0x185: {  	s25 =	sor.u32 $0x8A60, s20  }
0x186: {  	[tilespmem:s25+$0x0] =	vst.add.f32.msk $0xffff, v3  }
0x187: {  	v3 =	vld [tilespmem:s24+$0x1270];
	_ =	sdelay $0x3  }
0x188: {  	s25 =	sor.u32 $0x8A70, s20  }
0x189: {  	[tilespmem:s25+$0x0] =	vst.add.f32.msk $0xffff, v3  }
0x18a: {  	v3 =	vld [tilespmem:s24+$0x1600];
	_ =	sdelay $0x3  }
0x18b: {  	s25 =	sor.u32 $0x8C00, s20  }
0x18c: {  	[tilespmem:s25+$0x0] =	vst.add.f32.msk $0xffff, v3  }
0x18d: {  	v3 =	vld [tilespmem:s24+$0x1610];
	_ =	sdelay $0x3  }
0x18e: {  	s25 =	sor.u32 $0x8C10, s20  }
0x18f: {  	[tilespmem:s25+$0x0] =	vst.add.f32.msk $0xffff, v3  }
0x190: {  	v3 =	vld [tilespmem:s24+$0x1620];
	_ =	sdelay $0x3  }
0x191: {  	s25 =	sor.u32 $0x8C20, s20  }
0x192: {  	[tilespmem:s25+$0x0] =	vst.add.f32.msk $0xffff, v3  }
0x193: {  	v3 =	vld [tilespmem:s24+$0x1630];
	_ =	sdelay $0x3  }
0x194: {  	s25 =	sor.u32 $0x8C30, s20  }
0x195: {  	[tilespmem:s25+$0x0] =	vst.add.f32.msk $0xffff, v3  }
0x196: {  	v3 =	vld [tilespmem:s24+$0x1640];
	_ =	sdelay $0x3  }
0x197: {  	s25 =	sor.u32 $0x8C40, s20  }
0x198: {  	[tilespmem:s25+$0x0] =	vst.add.f32.msk $0xffff, v3  }
0x199: {  	v3 =	vld [tilespmem:s24+$0x1650];
	_ =	sdelay $0x3  }
0x19a: {  	s25 =	sor.u32 $0x8C50, s20  }
0x19b: {  	[tilespmem:s25+$0x0] =	vst.add.f32.msk $0xffff, v3  }
0x19c: {  	v3 =	vld [tilespmem:s24+$0x1660];
	_ =	sdelay $0x3  }
0x19d: {  	s25 =	sor.u32 $0x8C60, s20  }
0x19e: {  	[tilespmem:s25+$0x0] =	vst.add.f32.msk $0xffff, v3  }
0x19f: {  	v3 =	vld [tilespmem:s24+$0x1670];
	_ =	sdelay $0x3  }
0x1a0: {  	s25 =	sor.u32 $0x8C70, s20  }
0x1a1: {  	[tilespmem:s25+$0x0] =	vst.add.f32.msk $0xffff, v3  }
0x1a2: {  	v3 =	vld [tilespmem:s24+$0x1A00];
	_ =	sdelay $0x3  }
0x1a3: {  	s25 =	sor.u32 $0x8E00, s20  }
0x1a4: {  	[tilespmem:s25+$0x0] =	vst.add.f32.msk $0xffff, v3  }
0x1a5: {  	v3 =	vld [tilespmem:s24+$0x1A10];
	_ =	sdelay $0x3  }
0x1a6: {  	s25 =	sor.u32 $0x8E10, s20  }
0x1a7: {  	[tilespmem:s25+$0x0] =	vst.add.f32.msk $0xffff, v3  }
0x1a8: {  	v3 =	vld [tilespmem:s24+$0x1A20];
	_ =	sdelay $0x3  }
0x1a9: {  	s25 =	sor.u32 $0x8E20, s20  }
0x1aa: {  	[tilespmem:s25+$0x0] =	vst.add.f32.msk $0xffff, v3  }
0x1ab: {  	v3 =	vld [tilespmem:s24+$0x1A30];
	_ =	sdelay $0x3  }
0x1ac: {  	s25 =	sor.u32 $0x8E30, s20  }
0x1ad: {  	[tilespmem:s25+$0x0] =	vst.add.f32.msk $0xffff, v3  }
0x1ae: {  	v3 =	vld [tilespmem:s24+$0x1A40];
	_ =	sdelay $0x3  }
0x1af: {  	s25 =	sor.u32 $0x8E40, s20  }
0x1b0: {  	[tilespmem:s25+$0x0] =	vst.add.f32.msk $0xffff, v3  }
0x1b1: {  	v3 =	vld [tilespmem:s24+$0x1A50];
	_ =	sdelay $0x3  }
0x1b2: {  	s25 =	sor.u32 $0x8E50, s20  }
0x1b3: {  	[tilespmem:s25+$0x0] =	vst.add.f32.msk $0xffff, v3  }
0x1b4: {  	v3 =	vld [tilespmem:s24+$0x1A60];
	_ =	sdelay $0x3  }
0x1b5: {  	s25 =	sor.u32 $0x8E60, s20  }
0x1b6: {  	[tilespmem:s25+$0x0] =	vst.add.f32.msk $0xffff, v3  }
0x1b7: {  	v3 =	vld [tilespmem:s24+$0x1A70]  }
0x1b8: {  	s14 =	sadd.s32 $0x1, s14  }
0x1b9: {  	s24 =	sand.u32 $0x7, s14  }
0x1ba: {  	s24 =	sshll.u32 s24, $0x7  }
0x1bb: {  	s25 =	sor.u32 $0x8E70, s20;
	s24 =	sadd.s32 s24, s21;
	s21 =	smov.u32 s4  }
0x1bc: {  	[tilespmem:s25+$0x0] =	vst.add.f32.msk $0xffff, v3;
	s25 =	sor.u32 $0x1C00, s24  }
0x1bd: {  	v3 =	vld [tilespmem:s25+$0x200];
	_ =	sdelay $0x4  }
0x1be: {  	s25 =	sor.u32 $0x1C10, s24;
	[tilespmem:s20+$0x9000] =	vst.add.f32.msk $0xffff, v3  }
0x1bf: {  	v3 =	vld [tilespmem:s25+$0x200];
	_ =	sdelay $0x4  }
0x1c0: {  	s25 =	sor.u32 $0x1C20, s24;
	[tilespmem:s20+$0x9010] =	vst.add.f32.msk $0xffff, v3  }
0x1c1: {  	v3 =	vld [tilespmem:s25+$0x200];
	_ =	sdelay $0x4  }
0x1c2: {  	s25 =	sor.u32 $0x1C30, s24;
	[tilespmem:s20+$0x9020] =	vst.add.f32.msk $0xffff, v3  }
0x1c3: {  	v3 =	vld [tilespmem:s25+$0x200];
	_ =	sdelay $0x4  }
0x1c4: {  	s25 =	sor.u32 $0x1C40, s24;
	[tilespmem:s20+$0x9030] =	vst.add.f32.msk $0xffff, v3  }
0x1c5: {  	v3 =	vld [tilespmem:s25+$0x200];
	_ =	sdelay $0x4  }
0x1c6: {  	s25 =	sor.u32 $0x1C50, s24;
	[tilespmem:s20+$0x9040] =	vst.add.f32.msk $0xffff, v3  }
0x1c7: {  	v3 =	vld [tilespmem:s25+$0x200];
	_ =	sdelay $0x4  }
0x1c8: {  	s25 =	sor.u32 $0x1C60, s24;
	[tilespmem:s20+$0x9050] =	vst.add.f32.msk $0xffff, v3  }
0x1c9: {  	v3 =	vld [tilespmem:s25+$0x200];
	_ =	sdelay $0x4  }
0x1ca: {  	s24 =	sor.u32 $0x1C70, s24;
	[tilespmem:s20+$0x9060] =	vst.add.f32.msk $0xffff, v3  }
.Ltmp0:
0x1cb: {  	v3 =	vld [tilespmem:s24+$0x200];
	(pc) =	sbr.rel @p0 .LBB2_3-.Ltmp0, $3  }
0x1cc: {  	_ =	sdelay $0x1  }
0x1cd: {  	s1 =	sadd.s32 $0x80, s1  }
0x1ce: {  	s4 =	sadd.s32 $0x400, s4;
	s25 =	sand.u32 $0x380, s1;
	s24 =	sand.u32 $0x2000, s21  }
0x1cf: {  	s4 =	sor.u32 s25, s24;
	[tilespmem:s20+$0x9070] =	vst.add.f32.msk $0xffff, v3  }
0x1d0: {  	v3 =	vld [tilespmem:s4+$0x200];
	_ =	sdelay $0x1  }
0x1d1: {  	s25 =	sand.u32 $0x3000, s21;
	s1 =	sand.u32 $0x180, s1  }
0x1d2: {  	s1 =	sor.u32 s1, s25  }
0x1d3: {  	s20 =	sor.u32 $0x8200, s1  }
0x1d4: {  	[tilespmem:s20+$0x0] =	vst.add.f32.msk $0xffff, v3  }
0x1d5: {  	v3 =	vld [tilespmem:s4+$0x210];
	_ =	sdelay $0x3  }
0x1d6: {  	s24 =	sor.u32 $0x8210, s1  }
0x1d7: {  	[tilespmem:s24+$0x0] =	vst.add.f32.msk $0xffff, v3  }
0x1d8: {  	v3 =	vld [tilespmem:s4+$0x220];
	_ =	sdelay $0x3  }
0x1d9: {  	s25 =	sor.u32 $0x8220, s1  }
0x1da: {  	[tilespmem:s25+$0x0] =	vst.add.f32.msk $0xffff, v3  }
0x1db: {  	v3 =	vld [tilespmem:s4+$0x230];
	_ =	sdelay $0x3  }
0x1dc: {  	s24 =	sor.u32 $0x8230, s1  }
0x1dd: {  	[tilespmem:s24+$0x0] =	vst.add.f32.msk $0xffff, v3  }
0x1de: {  	v3 =	vld [tilespmem:s4+$0x240];
	_ =	sdelay $0x3  }
0x1df: {  	s25 =	sor.u32 $0x8240, s1  }
0x1e0: {  	[tilespmem:s25+$0x0] =	vst.add.f32.msk $0xffff, v3  }
0x1e1: {  	v3 =	vld [tilespmem:s4+$0x250];
	_ =	sdelay $0x3  }
0x1e2: {  	s24 =	sor.u32 $0x8250, s1  }
0x1e3: {  	[tilespmem:s24+$0x0] =	vst.add.f32.msk $0xffff, v3  }
0x1e4: {  	v3 =	vld [tilespmem:s4+$0x260];
	_ =	sdelay $0x3  }
0x1e5: {  	s25 =	sor.u32 $0x8260, s1  }
0x1e6: {  	[tilespmem:s25+$0x0] =	vst.add.f32.msk $0xffff, v3  }
0x1e7: {  	v3 =	vld [tilespmem:s4+$0x270];
	_ =	sdelay $0x3  }
0x1e8: {  	s24 =	sor.u32 $0x8270, s1  }
0x1e9: {  	[tilespmem:s24+$0x0] =	vst.add.f32.msk $0xffff, v3  }
0x1ea: {  	v3 =	vld [tilespmem:s4+$0x600];
	_ =	sdelay $0x3  }
0x1eb: {  	s25 =	sor.u32 $0x8400, s1  }
0x1ec: {  	[tilespmem:s25+$0x0] =	vst.add.f32.msk $0xffff, v3  }
0x1ed: {  	v3 =	vld [tilespmem:s4+$0x610];
	_ =	sdelay $0x3  }
0x1ee: {  	s24 =	sor.u32 $0x8410, s1  }
0x1ef: {  	[tilespmem:s24+$0x0] =	vst.add.f32.msk $0xffff, v3  }
0x1f0: {  	v3 =	vld [tilespmem:s4+$0x620];
	_ =	sdelay $0x3  }
0x1f1: {  	s25 =	sor.u32 $0x8420, s1  }
0x1f2: {  	[tilespmem:s25+$0x0] =	vst.add.f32.msk $0xffff, v3  }
0x1f3: {  	v3 =	vld [tilespmem:s4+$0x630];
	_ =	sdelay $0x3  }
0x1f4: {  	s24 =	sor.u32 $0x8430, s1  }
0x1f5: {  	[tilespmem:s24+$0x0] =	vst.add.f32.msk $0xffff, v3  }
0x1f6: {  	v3 =	vld [tilespmem:s4+$0x640];
	_ =	sdelay $0x3  }
0x1f7: {  	s25 =	sor.u32 $0x8440, s1  }
0x1f8: {  	[tilespmem:s25+$0x0] =	vst.add.f32.msk $0xffff, v3  }
0x1f9: {  	v3 =	vld [tilespmem:s4+$0x650];
	_ =	sdelay $0x3  }
0x1fa: {  	s24 =	sor.u32 $0x8450, s1  }
0x1fb: {  	[tilespmem:s24+$0x0] =	vst.add.f32.msk $0xffff, v3  }
0x1fc: {  	v3 =	vld [tilespmem:s4+$0x660];
	_ =	sdelay $0x3  }
0x1fd: {  	s25 =	sor.u32 $0x8460, s1  }
0x1fe: {  	[tilespmem:s25+$0x0] =	vst.add.f32.msk $0xffff, v3  }
0x1ff: {  	v3 =	vld [tilespmem:s4+$0x670];
	_ =	sdelay $0x3  }
0x200: {  	s24 =	sor.u32 $0x8470, s1  }
0x201: {  	[tilespmem:s24+$0x0] =	vst.add.f32.msk $0xffff, v3  }
0x202: {  	v3 =	vld [tilespmem:s4+$0xA00];
	_ =	sdelay $0x3  }
0x203: {  	s25 =	sor.u32 $0x8600, s1  }
0x204: {  	[tilespmem:s25+$0x0] =	vst.add.f32.msk $0xffff, v3  }
0x205: {  	v3 =	vld [tilespmem:s4+$0xA10];
	_ =	sdelay $0x3  }
0x206: {  	s24 =	sor.u32 $0x8610, s1  }
0x207: {  	[tilespmem:s24+$0x0] =	vst.add.f32.msk $0xffff, v3  }
0x208: {  	v3 =	vld [tilespmem:s4+$0xA20];
	_ =	sdelay $0x3  }
0x209: {  	s25 =	sor.u32 $0x8620, s1  }
0x20a: {  	[tilespmem:s25+$0x0] =	vst.add.f32.msk $0xffff, v3  }
0x20b: {  	v3 =	vld [tilespmem:s4+$0xA30];
	_ =	sdelay $0x3  }
0x20c: {  	s24 =	sor.u32 $0x8630, s1  }
0x20d: {  	[tilespmem:s24+$0x0] =	vst.add.f32.msk $0xffff, v3  }
0x20e: {  	v3 =	vld [tilespmem:s4+$0xA40];
	_ =	sdelay $0x3  }
0x20f: {  	s25 =	sor.u32 $0x8640, s1  }
0x210: {  	[tilespmem:s25+$0x0] =	vst.add.f32.msk $0xffff, v3  }
0x211: {  	v3 =	vld [tilespmem:s4+$0xA50];
	_ =	sdelay $0x3  }
0x212: {  	s24 =	sor.u32 $0x8650, s1  }
0x213: {  	[tilespmem:s24+$0x0] =	vst.add.f32.msk $0xffff, v3  }
0x214: {  	v3 =	vld [tilespmem:s4+$0xA60];
	_ =	sdelay $0x3  }
0x215: {  	s25 =	sor.u32 $0x8660, s1  }
0x216: {  	[tilespmem:s25+$0x0] =	vst.add.f32.msk $0xffff, v3  }
0x217: {  	v3 =	vld [tilespmem:s4+$0xA70];
	_ =	sdelay $0x3  }
0x218: {  	s24 =	sor.u32 $0x8670, s1  }
0x219: {  	[tilespmem:s24+$0x0] =	vst.add.f32.msk $0xffff, v3  }
0x21a: {  	v3 =	vld [tilespmem:s4+$0xE00];
	_ =	sdelay $0x3  }
0x21b: {  	s25 =	sor.u32 $0x8800, s1  }
0x21c: {  	[tilespmem:s25+$0x0] =	vst.add.f32.msk $0xffff, v3  }
0x21d: {  	v3 =	vld [tilespmem:s4+$0xE10];
	_ =	sdelay $0x3  }
0x21e: {  	s24 =	sor.u32 $0x8810, s1  }
0x21f: {  	[tilespmem:s24+$0x0] =	vst.add.f32.msk $0xffff, v3  }
0x220: {  	v3 =	vld [tilespmem:s4+$0xE20];
	_ =	sdelay $0x3  }
0x221: {  	s25 =	sor.u32 $0x8820, s1  }
0x222: {  	[tilespmem:s25+$0x0] =	vst.add.f32.msk $0xffff, v3  }
0x223: {  	v3 =	vld [tilespmem:s4+$0xE30];
	_ =	sdelay $0x3  }
0x224: {  	s24 =	sor.u32 $0x8830, s1  }
0x225: {  	[tilespmem:s24+$0x0] =	vst.add.f32.msk $0xffff, v3  }
0x226: {  	v3 =	vld [tilespmem:s4+$0xE40];
	_ =	sdelay $0x3  }
0x227: {  	s25 =	sor.u32 $0x8840, s1  }
0x228: {  	[tilespmem:s25+$0x0] =	vst.add.f32.msk $0xffff, v3  }
0x229: {  	v3 =	vld [tilespmem:s4+$0xE50];
	_ =	sdelay $0x3  }
0x22a: {  	s24 =	sor.u32 $0x8850, s1  }
0x22b: {  	[tilespmem:s24+$0x0] =	vst.add.f32.msk $0xffff, v3  }
0x22c: {  	v3 =	vld [tilespmem:s4+$0xE60];
	_ =	sdelay $0x3  }
0x22d: {  	s25 =	sor.u32 $0x8860, s1  }
0x22e: {  	[tilespmem:s25+$0x0] =	vst.add.f32.msk $0xffff, v3  }
0x22f: {  	v3 =	vld [tilespmem:s4+$0xE70];
	_ =	sdelay $0x3  }
0x230: {  	s24 =	sor.u32 $0x8870, s1  }
0x231: {  	[tilespmem:s24+$0x0] =	vst.add.f32.msk $0xffff, v3  }
0x232: {  	v3 =	vld [tilespmem:s4+$0x1200];
	_ =	sdelay $0x3  }
0x233: {  	s25 =	sor.u32 $0x8A00, s1  }
0x234: {  	[tilespmem:s25+$0x0] =	vst.add.f32.msk $0xffff, v3  }
0x235: {  	v3 =	vld [tilespmem:s4+$0x1210];
	_ =	sdelay $0x3  }
0x236: {  	s24 =	sor.u32 $0x8A10, s1  }
0x237: {  	[tilespmem:s24+$0x0] =	vst.add.f32.msk $0xffff, v3  }
0x238: {  	v3 =	vld [tilespmem:s4+$0x1220];
	_ =	sdelay $0x3  }
0x239: {  	s25 =	sor.u32 $0x8A20, s1  }
0x23a: {  	[tilespmem:s25+$0x0] =	vst.add.f32.msk $0xffff, v3  }
0x23b: {  	v3 =	vld [tilespmem:s4+$0x1230];
	_ =	sdelay $0x3  }
0x23c: {  	s24 =	sor.u32 $0x8A30, s1  }
0x23d: {  	[tilespmem:s24+$0x0] =	vst.add.f32.msk $0xffff, v3  }
0x23e: {  	v3 =	vld [tilespmem:s4+$0x1240];
	_ =	sdelay $0x3  }
0x23f: {  	s25 =	sor.u32 $0x8A40, s1  }
0x240: {  	[tilespmem:s25+$0x0] =	vst.add.f32.msk $0xffff, v3  }
0x241: {  	v3 =	vld [tilespmem:s4+$0x1250];
	_ =	sdelay $0x3  }
0x242: {  	s24 =	sor.u32 $0x8A50, s1  }
0x243: {  	[tilespmem:s24+$0x0] =	vst.add.f32.msk $0xffff, v3  }
0x244: {  	v3 =	vld [tilespmem:s4+$0x1260];
	_ =	sdelay $0x3  }
0x245: {  	s25 =	sor.u32 $0x8A60, s1  }
0x246: {  	[tilespmem:s25+$0x0] =	vst.add.f32.msk $0xffff, v3  }
0x247: {  	v3 =	vld [tilespmem:s4+$0x1270];
	_ =	sdelay $0x3  }
0x248: {  	s24 =	sor.u32 $0x8A70, s1  }
0x249: {  	[tilespmem:s24+$0x0] =	vst.add.f32.msk $0xffff, v3  }
0x24a: {  	v3 =	vld [tilespmem:s4+$0x1600];
	_ =	sdelay $0x3  }
0x24b: {  	s25 =	sor.u32 $0x8C00, s1  }
0x24c: {  	[tilespmem:s25+$0x0] =	vst.add.f32.msk $0xffff, v3  }
0x24d: {  	v3 =	vld [tilespmem:s4+$0x1610];
	_ =	sdelay $0x3  }
0x24e: {  	s24 =	sor.u32 $0x8C10, s1  }
0x24f: {  	[tilespmem:s24+$0x0] =	vst.add.f32.msk $0xffff, v3  }
0x250: {  	v3 =	vld [tilespmem:s4+$0x1620];
	_ =	sdelay $0x3  }
0x251: {  	s25 =	sor.u32 $0x8C20, s1  }
0x252: {  	[tilespmem:s25+$0x0] =	vst.add.f32.msk $0xffff, v3  }
0x253: {  	v3 =	vld [tilespmem:s4+$0x1630];
	_ =	sdelay $0x3  }
0x254: {  	s24 =	sor.u32 $0x8C30, s1  }
0x255: {  	[tilespmem:s24+$0x0] =	vst.add.f32.msk $0xffff, v3  }
0x256: {  	v3 =	vld [tilespmem:s4+$0x1640];
	_ =	sdelay $0x3  }
0x257: {  	s25 =	sor.u32 $0x8C40, s1  }
0x258: {  	[tilespmem:s25+$0x0] =	vst.add.f32.msk $0xffff, v3  }
0x259: {  	v3 =	vld [tilespmem:s4+$0x1650];
	_ =	sdelay $0x3  }
0x25a: {  	s24 =	sor.u32 $0x8C50, s1  }
0x25b: {  	[tilespmem:s24+$0x0] =	vst.add.f32.msk $0xffff, v3  }
0x25c: {  	v3 =	vld [tilespmem:s4+$0x1660];
	_ =	sdelay $0x3  }
0x25d: {  	s25 =	sor.u32 $0x8C60, s1  }
0x25e: {  	[tilespmem:s25+$0x0] =	vst.add.f32.msk $0xffff, v3  }
0x25f: {  	v3 =	vld [tilespmem:s4+$0x1670];
	_ =	sdelay $0x3  }
0x260: {  	s24 =	sor.u32 $0x8C70, s1  }
0x261: {  	[tilespmem:s24+$0x0] =	vst.add.f32.msk $0xffff, v3  }
0x262: {  	v3 =	vld [tilespmem:s4+$0x1A00];
	_ =	sdelay $0x3  }
0x263: {  	s25 =	sor.u32 $0x8E00, s1  }
0x264: {  	[tilespmem:s25+$0x0] =	vst.add.f32.msk $0xffff, v3  }
0x265: {  	v3 =	vld [tilespmem:s4+$0x1A10];
	_ =	sdelay $0x3  }
0x266: {  	s24 =	sor.u32 $0x8E10, s1  }
0x267: {  	[tilespmem:s24+$0x0] =	vst.add.f32.msk $0xffff, v3  }
0x268: {  	v3 =	vld [tilespmem:s4+$0x1A20];
	_ =	sdelay $0x3  }
0x269: {  	s25 =	sor.u32 $0x8E20, s1  }
0x26a: {  	[tilespmem:s25+$0x0] =	vst.add.f32.msk $0xffff, v3  }
0x26b: {  	v3 =	vld [tilespmem:s4+$0x1A30];
	_ =	sdelay $0x3  }
0x26c: {  	s24 =	sor.u32 $0x8E30, s1  }
0x26d: {  	[tilespmem:s24+$0x0] =	vst.add.f32.msk $0xffff, v3  }
0x26e: {  	v3 =	vld [tilespmem:s4+$0x1A40];
	_ =	sdelay $0x3  }
0x26f: {  	s25 =	sor.u32 $0x8E40, s1  }
0x270: {  	[tilespmem:s25+$0x0] =	vst.add.f32.msk $0xffff, v3  }
0x271: {  	v3 =	vld [tilespmem:s4+$0x1A50];
	_ =	sdelay $0x3  }
0x272: {  	s24 =	sor.u32 $0x8E50, s1  }
0x273: {  	[tilespmem:s24+$0x0] =	vst.add.f32.msk $0xffff, v3  }
0x274: {  	v3 =	vld [tilespmem:s4+$0x1A60];
	_ =	sdelay $0x3  }
0x275: {  	s25 =	sor.u32 $0x8E60, s1  }
0x276: {  	[tilespmem:s25+$0x0] =	vst.add.f32.msk $0xffff, v3  }
0x277: {  	v3 =	vld [tilespmem:s4+$0x1A70]  }
0x278: {  	s24 =	sadd.s32 $0x1, s14  }
0x279: {  	s4 =	sand.u32 $0x7, s24  }
0x27a: {  	s4 =	sshll.u32 s4, $0x7  }
0x27b: {  	s25 =	sor.u32 $0x8E70, s1;
	s4 =	sadd.s32 s4, s21  }
0x27c: {  	s20 =	sor.u32 $0x1C00, s4;
	[tilespmem:s25+$0x0] =	vst.add.f32.msk $0xffff, v3  }
0x27d: {  	v3 =	vld [tilespmem:s20+$0x200];
	_ =	sdelay $0x4  }
0x27e: {  	s21 =	sor.u32 $0x1C10, s4;
	[tilespmem:s1+$0x9000] =	vst.add.f32.msk $0xffff, v3  }
0x27f: {  	v3 =	vld [tilespmem:s21+$0x200];
	_ =	sdelay $0x4  }
0x280: {  	s24 =	sor.u32 $0x1C20, s4;
	[tilespmem:s1+$0x9010] =	vst.add.f32.msk $0xffff, v3  }
0x281: {  	v3 =	vld [tilespmem:s24+$0x200];
	_ =	sdelay $0x4  }
0x282: {  	s25 =	sor.u32 $0x1C30, s4;
	[tilespmem:s1+$0x9020] =	vst.add.f32.msk $0xffff, v3  }
0x283: {  	v3 =	vld [tilespmem:s25+$0x200];
	_ =	sdelay $0x4  }
0x284: {  	s20 =	sor.u32 $0x1C40, s4;
	[tilespmem:s1+$0x9030] =	vst.add.f32.msk $0xffff, v3  }
0x285: {  	v3 =	vld [tilespmem:s20+$0x200];
	_ =	sdelay $0x4  }
0x286: {  	s21 =	sor.u32 $0x1C50, s4;
	[tilespmem:s1+$0x9040] =	vst.add.f32.msk $0xffff, v3  }
0x287: {  	v3 =	vld [tilespmem:s21+$0x200];
	_ =	sdelay $0x4  }
0x288: {  	s24 =	sor.u32 $0x1C60, s4;
	[tilespmem:s1+$0x9050] =	vst.add.f32.msk $0xffff, v3  }
0x289: {  	v3 =	vld [tilespmem:s24+$0x200];
	_ =	sdelay $0x4  }
0x28a: {  	s4 =	sor.u32 $0x1C70, s4;
	[tilespmem:s1+$0x9060] =	vst.add.f32.msk $0xffff, v3  }
0x28b: {  	v3 =	vld [tilespmem:s4+$0x200];
	_ =	sdelay $0x3  }
0x28c: {  	s25 =	sshll.u32 s22, $0xC  }
0x28d: {  	p0 =	seq.s32 s22, $0xF;
	s14 =	sadd.s32 s25, s12;
	[tilespmem:s1+$0x9070] =	vst.add.f32.msk $0xffff, v3  }
0x28e: {  	[hbm4b:s14+s5] =	stream.linear.scatter [tilespmem:s23], [sflag:$0x5], $0x4000, $0x38;
	[tilespmem:$0x10200] =	vst v63  }
0x28f: {  	s1 =	sadd.s32 @!p0 $0x2, s13;
	_ =	swait.ge [sflag:s17], $0x4000  }
0x290: {  	s4 =	sshll.u32 @!p0 s1, $0x4;
	[sflag:s17] =	ssyncset.done $0x0  }
0x291: {  	s4 =	sand.u32 @!p0 $0x3FFFFFF0, s4;
	[sflag:s17] =	ssyncadd.s32 $0xFFFFC000  }
0x292: {  	v3 =	vld @!p0 [tilespmem:s4+$0x0];
	_ =	sdelay $0x4  }
0x293: {  	v4 =	vshll.u32 @!p0 v3, $0x3  }
0x294: {  	v5 =	vlaneseq.u32 @!p0;
	v3 =	vand.u32 @!p0 $0x7, v3;
	v4 =	vand.u32 @!p0 $0xFFFFFFC0, v4  }
0x295: {  	v6 =	vshrl.u32 @!p0 v5, $0x3;
	v3 =	vor.u32 @!p0 v3, v4;
	v4 =	vand.u32 @!p0 $0x7, v5  }
0x296: {  	v6 =	vmul.u32 @!p0 $0x8, v6;
	v4 =	vperm.xlane @!p0 v3, v4;
	_ =	sdelay $0x1  }
0x297: {  	v4 =	vadd.s32 @!p0 v6, v4;
	_ =	sdelay $0x3  }
0x298: {  	vm1 =	vmmov @!p0 $0xffff;
	s13 =	simm.s32 @!p0 $0x200;
	s4 =	simm.s32 @!p0 $0x0  }
0x299: {  	v5 =	vor.u32 @!p0 $0x8, v5;
	[tilespmem:s13], [sflag:$0x1] =	stream.indirect_vreg.gather @!p0 [hbm4b:s2+s4], $0x80, v4, vm1, $0xb8;
	[tilespmem:$0x10200] =	vst v63  }
0x29a: {  	v3 =	vperm.xlane @!p0 v3, v5;
	s13 =	simm.s32 @!p0 $0xA00  }
0x29b: {  	[tilespmem:s13], [sflag:$0x1] =	stream.indirect_vreg.gather @!p0 [hbm4b:s8+s4], $0x80, v4, vm1, $0xb8;
	[tilespmem:$0x10200] =	vst v63  }
0x29c: {  	v3 =	vadd.s32 @!p0 v6, v3;
	s13 =	simm.s32 @!p0 $0x1200  }
0x29d: {  	[tilespmem:s13], [sflag:$0x1] =	stream.indirect_vreg.gather @!p0 [hbm4b:s9+s4], $0x80, v4, vm1, $0xb8;
	[tilespmem:$0x10200] =	vst v63  }
0x29e: {  	s13 =	simm.s32 @!p0 $0x1A00  }
0x29f: {  	[tilespmem:s13], [sflag:$0x1] =	stream.indirect_vreg.gather @!p0 [hbm4b:s10+s4], $0x80, v4, vm1, $0xb8;
	[tilespmem:$0x10200] =	vst v63  }
0x2a0: {  	s13 =	simm.s32 @!p0 $0x2200  }
0x2a1: {  	[tilespmem:s13], [sflag:$0x1] =	stream.indirect_vreg.gather @!p0 [hbm4b:s2+s4], $0x80, v3, vm1, $0xb8;
	[tilespmem:$0x10200] =	vst v63  }
0x2a2: {  	s13 =	simm.s32 @!p0 $0x2A00  }
0x2a3: {  	[tilespmem:s13], [sflag:$0x1] =	stream.indirect_vreg.gather @!p0 [hbm4b:s8+s4], $0x80, v3, vm1, $0xb8;
	[tilespmem:$0x10200] =	vst v63  }
0x2a4: {  	s13 =	simm.s32 @!p0 $0x3200  }
0x2a5: {  	[tilespmem:s13], [sflag:$0x1] =	stream.indirect_vreg.gather @!p0 [hbm4b:s9+s4], $0x80, v3, vm1, $0xb8;
	[tilespmem:$0x10200] =	vst v63  }
0x2a6: {  	s1 =	sshll.u32 @!p0 s1, $0xB;
	s13 =	simm.s32 @!p0 $0x3A00  }
0x2a7: {  	[tilespmem:s13], [sflag:$0x1] =	stream.indirect_vreg.gather @!p0 [hbm4b:s10+s4], $0x80, v3, vm1, $0xb8;
	[tilespmem:$0x10200] =	vst v63  }
0x2a8: {  	s1 =	sadd.s32 @!p0 s1, s11;
	s13 =	simm.s32 @!p0 $0x8200  }
0x2a9: {  	[tilespmem:s13], [sflag:$0x3] =	stream.linear.gather @!p0 [hbm4b:s1+s4], $0x4000, $0x38;
	[tilespmem:$0x10200] =	vst v63  }
0x2aa: {  	_ =	swait.ge [sflag:s18], $0x4000  }
0x2ab: {  	[sflag:s18] =	ssyncset.done $0x0  }
0x2ac: {  	[sflag:s18] =	ssyncadd.s32 $0xFFFFC000  }
0x2ad: {  	s13 =	simm.s32 $0x0;
	_ =	swait.ge [sflag:s19], $0x4000  }
0x2ae: {  	s20 =	sand.u32 $0x2000, s13;
	s21 =	sand.u32 $0x380, s13;
	[sflag:s19] =	ssyncset.done $0x0  }
0x2af: {  	s1 =	sor.u32 s21, s20;
	[sflag:s19] =	ssyncadd.s32 $0xFFFFC000  }
0x2b0: {  	v3 =	vld [tilespmem:s1+$0x4200];
	_ =	sdelay $0x1  }
0x2b1: {  	s24 =	sand.u32 $0x3000, s13;
	s25 =	sand.u32 $0x180, s13  }
0x2b2: {  	s14 =	sor.u32 s25, s24  }
0x2b3: {  	s4 =	sor.u32 $0xC200, s14  }
0x2b4: {  	[tilespmem:s4+$0x0] =	vst.add.f32.msk $0xffff, v3  }
0x2b5: {  	v3 =	vld [tilespmem:s1+$0x4210];
	_ =	sdelay $0x3  }
0x2b6: {  	s20 =	sor.u32 $0xC210, s14  }
0x2b7: {  	[tilespmem:s20+$0x0] =	vst.add.f32.msk $0xffff, v3  }
0x2b8: {  	v3 =	vld [tilespmem:s1+$0x4220];
	_ =	sdelay $0x3  }
0x2b9: {  	s21 =	sor.u32 $0xC220, s14  }
0x2ba: {  	[tilespmem:s21+$0x0] =	vst.add.f32.msk $0xffff, v3  }
0x2bb: {  	v3 =	vld [tilespmem:s1+$0x4230];
	_ =	sdelay $0x3  }
0x2bc: {  	s24 =	sor.u32 $0xC230, s14  }
0x2bd: {  	[tilespmem:s24+$0x0] =	vst.add.f32.msk $0xffff, v3  }
0x2be: {  	v3 =	vld [tilespmem:s1+$0x4240];
	_ =	sdelay $0x3  }
0x2bf: {  	s25 =	sor.u32 $0xC240, s14  }
0x2c0: {  	[tilespmem:s25+$0x0] =	vst.add.f32.msk $0xffff, v3  }
0x2c1: {  	v3 =	vld [tilespmem:s1+$0x4250];
	_ =	sdelay $0x3  }
0x2c2: {  	s20 =	sor.u32 $0xC250, s14  }
0x2c3: {  	[tilespmem:s20+$0x0] =	vst.add.f32.msk $0xffff, v3  }
0x2c4: {  	v3 =	vld [tilespmem:s1+$0x4260];
	_ =	sdelay $0x3  }
0x2c5: {  	s21 =	sor.u32 $0xC260, s14  }
0x2c6: {  	[tilespmem:s21+$0x0] =	vst.add.f32.msk $0xffff, v3  }
0x2c7: {  	v3 =	vld [tilespmem:s1+$0x4270];
	_ =	sdelay $0x3  }
0x2c8: {  	s24 =	sor.u32 $0xC270, s14  }
0x2c9: {  	[tilespmem:s24+$0x0] =	vst.add.f32.msk $0xffff, v3  }
0x2ca: {  	v3 =	vld [tilespmem:s1+$0x4600];
	_ =	sdelay $0x3  }
0x2cb: {  	s25 =	sor.u32 $0xC400, s14  }
0x2cc: {  	[tilespmem:s25+$0x0] =	vst.add.f32.msk $0xffff, v3  }
0x2cd: {  	v3 =	vld [tilespmem:s1+$0x4610];
	_ =	sdelay $0x3  }
0x2ce: {  	s20 =	sor.u32 $0xC410, s14  }
0x2cf: {  	[tilespmem:s20+$0x0] =	vst.add.f32.msk $0xffff, v3  }
0x2d0: {  	v3 =	vld [tilespmem:s1+$0x4620];
	_ =	sdelay $0x3  }
0x2d1: {  	s21 =	sor.u32 $0xC420, s14  }
0x2d2: {  	[tilespmem:s21+$0x0] =	vst.add.f32.msk $0xffff, v3  }
0x2d3: {  	v3 =	vld [tilespmem:s1+$0x4630];
	_ =	sdelay $0x3  }
0x2d4: {  	s24 =	sor.u32 $0xC430, s14  }
0x2d5: {  	[tilespmem:s24+$0x0] =	vst.add.f32.msk $0xffff, v3  }
0x2d6: {  	v3 =	vld [tilespmem:s1+$0x4640];
	_ =	sdelay $0x3  }
0x2d7: {  	s25 =	sor.u32 $0xC440, s14  }
0x2d8: {  	[tilespmem:s25+$0x0] =	vst.add.f32.msk $0xffff, v3  }
0x2d9: {  	v3 =	vld [tilespmem:s1+$0x4650];
	_ =	sdelay $0x3  }
0x2da: {  	s20 =	sor.u32 $0xC450, s14  }
0x2db: {  	[tilespmem:s20+$0x0] =	vst.add.f32.msk $0xffff, v3  }
0x2dc: {  	v3 =	vld [tilespmem:s1+$0x4660];
	_ =	sdelay $0x3  }
0x2dd: {  	s21 =	sor.u32 $0xC460, s14  }
0x2de: {  	[tilespmem:s21+$0x0] =	vst.add.f32.msk $0xffff, v3  }
0x2df: {  	v3 =	vld [tilespmem:s1+$0x4670];
	_ =	sdelay $0x3  }
0x2e0: {  	s24 =	sor.u32 $0xC470, s14  }
0x2e1: {  	[tilespmem:s24+$0x0] =	vst.add.f32.msk $0xffff, v3  }
0x2e2: {  	v3 =	vld [tilespmem:s1+$0x4A00];
	_ =	sdelay $0x3  }
0x2e3: {  	s25 =	sor.u32 $0xC600, s14  }
0x2e4: {  	[tilespmem:s25+$0x0] =	vst.add.f32.msk $0xffff, v3  }
0x2e5: {  	v3 =	vld [tilespmem:s1+$0x4A10];
	_ =	sdelay $0x3  }
0x2e6: {  	s20 =	sor.u32 $0xC610, s14  }
0x2e7: {  	[tilespmem:s20+$0x0] =	vst.add.f32.msk $0xffff, v3  }
0x2e8: {  	v3 =	vld [tilespmem:s1+$0x4A20];
	_ =	sdelay $0x3  }
0x2e9: {  	s21 =	sor.u32 $0xC620, s14  }
0x2ea: {  	[tilespmem:s21+$0x0] =	vst.add.f32.msk $0xffff, v3  }
0x2eb: {  	v3 =	vld [tilespmem:s1+$0x4A30];
	_ =	sdelay $0x3  }
0x2ec: {  	s24 =	sor.u32 $0xC630, s14  }
0x2ed: {  	[tilespmem:s24+$0x0] =	vst.add.f32.msk $0xffff, v3  }
0x2ee: {  	v3 =	vld [tilespmem:s1+$0x4A40];
	_ =	sdelay $0x3  }
0x2ef: {  	s25 =	sor.u32 $0xC640, s14  }
0x2f0: {  	[tilespmem:s25+$0x0] =	vst.add.f32.msk $0xffff, v3  }
0x2f1: {  	v3 =	vld [tilespmem:s1+$0x4A50];
	_ =	sdelay $0x3  }
0x2f2: {  	s20 =	sor.u32 $0xC650, s14  }
0x2f3: {  	[tilespmem:s20+$0x0] =	vst.add.f32.msk $0xffff, v3  }
0x2f4: {  	v3 =	vld [tilespmem:s1+$0x4A60];
	_ =	sdelay $0x3  }
0x2f5: {  	s21 =	sor.u32 $0xC660, s14  }
0x2f6: {  	[tilespmem:s21+$0x0] =	vst.add.f32.msk $0xffff, v3  }
0x2f7: {  	v3 =	vld [tilespmem:s1+$0x4A70];
	_ =	sdelay $0x3  }
0x2f8: {  	s24 =	sor.u32 $0xC670, s14  }
0x2f9: {  	[tilespmem:s24+$0x0] =	vst.add.f32.msk $0xffff, v3  }
0x2fa: {  	v3 =	vld [tilespmem:s1+$0x4E00];
	_ =	sdelay $0x3  }
0x2fb: {  	s25 =	sor.u32 $0xC800, s14  }
0x2fc: {  	[tilespmem:s25+$0x0] =	vst.add.f32.msk $0xffff, v3  }
0x2fd: {  	v3 =	vld [tilespmem:s1+$0x4E10];
	_ =	sdelay $0x3  }
0x2fe: {  	s20 =	sor.u32 $0xC810, s14  }
0x2ff: {  	[tilespmem:s20+$0x0] =	vst.add.f32.msk $0xffff, v3  }
0x300: {  	v3 =	vld [tilespmem:s1+$0x4E20];
	_ =	sdelay $0x3  }
0x301: {  	s21 =	sor.u32 $0xC820, s14  }
0x302: {  	[tilespmem:s21+$0x0] =	vst.add.f32.msk $0xffff, v3  }
0x303: {  	v3 =	vld [tilespmem:s1+$0x4E30];
	_ =	sdelay $0x3  }
0x304: {  	s24 =	sor.u32 $0xC830, s14  }
0x305: {  	[tilespmem:s24+$0x0] =	vst.add.f32.msk $0xffff, v3  }
0x306: {  	v3 =	vld [tilespmem:s1+$0x4E40];
	_ =	sdelay $0x3  }
0x307: {  	s25 =	sor.u32 $0xC840, s14  }
0x308: {  	[tilespmem:s25+$0x0] =	vst.add.f32.msk $0xffff, v3  }
0x309: {  	v3 =	vld [tilespmem:s1+$0x4E50];
	_ =	sdelay $0x3  }
0x30a: {  	s20 =	sor.u32 $0xC850, s14  }
0x30b: {  	[tilespmem:s20+$0x0] =	vst.add.f32.msk $0xffff, v3  }
0x30c: {  	v3 =	vld [tilespmem:s1+$0x4E60];
	_ =	sdelay $0x3  }
0x30d: {  	s21 =	sor.u32 $0xC860, s14  }
0x30e: {  	[tilespmem:s21+$0x0] =	vst.add.f32.msk $0xffff, v3  }
0x30f: {  	v3 =	vld [tilespmem:s1+$0x4E70];
	_ =	sdelay $0x3  }
0x310: {  	s24 =	sor.u32 $0xC870, s14  }
0x311: {  	[tilespmem:s24+$0x0] =	vst.add.f32.msk $0xffff, v3  }
0x312: {  	v3 =	vld [tilespmem:s1+$0x5200];
	_ =	sdelay $0x3  }
0x313: {  	s25 =	sor.u32 $0xCA00, s14  }
0x314: {  	[tilespmem:s25+$0x0] =	vst.add.f32.msk $0xffff, v3  }
0x315: {  	v3 =	vld [tilespmem:s1+$0x5210];
	_ =	sdelay $0x3  }
0x316: {  	s20 =	sor.u32 $0xCA10, s14  }
0x317: {  	[tilespmem:s20+$0x0] =	vst.add.f32.msk $0xffff, v3  }
0x318: {  	v3 =	vld [tilespmem:s1+$0x5220];
	_ =	sdelay $0x3  }
0x319: {  	s21 =	sor.u32 $0xCA20, s14  }
0x31a: {  	[tilespmem:s21+$0x0] =	vst.add.f32.msk $0xffff, v3  }
0x31b: {  	v3 =	vld [tilespmem:s1+$0x5230];
	_ =	sdelay $0x3  }
0x31c: {  	s24 =	sor.u32 $0xCA30, s14  }
0x31d: {  	[tilespmem:s24+$0x0] =	vst.add.f32.msk $0xffff, v3  }
0x31e: {  	v3 =	vld [tilespmem:s1+$0x5240];
	_ =	sdelay $0x3  }
0x31f: {  	s25 =	sor.u32 $0xCA40, s14  }
0x320: {  	[tilespmem:s25+$0x0] =	vst.add.f32.msk $0xffff, v3  }
0x321: {  	v3 =	vld [tilespmem:s1+$0x5250];
	_ =	sdelay $0x3  }
0x322: {  	s20 =	sor.u32 $0xCA50, s14  }
0x323: {  	[tilespmem:s20+$0x0] =	vst.add.f32.msk $0xffff, v3  }
0x324: {  	v3 =	vld [tilespmem:s1+$0x5260];
	_ =	sdelay $0x3  }
0x325: {  	s21 =	sor.u32 $0xCA60, s14  }
0x326: {  	[tilespmem:s21+$0x0] =	vst.add.f32.msk $0xffff, v3  }
0x327: {  	v3 =	vld [tilespmem:s1+$0x5270];
	_ =	sdelay $0x3  }
0x328: {  	s24 =	sor.u32 $0xCA70, s14  }
0x329: {  	[tilespmem:s24+$0x0] =	vst.add.f32.msk $0xffff, v3  }
0x32a: {  	v3 =	vld [tilespmem:s1+$0x5600];
	_ =	sdelay $0x3  }
0x32b: {  	s25 =	sor.u32 $0xCC00, s14  }
0x32c: {  	[tilespmem:s25+$0x0] =	vst.add.f32.msk $0xffff, v3  }
0x32d: {  	v3 =	vld [tilespmem:s1+$0x5610];
	_ =	sdelay $0x3  }
0x32e: {  	s20 =	sor.u32 $0xCC10, s14  }
0x32f: {  	[tilespmem:s20+$0x0] =	vst.add.f32.msk $0xffff, v3  }
0x330: {  	v3 =	vld [tilespmem:s1+$0x5620];
	_ =	sdelay $0x3  }
0x331: {  	s21 =	sor.u32 $0xCC20, s14  }
0x332: {  	[tilespmem:s21+$0x0] =	vst.add.f32.msk $0xffff, v3  }
0x333: {  	v3 =	vld [tilespmem:s1+$0x5630];
	_ =	sdelay $0x3  }
0x334: {  	s24 =	sor.u32 $0xCC30, s14  }
0x335: {  	[tilespmem:s24+$0x0] =	vst.add.f32.msk $0xffff, v3  }
0x336: {  	v3 =	vld [tilespmem:s1+$0x5640];
	_ =	sdelay $0x3  }
0x337: {  	s25 =	sor.u32 $0xCC40, s14  }
0x338: {  	[tilespmem:s25+$0x0] =	vst.add.f32.msk $0xffff, v3  }
0x339: {  	v3 =	vld [tilespmem:s1+$0x5650];
	_ =	sdelay $0x3  }
0x33a: {  	s20 =	sor.u32 $0xCC50, s14  }
0x33b: {  	[tilespmem:s20+$0x0] =	vst.add.f32.msk $0xffff, v3  }
0x33c: {  	v3 =	vld [tilespmem:s1+$0x5660];
	_ =	sdelay $0x3  }
0x33d: {  	s21 =	sor.u32 $0xCC60, s14  }
0x33e: {  	[tilespmem:s21+$0x0] =	vst.add.f32.msk $0xffff, v3  }
0x33f: {  	v3 =	vld [tilespmem:s1+$0x5670];
	_ =	sdelay $0x3  }
0x340: {  	s24 =	sor.u32 $0xCC70, s14  }
0x341: {  	[tilespmem:s24+$0x0] =	vst.add.f32.msk $0xffff, v3  }
0x342: {  	v3 =	vld [tilespmem:s1+$0x5A00];
	_ =	sdelay $0x3  }
0x343: {  	s25 =	sor.u32 $0xCE00, s14  }
0x344: {  	[tilespmem:s25+$0x0] =	vst.add.f32.msk $0xffff, v3  }
0x345: {  	v3 =	vld [tilespmem:s1+$0x5A10];
	_ =	sdelay $0x3  }
0x346: {  	s20 =	sor.u32 $0xCE10, s14  }
0x347: {  	[tilespmem:s20+$0x0] =	vst.add.f32.msk $0xffff, v3  }
0x348: {  	v3 =	vld [tilespmem:s1+$0x5A20];
	_ =	sdelay $0x3  }
0x349: {  	s21 =	sor.u32 $0xCE20, s14  }
0x34a: {  	[tilespmem:s21+$0x0] =	vst.add.f32.msk $0xffff, v3  }
0x34b: {  	v3 =	vld [tilespmem:s1+$0x5A30];
	_ =	sdelay $0x3  }
0x34c: {  	s24 =	sor.u32 $0xCE30, s14  }
0x34d: {  	[tilespmem:s24+$0x0] =	vst.add.f32.msk $0xffff, v3  }
0x34e: {  	v3 =	vld [tilespmem:s1+$0x5A40];
	_ =	sdelay $0x3  }
0x34f: {  	s25 =	sor.u32 $0xCE40, s14  }
0x350: {  	[tilespmem:s25+$0x0] =	vst.add.f32.msk $0xffff, v3  }
0x351: {  	v3 =	vld [tilespmem:s1+$0x5A50];
	_ =	sdelay $0x3  }
0x352: {  	s20 =	sor.u32 $0xCE50, s14  }
0x353: {  	[tilespmem:s20+$0x0] =	vst.add.f32.msk $0xffff, v3  }
0x354: {  	v3 =	vld [tilespmem:s1+$0x5A60];
	_ =	sdelay $0x3  }
0x355: {  	s21 =	sor.u32 $0xCE60, s14  }
0x356: {  	[tilespmem:s21+$0x0] =	vst.add.f32.msk $0xffff, v3  }
0x357: {  	v3 =	vld [tilespmem:s1+$0x5A70];
	_ =	sdelay $0x1  }
0x358: {  	s24 =	sand.u32 $0x7, s13  }
0x359: {  	s1 =	sshll.u32 s24, $0x7  }
0x35a: {  	s25 =	sor.u32 $0xCE70, s14;
	s1 =	sadd.s32 $0x0, s1  }
0x35b: {  	s20 =	sor.u32 $0x1C00, s1;
	[tilespmem:s25+$0x0] =	vst.add.f32.msk $0xffff, v3  }
0x35c: {  	v3 =	vld [tilespmem:s20+$0x4200];
	_ =	sdelay $0x4  }
0x35d: {  	s21 =	sor.u32 $0x1C10, s1;
	[tilespmem:s14+$0xD000] =	vst.add.f32.msk $0xffff, v3  }
0x35e: {  	v3 =	vld [tilespmem:s21+$0x4200];
	_ =	sdelay $0x4  }
0x35f: {  	s24 =	sor.u32 $0x1C20, s1;
	[tilespmem:s14+$0xD010] =	vst.add.f32.msk $0xffff, v3  }
0x360: {  	v3 =	vld [tilespmem:s24+$0x4200];
	_ =	sdelay $0x4  }
0x361: {  	s25 =	sor.u32 $0x1C30, s1;
	[tilespmem:s14+$0xD020] =	vst.add.f32.msk $0xffff, v3  }
0x362: {  	v3 =	vld [tilespmem:s25+$0x4200];
	_ =	sdelay $0x4  }
0x363: {  	s20 =	sor.u32 $0x1C40, s1;
	[tilespmem:s14+$0xD030] =	vst.add.f32.msk $0xffff, v3  }
0x364: {  	v3 =	vld [tilespmem:s20+$0x4200];
	_ =	sdelay $0x4  }
0x365: {  	s21 =	sor.u32 $0x1C50, s1;
	[tilespmem:s14+$0xD040] =	vst.add.f32.msk $0xffff, v3  }
0x366: {  	v3 =	vld [tilespmem:s21+$0x4200];
	_ =	sdelay $0x4  }
0x367: {  	s24 =	sor.u32 $0x1C60, s1;
	[tilespmem:s14+$0xD050] =	vst.add.f32.msk $0xffff, v3  }
0x368: {  	v3 =	vld [tilespmem:s24+$0x4200];
	_ =	sdelay $0x4  }
0x369: {  	s25 =	sor.u32 $0x1C70, s1;
	[tilespmem:s14+$0xD060] =	vst.add.f32.msk $0xffff, v3  }
0x36a: {  	v3 =	vld [tilespmem:s25+$0x4200];
	_ =	sdelay $0x2  }
0x36b: {  	s1 =	simm.s32 $0x80;
	s20 =	simm.s32 $0x400  }
0x36c: {  	s4 =	simm.s32 $0x800;
	s21 =	sand.u32 $0x2000, s20;
	s24 =	sand.u32 $0x380, s1  }
.LBB2_5:
0x36d: {  	p0 =	sne.s32 s4, $0x3C00;
	s21 =	sor.u32 s24, s21;
	[tilespmem:s14+$0xD070] =	vst.add.f32.msk $0xffff, v3  }
0x36e: {  	v3 =	vld [tilespmem:s21+$0x4200];
	_ =	sdelay $0x1  }
0x36f: {  	s14 =	sand.u32 $0x3000, s20;
	s24 =	sand.u32 $0x180, s1  }
0x370: {  	s14 =	sor.u32 s24, s14  }
0x371: {  	s24 =	sor.u32 $0xC200, s14  }
0x372: {  	[tilespmem:s24+$0x0] =	vst.add.f32.msk $0xffff, v3  }
0x373: {  	v3 =	vld [tilespmem:s21+$0x4210];
	_ =	sdelay $0x3  }
0x374: {  	s24 =	sor.u32 $0xC210, s14  }
0x375: {  	[tilespmem:s24+$0x0] =	vst.add.f32.msk $0xffff, v3  }
0x376: {  	v3 =	vld [tilespmem:s21+$0x4220];
	_ =	sdelay $0x3  }
0x377: {  	s24 =	sor.u32 $0xC220, s14  }
0x378: {  	[tilespmem:s24+$0x0] =	vst.add.f32.msk $0xffff, v3  }
0x379: {  	v3 =	vld [tilespmem:s21+$0x4230];
	_ =	sdelay $0x3  }
0x37a: {  	s24 =	sor.u32 $0xC230, s14  }
0x37b: {  	[tilespmem:s24+$0x0] =	vst.add.f32.msk $0xffff, v3  }
0x37c: {  	v3 =	vld [tilespmem:s21+$0x4240];
	_ =	sdelay $0x3  }
0x37d: {  	s24 =	sor.u32 $0xC240, s14  }
0x37e: {  	[tilespmem:s24+$0x0] =	vst.add.f32.msk $0xffff, v3  }
0x37f: {  	v3 =	vld [tilespmem:s21+$0x4250];
	_ =	sdelay $0x3  }
0x380: {  	s24 =	sor.u32 $0xC250, s14  }
0x381: {  	[tilespmem:s24+$0x0] =	vst.add.f32.msk $0xffff, v3  }
0x382: {  	v3 =	vld [tilespmem:s21+$0x4260];
	_ =	sdelay $0x3  }
0x383: {  	s24 =	sor.u32 $0xC260, s14  }
0x384: {  	[tilespmem:s24+$0x0] =	vst.add.f32.msk $0xffff, v3  }
0x385: {  	v3 =	vld [tilespmem:s21+$0x4270];
	_ =	sdelay $0x3  }
0x386: {  	s24 =	sor.u32 $0xC270, s14  }
0x387: {  	[tilespmem:s24+$0x0] =	vst.add.f32.msk $0xffff, v3  }
0x388: {  	v3 =	vld [tilespmem:s21+$0x4600];
	_ =	sdelay $0x3  }
0x389: {  	s24 =	sor.u32 $0xC400, s14  }
0x38a: {  	[tilespmem:s24+$0x0] =	vst.add.f32.msk $0xffff, v3  }
0x38b: {  	v3 =	vld [tilespmem:s21+$0x4610];
	_ =	sdelay $0x3  }
0x38c: {  	s24 =	sor.u32 $0xC410, s14  }
0x38d: {  	[tilespmem:s24+$0x0] =	vst.add.f32.msk $0xffff, v3  }
0x38e: {  	v3 =	vld [tilespmem:s21+$0x4620];
	_ =	sdelay $0x3  }
0x38f: {  	s24 =	sor.u32 $0xC420, s14  }
0x390: {  	[tilespmem:s24+$0x0] =	vst.add.f32.msk $0xffff, v3  }
0x391: {  	v3 =	vld [tilespmem:s21+$0x4630];
	_ =	sdelay $0x3  }
0x392: {  	s24 =	sor.u32 $0xC430, s14  }
0x393: {  	[tilespmem:s24+$0x0] =	vst.add.f32.msk $0xffff, v3  }
0x394: {  	v3 =	vld [tilespmem:s21+$0x4640];
	_ =	sdelay $0x3  }
0x395: {  	s24 =	sor.u32 $0xC440, s14  }
0x396: {  	[tilespmem:s24+$0x0] =	vst.add.f32.msk $0xffff, v3  }
0x397: {  	v3 =	vld [tilespmem:s21+$0x4650];
	_ =	sdelay $0x3  }
0x398: {  	s24 =	sor.u32 $0xC450, s14  }
0x399: {  	[tilespmem:s24+$0x0] =	vst.add.f32.msk $0xffff, v3  }
0x39a: {  	v3 =	vld [tilespmem:s21+$0x4660];
	_ =	sdelay $0x3  }
0x39b: {  	s24 =	sor.u32 $0xC460, s14  }
0x39c: {  	[tilespmem:s24+$0x0] =	vst.add.f32.msk $0xffff, v3  }
0x39d: {  	v3 =	vld [tilespmem:s21+$0x4670];
	_ =	sdelay $0x3  }
0x39e: {  	s24 =	sor.u32 $0xC470, s14  }
0x39f: {  	[tilespmem:s24+$0x0] =	vst.add.f32.msk $0xffff, v3  }
0x3a0: {  	v3 =	vld [tilespmem:s21+$0x4A00];
	_ =	sdelay $0x3  }
0x3a1: {  	s24 =	sor.u32 $0xC600, s14  }
0x3a2: {  	[tilespmem:s24+$0x0] =	vst.add.f32.msk $0xffff, v3  }
0x3a3: {  	v3 =	vld [tilespmem:s21+$0x4A10];
	_ =	sdelay $0x3  }
0x3a4: {  	s24 =	sor.u32 $0xC610, s14  }
0x3a5: {  	[tilespmem:s24+$0x0] =	vst.add.f32.msk $0xffff, v3  }
0x3a6: {  	v3 =	vld [tilespmem:s21+$0x4A20];
	_ =	sdelay $0x3  }
0x3a7: {  	s24 =	sor.u32 $0xC620, s14  }
0x3a8: {  	[tilespmem:s24+$0x0] =	vst.add.f32.msk $0xffff, v3  }
0x3a9: {  	v3 =	vld [tilespmem:s21+$0x4A30];
	_ =	sdelay $0x3  }
0x3aa: {  	s24 =	sor.u32 $0xC630, s14  }
0x3ab: {  	[tilespmem:s24+$0x0] =	vst.add.f32.msk $0xffff, v3  }
0x3ac: {  	v3 =	vld [tilespmem:s21+$0x4A40];
	_ =	sdelay $0x3  }
0x3ad: {  	s24 =	sor.u32 $0xC640, s14  }
0x3ae: {  	[tilespmem:s24+$0x0] =	vst.add.f32.msk $0xffff, v3  }
0x3af: {  	v3 =	vld [tilespmem:s21+$0x4A50];
	_ =	sdelay $0x3  }
0x3b0: {  	s24 =	sor.u32 $0xC650, s14  }
0x3b1: {  	[tilespmem:s24+$0x0] =	vst.add.f32.msk $0xffff, v3  }
0x3b2: {  	v3 =	vld [tilespmem:s21+$0x4A60];
	_ =	sdelay $0x3  }
0x3b3: {  	s24 =	sor.u32 $0xC660, s14  }
0x3b4: {  	[tilespmem:s24+$0x0] =	vst.add.f32.msk $0xffff, v3  }
0x3b5: {  	v3 =	vld [tilespmem:s21+$0x4A70];
	_ =	sdelay $0x3  }
0x3b6: {  	s24 =	sor.u32 $0xC670, s14  }
0x3b7: {  	[tilespmem:s24+$0x0] =	vst.add.f32.msk $0xffff, v3  }
0x3b8: {  	v3 =	vld [tilespmem:s21+$0x4E00];
	_ =	sdelay $0x3  }
0x3b9: {  	s24 =	sor.u32 $0xC800, s14  }
0x3ba: {  	[tilespmem:s24+$0x0] =	vst.add.f32.msk $0xffff, v3  }
0x3bb: {  	v3 =	vld [tilespmem:s21+$0x4E10];
	_ =	sdelay $0x3  }
0x3bc: {  	s24 =	sor.u32 $0xC810, s14  }
0x3bd: {  	[tilespmem:s24+$0x0] =	vst.add.f32.msk $0xffff, v3  }
0x3be: {  	v3 =	vld [tilespmem:s21+$0x4E20];
	_ =	sdelay $0x3  }
0x3bf: {  	s24 =	sor.u32 $0xC820, s14  }
0x3c0: {  	[tilespmem:s24+$0x0] =	vst.add.f32.msk $0xffff, v3  }
0x3c1: {  	v3 =	vld [tilespmem:s21+$0x4E30];
	_ =	sdelay $0x3  }
0x3c2: {  	s24 =	sor.u32 $0xC830, s14  }
0x3c3: {  	[tilespmem:s24+$0x0] =	vst.add.f32.msk $0xffff, v3  }
0x3c4: {  	v3 =	vld [tilespmem:s21+$0x4E40];
	_ =	sdelay $0x3  }
0x3c5: {  	s24 =	sor.u32 $0xC840, s14  }
0x3c6: {  	[tilespmem:s24+$0x0] =	vst.add.f32.msk $0xffff, v3  }
0x3c7: {  	v3 =	vld [tilespmem:s21+$0x4E50];
	_ =	sdelay $0x3  }
0x3c8: {  	s24 =	sor.u32 $0xC850, s14  }
0x3c9: {  	[tilespmem:s24+$0x0] =	vst.add.f32.msk $0xffff, v3  }
0x3ca: {  	v3 =	vld [tilespmem:s21+$0x4E60];
	_ =	sdelay $0x3  }
0x3cb: {  	s24 =	sor.u32 $0xC860, s14  }
0x3cc: {  	[tilespmem:s24+$0x0] =	vst.add.f32.msk $0xffff, v3  }
0x3cd: {  	v3 =	vld [tilespmem:s21+$0x4E70];
	_ =	sdelay $0x3  }
0x3ce: {  	s24 =	sor.u32 $0xC870, s14  }
0x3cf: {  	[tilespmem:s24+$0x0] =	vst.add.f32.msk $0xffff, v3  }
0x3d0: {  	v3 =	vld [tilespmem:s21+$0x5200];
	_ =	sdelay $0x3  }
0x3d1: {  	s24 =	sor.u32 $0xCA00, s14  }
0x3d2: {  	[tilespmem:s24+$0x0] =	vst.add.f32.msk $0xffff, v3  }
0x3d3: {  	v3 =	vld [tilespmem:s21+$0x5210];
	_ =	sdelay $0x3  }
0x3d4: {  	s24 =	sor.u32 $0xCA10, s14  }
0x3d5: {  	[tilespmem:s24+$0x0] =	vst.add.f32.msk $0xffff, v3  }
0x3d6: {  	v3 =	vld [tilespmem:s21+$0x5220];
	_ =	sdelay $0x3  }
0x3d7: {  	s24 =	sor.u32 $0xCA20, s14  }
0x3d8: {  	[tilespmem:s24+$0x0] =	vst.add.f32.msk $0xffff, v3  }
0x3d9: {  	v3 =	vld [tilespmem:s21+$0x5230];
	_ =	sdelay $0x3  }
0x3da: {  	s24 =	sor.u32 $0xCA30, s14  }
0x3db: {  	[tilespmem:s24+$0x0] =	vst.add.f32.msk $0xffff, v3  }
0x3dc: {  	v3 =	vld [tilespmem:s21+$0x5240];
	_ =	sdelay $0x3  }
0x3dd: {  	s24 =	sor.u32 $0xCA40, s14  }
0x3de: {  	[tilespmem:s24+$0x0] =	vst.add.f32.msk $0xffff, v3  }
0x3df: {  	v3 =	vld [tilespmem:s21+$0x5250];
	_ =	sdelay $0x3  }
0x3e0: {  	s24 =	sor.u32 $0xCA50, s14  }
0x3e1: {  	[tilespmem:s24+$0x0] =	vst.add.f32.msk $0xffff, v3  }
0x3e2: {  	v3 =	vld [tilespmem:s21+$0x5260];
	_ =	sdelay $0x3  }
0x3e3: {  	s24 =	sor.u32 $0xCA60, s14  }
0x3e4: {  	[tilespmem:s24+$0x0] =	vst.add.f32.msk $0xffff, v3  }
0x3e5: {  	v3 =	vld [tilespmem:s21+$0x5270];
	_ =	sdelay $0x3  }
0x3e6: {  	s24 =	sor.u32 $0xCA70, s14  }
0x3e7: {  	[tilespmem:s24+$0x0] =	vst.add.f32.msk $0xffff, v3  }
0x3e8: {  	v3 =	vld [tilespmem:s21+$0x5600];
	_ =	sdelay $0x3  }
0x3e9: {  	s24 =	sor.u32 $0xCC00, s14  }
0x3ea: {  	[tilespmem:s24+$0x0] =	vst.add.f32.msk $0xffff, v3  }
0x3eb: {  	v3 =	vld [tilespmem:s21+$0x5610];
	_ =	sdelay $0x3  }
0x3ec: {  	s24 =	sor.u32 $0xCC10, s14  }
0x3ed: {  	[tilespmem:s24+$0x0] =	vst.add.f32.msk $0xffff, v3  }
0x3ee: {  	v3 =	vld [tilespmem:s21+$0x5620];
	_ =	sdelay $0x3  }
0x3ef: {  	s24 =	sor.u32 $0xCC20, s14  }
0x3f0: {  	[tilespmem:s24+$0x0] =	vst.add.f32.msk $0xffff, v3  }
0x3f1: {  	v3 =	vld [tilespmem:s21+$0x5630];
	_ =	sdelay $0x3  }
0x3f2: {  	s24 =	sor.u32 $0xCC30, s14  }
0x3f3: {  	[tilespmem:s24+$0x0] =	vst.add.f32.msk $0xffff, v3  }
0x3f4: {  	v3 =	vld [tilespmem:s21+$0x5640];
	_ =	sdelay $0x3  }
0x3f5: {  	s24 =	sor.u32 $0xCC40, s14  }
0x3f6: {  	[tilespmem:s24+$0x0] =	vst.add.f32.msk $0xffff, v3  }
0x3f7: {  	v3 =	vld [tilespmem:s21+$0x5650];
	_ =	sdelay $0x3  }
0x3f8: {  	s24 =	sor.u32 $0xCC50, s14  }
0x3f9: {  	[tilespmem:s24+$0x0] =	vst.add.f32.msk $0xffff, v3  }
0x3fa: {  	v3 =	vld [tilespmem:s21+$0x5660];
	_ =	sdelay $0x3  }
0x3fb: {  	s24 =	sor.u32 $0xCC60, s14  }
0x3fc: {  	[tilespmem:s24+$0x0] =	vst.add.f32.msk $0xffff, v3  }
0x3fd: {  	v3 =	vld [tilespmem:s21+$0x5670];
	_ =	sdelay $0x3  }
0x3fe: {  	s24 =	sor.u32 $0xCC70, s14  }
0x3ff: {  	[tilespmem:s24+$0x0] =	vst.add.f32.msk $0xffff, v3  }
0x400: {  	v3 =	vld [tilespmem:s21+$0x5A00];
	_ =	sdelay $0x3  }
0x401: {  	s24 =	sor.u32 $0xCE00, s14  }
0x402: {  	[tilespmem:s24+$0x0] =	vst.add.f32.msk $0xffff, v3  }
0x403: {  	v3 =	vld [tilespmem:s21+$0x5A10];
	_ =	sdelay $0x3  }
0x404: {  	s24 =	sor.u32 $0xCE10, s14  }
0x405: {  	[tilespmem:s24+$0x0] =	vst.add.f32.msk $0xffff, v3  }
0x406: {  	v3 =	vld [tilespmem:s21+$0x5A20];
	_ =	sdelay $0x3  }
0x407: {  	s24 =	sor.u32 $0xCE20, s14  }
0x408: {  	[tilespmem:s24+$0x0] =	vst.add.f32.msk $0xffff, v3  }
0x409: {  	v3 =	vld [tilespmem:s21+$0x5A30];
	_ =	sdelay $0x3  }
0x40a: {  	s24 =	sor.u32 $0xCE30, s14  }
0x40b: {  	[tilespmem:s24+$0x0] =	vst.add.f32.msk $0xffff, v3  }
0x40c: {  	v3 =	vld [tilespmem:s21+$0x5A40];
	_ =	sdelay $0x3  }
0x40d: {  	s24 =	sor.u32 $0xCE40, s14  }
0x40e: {  	[tilespmem:s24+$0x0] =	vst.add.f32.msk $0xffff, v3  }
0x40f: {  	v3 =	vld [tilespmem:s21+$0x5A50];
	_ =	sdelay $0x3  }
0x410: {  	s24 =	sor.u32 $0xCE50, s14  }
0x411: {  	[tilespmem:s24+$0x0] =	vst.add.f32.msk $0xffff, v3  }
0x412: {  	v3 =	vld [tilespmem:s21+$0x5A60];
	_ =	sdelay $0x3  }
0x413: {  	s24 =	sor.u32 $0xCE60, s14  }
0x414: {  	[tilespmem:s24+$0x0] =	vst.add.f32.msk $0xffff, v3  }
0x415: {  	v3 =	vld [tilespmem:s21+$0x5A70]  }
0x416: {  	s13 =	sadd.s32 $0x1, s13  }
0x417: {  	s21 =	sand.u32 $0x7, s13  }
0x418: {  	s21 =	sshll.u32 s21, $0x7  }
0x419: {  	s24 =	sor.u32 $0xCE70, s14;
	s21 =	sadd.s32 s21, s20;
	s20 =	smov.u32 s4  }
0x41a: {  	[tilespmem:s24+$0x0] =	vst.add.f32.msk $0xffff, v3;
	s24 =	sor.u32 $0x1C00, s21  }
0x41b: {  	v3 =	vld [tilespmem:s24+$0x4200];
	_ =	sdelay $0x4  }
0x41c: {  	s24 =	sor.u32 $0x1C10, s21;
	[tilespmem:s14+$0xD000] =	vst.add.f32.msk $0xffff, v3  }
0x41d: {  	v3 =	vld [tilespmem:s24+$0x4200];
	_ =	sdelay $0x4  }
0x41e: {  	s24 =	sor.u32 $0x1C20, s21;
	[tilespmem:s14+$0xD010] =	vst.add.f32.msk $0xffff, v3  }
0x41f: {  	v3 =	vld [tilespmem:s24+$0x4200];
	_ =	sdelay $0x4  }
0x420: {  	s24 =	sor.u32 $0x1C30, s21;
	[tilespmem:s14+$0xD020] =	vst.add.f32.msk $0xffff, v3  }
0x421: {  	v3 =	vld [tilespmem:s24+$0x4200];
	_ =	sdelay $0x4  }
0x422: {  	s24 =	sor.u32 $0x1C40, s21;
	[tilespmem:s14+$0xD030] =	vst.add.f32.msk $0xffff, v3  }
0x423: {  	v3 =	vld [tilespmem:s24+$0x4200];
	_ =	sdelay $0x4  }
0x424: {  	s24 =	sor.u32 $0x1C50, s21;
	[tilespmem:s14+$0xD040] =	vst.add.f32.msk $0xffff, v3  }
0x425: {  	v3 =	vld [tilespmem:s24+$0x4200];
	_ =	sdelay $0x4  }
0x426: {  	s24 =	sor.u32 $0x1C60, s21;
	[tilespmem:s14+$0xD050] =	vst.add.f32.msk $0xffff, v3  }
0x427: {  	v3 =	vld [tilespmem:s24+$0x4200];
	_ =	sdelay $0x4  }
0x428: {  	s21 =	sor.u32 $0x1C70, s21;
	[tilespmem:s14+$0xD060] =	vst.add.f32.msk $0xffff, v3  }
.Ltmp1:
0x429: {  	v3 =	vld [tilespmem:s21+$0x4200];
	(pc) =	sbr.rel @p0 .LBB2_5-.Ltmp1, $3  }
0x42a: {  	_ =	sdelay $0x1  }
0x42b: {  	s1 =	sadd.s32 $0x80, s1  }
0x42c: {  	s4 =	sadd.s32 $0x400, s4;
	s24 =	sand.u32 $0x380, s1;
	s21 =	sand.u32 $0x2000, s20  }
0x42d: {  	s4 =	sor.u32 s24, s21;
	[tilespmem:s14+$0xD070] =	vst.add.f32.msk $0xffff, v3  }
0x42e: {  	v3 =	vld [tilespmem:s4+$0x4200];
	_ =	sdelay $0x1  }
0x42f: {  	s25 =	sand.u32 $0x3000, s20;
	s1 =	sand.u32 $0x180, s1  }
0x430: {  	s1 =	sor.u32 s1, s25  }
0x431: {  	s14 =	sor.u32 $0xC200, s1  }
0x432: {  	[tilespmem:s14+$0x0] =	vst.add.f32.msk $0xffff, v3  }
0x433: {  	v3 =	vld [tilespmem:s4+$0x4210];
	_ =	sdelay $0x3  }
0x434: {  	s21 =	sor.u32 $0xC210, s1  }
0x435: {  	[tilespmem:s21+$0x0] =	vst.add.f32.msk $0xffff, v3  }
0x436: {  	v3 =	vld [tilespmem:s4+$0x4220];
	_ =	sdelay $0x3  }
0x437: {  	s24 =	sor.u32 $0xC220, s1  }
0x438: {  	[tilespmem:s24+$0x0] =	vst.add.f32.msk $0xffff, v3  }
0x439: {  	v3 =	vld [tilespmem:s4+$0x4230];
	_ =	sdelay $0x3  }
0x43a: {  	s25 =	sor.u32 $0xC230, s1  }
0x43b: {  	[tilespmem:s25+$0x0] =	vst.add.f32.msk $0xffff, v3  }
0x43c: {  	v3 =	vld [tilespmem:s4+$0x4240];
	_ =	sdelay $0x3  }
0x43d: {  	s21 =	sor.u32 $0xC240, s1  }
0x43e: {  	[tilespmem:s21+$0x0] =	vst.add.f32.msk $0xffff, v3  }
0x43f: {  	v3 =	vld [tilespmem:s4+$0x4250];
	_ =	sdelay $0x3  }
0x440: {  	s24 =	sor.u32 $0xC250, s1  }
0x441: {  	[tilespmem:s24+$0x0] =	vst.add.f32.msk $0xffff, v3  }
0x442: {  	v3 =	vld [tilespmem:s4+$0x4260];
	_ =	sdelay $0x3  }
0x443: {  	s25 =	sor.u32 $0xC260, s1  }
0x444: {  	[tilespmem:s25+$0x0] =	vst.add.f32.msk $0xffff, v3  }
0x445: {  	v3 =	vld [tilespmem:s4+$0x4270];
	_ =	sdelay $0x3  }
0x446: {  	s21 =	sor.u32 $0xC270, s1  }
0x447: {  	[tilespmem:s21+$0x0] =	vst.add.f32.msk $0xffff, v3  }
0x448: {  	v3 =	vld [tilespmem:s4+$0x4600];
	_ =	sdelay $0x3  }
0x449: {  	s24 =	sor.u32 $0xC400, s1  }
0x44a: {  	[tilespmem:s24+$0x0] =	vst.add.f32.msk $0xffff, v3  }
0x44b: {  	v3 =	vld [tilespmem:s4+$0x4610];
	_ =	sdelay $0x3  }
0x44c: {  	s25 =	sor.u32 $0xC410, s1  }
0x44d: {  	[tilespmem:s25+$0x0] =	vst.add.f32.msk $0xffff, v3  }
0x44e: {  	v3 =	vld [tilespmem:s4+$0x4620];
	_ =	sdelay $0x3  }
0x44f: {  	s21 =	sor.u32 $0xC420, s1  }
0x450: {  	[tilespmem:s21+$0x0] =	vst.add.f32.msk $0xffff, v3  }
0x451: {  	v3 =	vld [tilespmem:s4+$0x4630];
	_ =	sdelay $0x3  }
0x452: {  	s24 =	sor.u32 $0xC430, s1  }
0x453: {  	[tilespmem:s24+$0x0] =	vst.add.f32.msk $0xffff, v3  }
0x454: {  	v3 =	vld [tilespmem:s4+$0x4640];
	_ =	sdelay $0x3  }
0x455: {  	s25 =	sor.u32 $0xC440, s1  }
0x456: {  	[tilespmem:s25+$0x0] =	vst.add.f32.msk $0xffff, v3  }
0x457: {  	v3 =	vld [tilespmem:s4+$0x4650];
	_ =	sdelay $0x3  }
0x458: {  	s21 =	sor.u32 $0xC450, s1  }
0x459: {  	[tilespmem:s21+$0x0] =	vst.add.f32.msk $0xffff, v3  }
0x45a: {  	v3 =	vld [tilespmem:s4+$0x4660];
	_ =	sdelay $0x3  }
0x45b: {  	s24 =	sor.u32 $0xC460, s1  }
0x45c: {  	[tilespmem:s24+$0x0] =	vst.add.f32.msk $0xffff, v3  }
0x45d: {  	v3 =	vld [tilespmem:s4+$0x4670];
	_ =	sdelay $0x3  }
0x45e: {  	s25 =	sor.u32 $0xC470, s1  }
0x45f: {  	[tilespmem:s25+$0x0] =	vst.add.f32.msk $0xffff, v3  }
0x460: {  	v3 =	vld [tilespmem:s4+$0x4A00];
	_ =	sdelay $0x3  }
0x461: {  	s21 =	sor.u32 $0xC600, s1  }
0x462: {  	[tilespmem:s21+$0x0] =	vst.add.f32.msk $0xffff, v3  }
0x463: {  	v3 =	vld [tilespmem:s4+$0x4A10];
	_ =	sdelay $0x3  }
0x464: {  	s24 =	sor.u32 $0xC610, s1  }
0x465: {  	[tilespmem:s24+$0x0] =	vst.add.f32.msk $0xffff, v3  }
0x466: {  	v3 =	vld [tilespmem:s4+$0x4A20];
	_ =	sdelay $0x3  }
0x467: {  	s25 =	sor.u32 $0xC620, s1  }
0x468: {  	[tilespmem:s25+$0x0] =	vst.add.f32.msk $0xffff, v3  }
0x469: {  	v3 =	vld [tilespmem:s4+$0x4A30];
	_ =	sdelay $0x3  }
0x46a: {  	s21 =	sor.u32 $0xC630, s1  }
0x46b: {  	[tilespmem:s21+$0x0] =	vst.add.f32.msk $0xffff, v3  }
0x46c: {  	v3 =	vld [tilespmem:s4+$0x4A40];
	_ =	sdelay $0x3  }
0x46d: {  	s24 =	sor.u32 $0xC640, s1  }
0x46e: {  	[tilespmem:s24+$0x0] =	vst.add.f32.msk $0xffff, v3  }
0x46f: {  	v3 =	vld [tilespmem:s4+$0x4A50];
	_ =	sdelay $0x3  }
0x470: {  	s25 =	sor.u32 $0xC650, s1  }
0x471: {  	[tilespmem:s25+$0x0] =	vst.add.f32.msk $0xffff, v3  }
0x472: {  	v3 =	vld [tilespmem:s4+$0x4A60];
	_ =	sdelay $0x3  }
0x473: {  	s21 =	sor.u32 $0xC660, s1  }
0x474: {  	[tilespmem:s21+$0x0] =	vst.add.f32.msk $0xffff, v3  }
0x475: {  	v3 =	vld [tilespmem:s4+$0x4A70];
	_ =	sdelay $0x3  }
0x476: {  	s24 =	sor.u32 $0xC670, s1  }
0x477: {  	[tilespmem:s24+$0x0] =	vst.add.f32.msk $0xffff, v3  }
0x478: {  	v3 =	vld [tilespmem:s4+$0x4E00];
	_ =	sdelay $0x3  }
0x479: {  	s25 =	sor.u32 $0xC800, s1  }
0x47a: {  	[tilespmem:s25+$0x0] =	vst.add.f32.msk $0xffff, v3  }
0x47b: {  	v3 =	vld [tilespmem:s4+$0x4E10];
	_ =	sdelay $0x3  }
0x47c: {  	s21 =	sor.u32 $0xC810, s1  }
0x47d: {  	[tilespmem:s21+$0x0] =	vst.add.f32.msk $0xffff, v3  }
0x47e: {  	v3 =	vld [tilespmem:s4+$0x4E20];
	_ =	sdelay $0x3  }
0x47f: {  	s24 =	sor.u32 $0xC820, s1  }
0x480: {  	[tilespmem:s24+$0x0] =	vst.add.f32.msk $0xffff, v3  }
0x481: {  	v3 =	vld [tilespmem:s4+$0x4E30];
	_ =	sdelay $0x3  }
0x482: {  	s25 =	sor.u32 $0xC830, s1  }
0x483: {  	[tilespmem:s25+$0x0] =	vst.add.f32.msk $0xffff, v3  }
0x484: {  	v3 =	vld [tilespmem:s4+$0x4E40];
	_ =	sdelay $0x3  }
0x485: {  	s21 =	sor.u32 $0xC840, s1  }
0x486: {  	[tilespmem:s21+$0x0] =	vst.add.f32.msk $0xffff, v3  }
0x487: {  	v3 =	vld [tilespmem:s4+$0x4E50];
	_ =	sdelay $0x3  }
0x488: {  	s24 =	sor.u32 $0xC850, s1  }
0x489: {  	[tilespmem:s24+$0x0] =	vst.add.f32.msk $0xffff, v3  }
0x48a: {  	v3 =	vld [tilespmem:s4+$0x4E60];
	_ =	sdelay $0x3  }
0x48b: {  	s25 =	sor.u32 $0xC860, s1  }
0x48c: {  	[tilespmem:s25+$0x0] =	vst.add.f32.msk $0xffff, v3  }
0x48d: {  	v3 =	vld [tilespmem:s4+$0x4E70];
	_ =	sdelay $0x3  }
0x48e: {  	s21 =	sor.u32 $0xC870, s1  }
0x48f: {  	[tilespmem:s21+$0x0] =	vst.add.f32.msk $0xffff, v3  }
0x490: {  	v3 =	vld [tilespmem:s4+$0x5200];
	_ =	sdelay $0x3  }
0x491: {  	s24 =	sor.u32 $0xCA00, s1  }
0x492: {  	[tilespmem:s24+$0x0] =	vst.add.f32.msk $0xffff, v3  }
0x493: {  	v3 =	vld [tilespmem:s4+$0x5210];
	_ =	sdelay $0x3  }
0x494: {  	s25 =	sor.u32 $0xCA10, s1  }
0x495: {  	[tilespmem:s25+$0x0] =	vst.add.f32.msk $0xffff, v3  }
0x496: {  	v3 =	vld [tilespmem:s4+$0x5220];
	_ =	sdelay $0x3  }
0x497: {  	s21 =	sor.u32 $0xCA20, s1  }
0x498: {  	[tilespmem:s21+$0x0] =	vst.add.f32.msk $0xffff, v3  }
0x499: {  	v3 =	vld [tilespmem:s4+$0x5230];
	_ =	sdelay $0x3  }
0x49a: {  	s24 =	sor.u32 $0xCA30, s1  }
0x49b: {  	[tilespmem:s24+$0x0] =	vst.add.f32.msk $0xffff, v3  }
0x49c: {  	v3 =	vld [tilespmem:s4+$0x5240];
	_ =	sdelay $0x3  }
0x49d: {  	s25 =	sor.u32 $0xCA40, s1  }
0x49e: {  	[tilespmem:s25+$0x0] =	vst.add.f32.msk $0xffff, v3  }
0x49f: {  	v3 =	vld [tilespmem:s4+$0x5250];
	_ =	sdelay $0x3  }
0x4a0: {  	s21 =	sor.u32 $0xCA50, s1  }
0x4a1: {  	[tilespmem:s21+$0x0] =	vst.add.f32.msk $0xffff, v3  }
0x4a2: {  	v3 =	vld [tilespmem:s4+$0x5260];
	_ =	sdelay $0x3  }
0x4a3: {  	s24 =	sor.u32 $0xCA60, s1  }
0x4a4: {  	[tilespmem:s24+$0x0] =	vst.add.f32.msk $0xffff, v3  }
0x4a5: {  	v3 =	vld [tilespmem:s4+$0x5270];
	_ =	sdelay $0x3  }
0x4a6: {  	s25 =	sor.u32 $0xCA70, s1  }
0x4a7: {  	[tilespmem:s25+$0x0] =	vst.add.f32.msk $0xffff, v3  }
0x4a8: {  	v3 =	vld [tilespmem:s4+$0x5600];
	_ =	sdelay $0x3  }
0x4a9: {  	s21 =	sor.u32 $0xCC00, s1  }
0x4aa: {  	[tilespmem:s21+$0x0] =	vst.add.f32.msk $0xffff, v3  }
0x4ab: {  	v3 =	vld [tilespmem:s4+$0x5610];
	_ =	sdelay $0x3  }
0x4ac: {  	s24 =	sor.u32 $0xCC10, s1  }
0x4ad: {  	[tilespmem:s24+$0x0] =	vst.add.f32.msk $0xffff, v3  }
0x4ae: {  	v3 =	vld [tilespmem:s4+$0x5620];
	_ =	sdelay $0x3  }
0x4af: {  	s25 =	sor.u32 $0xCC20, s1  }
0x4b0: {  	[tilespmem:s25+$0x0] =	vst.add.f32.msk $0xffff, v3  }
0x4b1: {  	v3 =	vld [tilespmem:s4+$0x5630];
	_ =	sdelay $0x3  }
0x4b2: {  	s21 =	sor.u32 $0xCC30, s1  }
0x4b3: {  	[tilespmem:s21+$0x0] =	vst.add.f32.msk $0xffff, v3  }
0x4b4: {  	v3 =	vld [tilespmem:s4+$0x5640];
	_ =	sdelay $0x3  }
0x4b5: {  	s24 =	sor.u32 $0xCC40, s1  }
0x4b6: {  	[tilespmem:s24+$0x0] =	vst.add.f32.msk $0xffff, v3  }
0x4b7: {  	v3 =	vld [tilespmem:s4+$0x5650];
	_ =	sdelay $0x3  }
0x4b8: {  	s25 =	sor.u32 $0xCC50, s1  }
0x4b9: {  	[tilespmem:s25+$0x0] =	vst.add.f32.msk $0xffff, v3  }
0x4ba: {  	v3 =	vld [tilespmem:s4+$0x5660];
	_ =	sdelay $0x3  }
0x4bb: {  	s21 =	sor.u32 $0xCC60, s1  }
0x4bc: {  	[tilespmem:s21+$0x0] =	vst.add.f32.msk $0xffff, v3  }
0x4bd: {  	v3 =	vld [tilespmem:s4+$0x5670];
	_ =	sdelay $0x3  }
0x4be: {  	s24 =	sor.u32 $0xCC70, s1  }
0x4bf: {  	[tilespmem:s24+$0x0] =	vst.add.f32.msk $0xffff, v3  }
0x4c0: {  	v3 =	vld [tilespmem:s4+$0x5A00];
	_ =	sdelay $0x3  }
0x4c1: {  	s25 =	sor.u32 $0xCE00, s1  }
0x4c2: {  	[tilespmem:s25+$0x0] =	vst.add.f32.msk $0xffff, v3  }
0x4c3: {  	v3 =	vld [tilespmem:s4+$0x5A10];
	_ =	sdelay $0x3  }
0x4c4: {  	s21 =	sor.u32 $0xCE10, s1  }
0x4c5: {  	[tilespmem:s21+$0x0] =	vst.add.f32.msk $0xffff, v3  }
0x4c6: {  	v3 =	vld [tilespmem:s4+$0x5A20];
	_ =	sdelay $0x3  }
0x4c7: {  	s24 =	sor.u32 $0xCE20, s1  }
0x4c8: {  	[tilespmem:s24+$0x0] =	vst.add.f32.msk $0xffff, v3  }
0x4c9: {  	v3 =	vld [tilespmem:s4+$0x5A30];
	_ =	sdelay $0x3  }
0x4ca: {  	s25 =	sor.u32 $0xCE30, s1  }
0x4cb: {  	[tilespmem:s25+$0x0] =	vst.add.f32.msk $0xffff, v3  }
0x4cc: {  	v3 =	vld [tilespmem:s4+$0x5A40];
	_ =	sdelay $0x3  }
0x4cd: {  	s21 =	sor.u32 $0xCE40, s1  }
0x4ce: {  	[tilespmem:s21+$0x0] =	vst.add.f32.msk $0xffff, v3  }
0x4cf: {  	v3 =	vld [tilespmem:s4+$0x5A50];
	_ =	sdelay $0x3  }
0x4d0: {  	s24 =	sor.u32 $0xCE50, s1  }
0x4d1: {  	[tilespmem:s24+$0x0] =	vst.add.f32.msk $0xffff, v3  }
0x4d2: {  	v3 =	vld [tilespmem:s4+$0x5A60];
	_ =	sdelay $0x3  }
0x4d3: {  	s25 =	sor.u32 $0xCE60, s1  }
0x4d4: {  	[tilespmem:s25+$0x0] =	vst.add.f32.msk $0xffff, v3  }
0x4d5: {  	v3 =	vld [tilespmem:s4+$0x5A70]  }
0x4d6: {  	s13 =	sadd.s32 $0x1, s13  }
0x4d7: {  	s4 =	sand.u32 $0x7, s13  }
0x4d8: {  	s4 =	sshll.u32 s4, $0x7  }
0x4d9: {  	s14 =	sor.u32 $0xCE70, s1;
	s4 =	sadd.s32 s4, s20  }
0x4da: {  	s21 =	sor.u32 $0x1C00, s4;
	[tilespmem:s14+$0x0] =	vst.add.f32.msk $0xffff, v3  }
0x4db: {  	v3 =	vld [tilespmem:s21+$0x4200];
	_ =	sdelay $0x4  }
0x4dc: {  	s24 =	sor.u32 $0x1C10, s4;
	[tilespmem:s1+$0xD000] =	vst.add.f32.msk $0xffff, v3  }
0x4dd: {  	v3 =	vld [tilespmem:s24+$0x4200];
	_ =	sdelay $0x4  }
0x4de: {  	s25 =	sor.u32 $0x1C20, s4;
	[tilespmem:s1+$0xD010] =	vst.add.f32.msk $0xffff, v3  }
0x4df: {  	v3 =	vld [tilespmem:s25+$0x4200];
	_ =	sdelay $0x4  }
0x4e0: {  	s14 =	sor.u32 $0x1C30, s4;
	[tilespmem:s1+$0xD020] =	vst.add.f32.msk $0xffff, v3  }
0x4e1: {  	v3 =	vld [tilespmem:s14+$0x4200];
	_ =	sdelay $0x4  }
0x4e2: {  	s20 =	sor.u32 $0x1C40, s4;
	[tilespmem:s1+$0xD030] =	vst.add.f32.msk $0xffff, v3  }
0x4e3: {  	v3 =	vld [tilespmem:s20+$0x4200];
	_ =	sdelay $0x4  }
0x4e4: {  	s21 =	sor.u32 $0x1C50, s4;
	[tilespmem:s1+$0xD040] =	vst.add.f32.msk $0xffff, v3  }
0x4e5: {  	v3 =	vld [tilespmem:s21+$0x4200];
	_ =	sdelay $0x4  }
0x4e6: {  	s24 =	sor.u32 $0x1C60, s4;
	[tilespmem:s1+$0xD050] =	vst.add.f32.msk $0xffff, v3  }
0x4e7: {  	v3 =	vld [tilespmem:s24+$0x4200];
	_ =	sdelay $0x4  }
0x4e8: {  	s4 =	sor.u32 $0x1C70, s4;
	[tilespmem:s1+$0xD060] =	vst.add.f32.msk $0xffff, v3  }
0x4e9: {  	s22 =	sadd.s32 $0x1, s22;
	v3 =	vld [tilespmem:s4+$0x4200]  }
0x4ea: {  	p0 =	sne.s32 s22, $0x10  }
.Ltmp2:
0x4eb: {  	_ = 	snop;
	(pc) =	sbr.rel @p0 .LBB2_2-.Ltmp2, $3  }
0x4ec: {  	_ =	sdelay $0x1  }
0x4ed: {  	s25 =	sadd.s32 s28, s7;
	[tilespmem:s1+$0xD070] =	vst.add.f32.msk $0xffff, v3  }
0x4ee: {  	[hbm4b:s25+s5] =	stream.linear.scatter [tilespmem:s3], [sflag:$0x6], $0x4000, $0x38;
	[tilespmem:$0x10200] =	vst v63  }
0x4ef: {  	s4 =	simm.s32 $0x6  }
0x4f0: {  	_ =	swait.ge [sflag:s4], $0x4000  }
0x4f1: {  	s7 =	rddreg [dreg:$0x7]  }
0x4f2: {  	s1 =	rddreg [dreg:$0x6];
	s7 =	sadd.s32 $0x1, s7  }
0x4f3: {  	p0 =	sne.s32 s7, s1  }
.Ltmp3:
0x4f4: {  	_ = 	snop;
	(pc) =	sbr.rel @p0 .LBB2_1-.Ltmp3, $3  }
0x4f5: {  	_ =	sdelay $0x1  }
0x4f6: {  	[sflag:s4] =	ssyncset.done $0x0  }
0x4f7: {  	[sflag:s4] =	ssyncadd.s32 $0xFFFFC000  }
0x4f8: {  	_ =	sfence.sel $0x180000  }
0x4f9: {  	[bflag:$0x0] =	sbarrier.arrive $0xFFFF  }
0x4fa: {  	_ =	strace $0x90000047  }
0x4fb: {  	s0 =	stileid.u32;
	[bflag:$0x2] =	sbarrier.arrive $0xFFFF  }
0x4fc: {  	p0 =	sne.s32 s0, $0x0;
	s0 =	rddreg [dreg:$0x4]  }
0x4fd: {  	s0 =	sadd.s32 @!p0 $0x100000, s0  }
0x4fe: {  	[sflag:s0] =	ssyncadd.tile.s32 @!p0 $0x1;
	_ =	shalt  }
.Lfunc_end2:
_tile_overlayer_lowered:
.L_overlay_start_2:
0x4ff: {  	(tag) =	ssettag $0x2  }
0x500: {  	s0 =	rddreg [dreg:$0x0];
	s2 =	stileid.u32  }
0x501: {  	s1 =	rddreg [dreg:$0x1];
	p0 =	sne.s32 s2, $0x0  }
0x502: {  	s3 =	rddreg [dreg:$0x2];
	[bflag:$0x3] =	sbarrier.arrive $0xFFFF;
	s2 =	simm.s32 @!p0 $0x1C07  }
0x503: {  	[timem:s3], [sflag:s2] =	dma.local @!p0 [hbm:s0], s1  }
0x504: {  	s0 =	simm.s32 @!p0 $0x7  }
0x505: {  	_ =	swait.ge @!p0 [sflag:s0], s1  }
0x506: {  	s1 =	ssub.s32 @!p0 $0x0, s1;
	[sflag:s0] =	ssyncset.done @!p0 $0x0  }
0x507: {  	[sflag:s0] =	ssyncadd.s32 @!p0 s1  }
0x508: {  	[bflag:$0x3] =	sbarrier.arrive $0xFFFF  }
0x509: {  	_ =	shalt  }

</sc_bundles>
